<compile_context>
chip_gen: v7x
topology: tpu7x:2x2x1
jax: 0.10.2.dev20260603
libtpu: 0.0.44.dev20260713+nightly
codegen_flags: <defaults>
</compile_context>

<pallas_src>
import jax
import jax.numpy as jnp
from jax import lax
from jax.experimental import pallas as pl
from jax.experimental.pallas import tpu as pltpu
from jax.experimental.pallas import tpu_sc as plsc

_NC = 2
_NS = 16
_L = 16
_NW = _NC * _NS

_ROWS = 128
_COLS = 32768
_SCROWS = 32
_TCROWS = _ROWS - _SCROWS
_RPW = _SCROWS // _NW
_CW = 16384
_NCHUNK = _COLS // _CW
_UNROLL = 4
_NEG = float("-inf")

_GV = 32
_CGRP = _RPW * _CW // (_GV * _L)
_CHE = _RPW * _CW


def _insert5(stack, v):
    out = []
    for t in range(5):
        hi = jnp.maximum(stack[t], v)
        v = jnp.minimum(stack[t], v)
        out.append(hi)
    return out


def _sc_body(x_hbm, out_hbm, buf0, buf1, gsum, cand, obuf, sem0, sem1):
    wid = lax.axis_index("s") * _NC + lax.axis_index("c")
    row0 = _TCROWS + wid * _RPW

    bufs = (buf0, buf1)
    sems = (sem0, sem1)

    neg = jnp.full((_L,), _NEG, dtype=jnp.float32)
    iota = lax.iota(jnp.int32, _L)

    def dyn_start(kk, h):
        for j in range(_RPW):
            pltpu.make_async_copy(
                x_hbm.at[row0 + j, pl.ds(kk * _CW, _CW)],
                bufs[h].at[pl.ds(j * _CW, _CW)], sems[h]).start()

    def dyn_wait(kk, h):
        for j in range(_RPW):
            pltpu.make_async_copy(
                x_hbm.at[row0 + j, pl.ds(kk * _CW, _CW)],
                bufs[h].at[pl.ds(j * _CW, _CW)], sems[h]).wait()

    dyn_start(0, 0)
    dyn_start(1, 1)

    def pair(it, carry):
        for h in range(2):
            kk = it * 2 + h
            buf = bufs[h]
            dyn_wait(kk, h)

            @plsc.parallel_loop(0, _CGRP, unroll=1, carry=neg)
            def sm_chunk(i, c, buf=buf):
                base = i * _GV * _L
                vs = [buf[pl.ds(base + t * _L, _L)] for t in range(_GV)]
                while len(vs) > 1:
                    vs = [jnp.maximum(vs[p], vs[p + 1])
                          for p in range(0, len(vs) - 1, 2)] + (
                              [vs[-1]] if len(vs) % 2 else [])
                gsum[pl.ds(i * _L, _L)] = vs[0]
                return jnp.maximum(c, vs[0])

            m_run = jnp.maximum(carry[0], sm_chunk)
            srt = jnp.sort(m_run)
            thr = jnp.max(jnp.where(iota == _L - 5, srt, _NEG))
            hit = jnp.any(sm_chunk >= thr)

            def docollect(_):
                def cstep(q, p):
                    m = gsum[pl.ds(q * _L, _L)]
                    h2 = jnp.any(m >= thr)
                    cand[p] = q
                    return p + h2.astype(jnp.int32)
                return lax.fori_loop(0, _CGRP, cstep, jnp.int32(0))

            p_k = lax.cond(hit, docollect, lambda _: jnp.int32(0), 0)

            def rstep(c, f, buf=buf):
                base = cand[c] * (_GV * _L)

                def ustep(u, ff, buf=buf, base=base):
                    fl = list(ff)
                    for w in range(_UNROLL):
                        v = buf[pl.ds(base + (u * _UNROLL + w) * _L, _L)]
                        fl[w * 5:(w + 1) * 5] = _insert5(
                            fl[w * 5:(w + 1) * 5], v)
                    return tuple(fl)

                return lax.fori_loop(0, _GV // _UNROLL, ustep, f)

            F = lax.fori_loop(0, p_k, rstep, carry[1:])

            @pl.when(kk + 2 < _NCHUNK)
            def _(kk=kk, h=h):
                dyn_start(kk + 2, h)

            carry = (m_run,) + tuple(F)
        return carry

    carry = lax.fori_loop(0, _NCHUNK // 2, pair,
                          (neg,) + tuple(neg for _ in range(5 * _UNROLL)))
    F = carry[1:]

    merged = list(F[0:5])
    for w in range(1, _UNROLL):
        for t in range(5):
            merged = _insert5(merged, F[w * 5 + t])

    for t in range(5):
        obuf[pl.ds(t * _L, _L)] = merged[t]
    pltpu.sync_copy(obuf, out_hbm.at[wid])


def _sc_topk_candidates(x):
    mesh = plsc.VectorSubcoreMesh(core_axis_name="c", subcore_axis_name="s",
                                  num_cores=_NC, num_subcores=_NS)
    k = pl.kernel(
        _sc_body,
        out_type=jax.ShapeDtypeStruct((_NW, 5 * _L), jnp.float32),
        mesh=mesh,
        scratch_types=[
            pltpu.VMEM((_CHE,), jnp.float32),
            pltpu.VMEM((_CHE,), jnp.float32),
            pltpu.VMEM((_CGRP * _L,), jnp.float32),
            pltpu.SMEM((_CGRP,), jnp.int32),
            pltpu.VMEM((5 * _L,), jnp.float32),
            pltpu.SemaphoreType.DMA,
            pltpu.SemaphoreType.DMA,
        ],
        compiler_params=pltpu.CompilerParams(needs_layout_passes=False),
    )
    return k(x)


_TCB = 4096
_TCG = _COLS // _TCB


def _tc_body(x_ref, o_ref, acc):
    @pl.when(pl.program_id(0) == 0)
    def _init():
        acc[...] = jnp.full((5, 8, 128), _NEG, jnp.float32)

    A = tuple(acc[t] for t in range(5))

    def cstep(c, a):
        a = list(a)
        for r in range(_TCROWS // 8):
            v = x_ref[pl.ds(r * 8, 8), pl.ds(c * 128, 128)]
            a = _insert5(a, v)
        return tuple(a)

    A = lax.fori_loop(0, _TCB // 128, cstep, A)
    for t in range(5):
        acc[t] = A[t]

    @pl.when(pl.program_id(0) == pl.num_programs(0) - 1)
    def _out():
        x = acc[...]
        li = (lax.broadcasted_iota(jnp.int32, (5, 8, 128), 0) * 1024
              + lax.broadcasted_iota(jnp.int32, (5, 8, 128), 1) * 128
              + lax.broadcasted_iota(jnp.int32, (5, 8, 128), 2))
        ri = lax.broadcasted_iota(jnp.int32, (8, 128), 0)
        ci = lax.broadcasted_iota(jnp.int32, (8, 128), 1)
        big = jnp.int32(2 ** 30)
        out = jnp.full((8, 128), _NEG, jnp.float32)
        for r in range(5):
            t = jnp.max(x)
            fi = jnp.min(jnp.where(x == t, li, big))
            x = jnp.where(li == fi, _NEG, x)
            out = jnp.where((ri == 0) & (ci == r), t, out)
        o_ref[...] = out


def _tc_topk_candidates(x):
    return pl.pallas_call(
        _tc_body,
        grid=(_TCG,),
        in_specs=[pl.BlockSpec((_TCROWS, _TCB), lambda i: (0, i))],
        out_specs=pl.BlockSpec((8, 128), lambda i: (0, 0)),
        out_shape=jax.ShapeDtypeStruct((8, 128), jnp.float32),
        scratch_shapes=[pltpu.VMEM((5, 8, 128), jnp.float32)],
    )(x)


def _merge_body(c1_ref, c2_ref, yt_ref, o_ref):
    x1 = c1_ref[...]
    x2 = c2_ref[...]
    r1, l1 = x1.shape
    r2, l2 = x2.shape
    li1 = (lax.broadcasted_iota(jnp.int32, (r1, l1), 0) * l1
           + lax.broadcasted_iota(jnp.int32, (r1, l1), 1))
    li2 = (lax.broadcasted_iota(jnp.int32, (r2, l2), 0) * l2
           + lax.broadcasted_iota(jnp.int32, (r2, l2), 1) + r1 * l1)
    big = jnp.int32(2 ** 30)
    prod = jnp.float32(1.0)
    for _ in range(5):
        t = jnp.maximum(jnp.max(x1), jnp.max(x2))
        fi = jnp.minimum(jnp.min(jnp.where(x1 == t, li1, big)),
                         jnp.min(jnp.where(x2 == t, li2, big)))
        x1 = jnp.where(li1 == fi, _NEG, x1)
        x2 = jnp.where(li2 == fi, _NEG, x2)
        prod = prod * (jnp.float32(1.0) - t)
    y_site = jnp.float32(1.0) - prod
    d = y_site - yt_ref[0, 0]
    o_ref[0, 0] = d * d


def _merge_loss(c1, c2, y_true):
    return pl.pallas_call(
        _merge_body,
        out_shape=jax.ShapeDtypeStruct((1, 1), jnp.float32),
        in_specs=[
            pl.BlockSpec(memory_space=pltpu.VMEM),
            pl.BlockSpec(memory_space=pltpu.VMEM),
            pl.BlockSpec(memory_space=pltpu.SMEM),
        ],
        out_specs=pl.BlockSpec(memory_space=pltpu.SMEM),
    )(c1, c2, y_true)


def kernel(y_pred, y_true):
    cands_sc = _sc_topk_candidates(y_pred)
    cands_tc = _tc_topk_candidates(y_pred)
    loss = _merge_loss(cands_sc, cands_tc, y_true.reshape(1, 1))
    return loss.reshape(1)

# --- scband reference (transcript-rebuilt; emitter-appended) ---
"""Pipeline reference for scband-self-defined-siteloss-15255723836050 (READ-ONLY COPY).

The authoritative reference and input builder live on the scoring server;
editing this copy changes nothing except your own understanding.
"""

import jax, jax.numpy as jnp
import numpy as np


def setup_inputs(seed: int = 0) -> dict:
    key = jax.random.key(seed)
    k1, k2 = jax.random.split(key)
    y_pred = jax.random.uniform(k1, (128, 32768), dtype=jnp.float32)
    y_true = jax.random.uniform(k2, (1,), dtype=jnp.float32)
    return {"y_pred": y_pred, "y_true": y_true}


def reference(y_pred, y_true):
    yp = y_pred.reshape(-1)
    y_pred_top5, _ = jax.lax.top_k(yp, 5)
    mean = jnp.mean(yp)  # computed in original forward (unused)
    y_site = 1.0 - jnp.prod(1.0 - y_pred_top5, axis=-1)
    loss = jnp.power(y_site - y_true, 2)
    return loss

if __name__ == "__main__":
    import jax
    _d = setup_inputs()
    print(jax.jit(kernel)(*tuple(_d.values())))

</pallas_src>

<mosaic_0001>
#map = affine_map<(d0, d1) -> (0, 0)>
module attributes {stable_mosaic.version = 14 : i64} {
  func.func @_sc_body(%arg0: i32, %arg1: i32, %arg2: memref<128x32768xf32, #tpu.memory_space<hbm>>, %arg3: memref<32x80xf32, #tpu.memory_space<hbm>>, %arg4: memref<16384xf32, #tpu.memory_space<vmem>>, %arg5: memref<16384xf32, #tpu.memory_space<vmem>>, %arg6: memref<512xf32, #tpu.memory_space<vmem>>, %arg7: memref<32xi32, #tpu.memory_space<smem>>, %arg8: memref<80xf32, #tpu.memory_space<vmem>>, %arg9: memref<!tpu.dma_semaphore, #tpu.memory_space<semaphore_mem>>, %arg10: memref<!tpu.dma_semaphore, #tpu.memory_space<semaphore_mem>>) attributes {dimension_semantics = [#tpu.dimension_semantics<core_parallel>, #tpu.dimension_semantics<subcore_parallel>], iteration_bounds = array<i64: 2, 16>, scalar_prefetch = 0 : i64, scratch_operands = 7 : i64, tpu.core_type = #tpu.core_type<sc_vector_subcore>, window_params = [{transform_indices = #map}, {transform_indices = #map}]} {
    %mul3A = arith.constant 2 : i32
    %mul3A_0 = arith.muli %arg1, %mul3A : i32
    %add3A = arith.addi %mul3A_0, %arg0 : i32
    %mul3A_1 = arith.constant 1 : i32
    %mul3A_2 = arith.muli %add3A, %mul3A_1 : i32
    %add3A_3 = arith.constant 96 : i32
    %add3A_4 = arith.addi %add3A_3, %mul3A_2 : i32
    %broadcast_in_dim3A = arith.constant 0xFF800000 : f32
    %broadcast_in_dim3A_5 = vector.broadcast %broadcast_in_dim3A : f32 to vector<16xf32>
    %iota3A = tpu.iota {dimensions = array<i32: 0>} : vector<16xi32>
    %add3A_6 = arith.constant 0 : i32
    %add3A_7 = arith.addi %add3A_4, %add3A_6 : i32
    %dma_start3A = arith.constant 0 : i32
    %dma_start3A_8 = tpu.memref_slice %arg4[%dma_start3A] : memref<16384xf32, #tpu.memory_space<vmem>> -> memref<16384xf32, #tpu.memory_space<vmem>>
    %dma_start3A_9 = arith.constant 0 : i32
    %dma_start3A_10 = tpu.memref_slice %arg2[%add3A_7, %dma_start3A_9] : memref<128x32768xf32, #tpu.memory_space<hbm>> -> memref<1x16384xf32, #tpu.memory_space<hbm>>
    %dma_start3A_11 = tpu.memref_squeeze %dma_start3A_10 : memref<1x16384xf32, #tpu.memory_space<hbm>> -> memref<16384xf32, #tpu.memory_space<hbm>>
    %dma_start3A_12 = arith.constant 0 : i32
    %dma_start3A_13 = tpu.memref_slice %arg4[%dma_start3A_12] : memref<16384xf32, #tpu.memory_space<vmem>> -> memref<16384xf32, #tpu.memory_space<vmem>>
    %dma_start3A_14 = arith.constant 0 : i32
    %dma_start3A_15 = tpu.memref_slice %arg2[%add3A_7, %dma_start3A_14] : memref<128x32768xf32, #tpu.memory_space<hbm>> -> memref<1x16384xf32, #tpu.memory_space<hbm>>
    %dma_start3A_16 = tpu.memref_squeeze %dma_start3A_15 : memref<1x16384xf32, #tpu.memory_space<hbm>> -> memref<16384xf32, #tpu.memory_space<hbm>>
    tpu.enqueue_dma source(%dma_start3A_16 : memref<16384xf32, #tpu.memory_space<hbm>>) target(%dma_start3A_13 : memref<16384xf32, #tpu.memory_space<vmem>>) target_semaphore(%arg9 : memref<!tpu.dma_semaphore, #tpu.memory_space<semaphore_mem>>)
    %add3A_17 = arith.constant 0 : i32
    %add3A_18 = arith.addi %add3A_4, %add3A_17 : i32
    %dma_start3A_19 = arith.constant 0 : i32
    %dma_start3A_20 = tpu.memref_slice %arg5[%dma_start3A_19] : memref<16384xf32, #tpu.memory_space<vmem>> -> memref<16384xf32, #tpu.memory_space<vmem>>
    %dma_start3A_21 = arith.constant 16384 : i32
    %dma_start3A_22 = tpu.memref_slice %arg2[%add3A_18, %dma_start3A_21] : memref<128x32768xf32, #tpu.memory_space<hbm>> -> memref<1x16384xf32, #tpu.memory_space<hbm>>
    %dma_start3A_23 = tpu.memref_squeeze %dma_start3A_22 : memref<1x16384xf32, #tpu.memory_space<hbm>> -> memref<16384xf32, #tpu.memory_space<hbm>>
    %dma_start3A_24 = arith.constant 0 : i32
    %dma_start3A_25 = tpu.memref_slice %arg5[%dma_start3A_24] : memref<16384xf32, #tpu.memory_space<vmem>> -> memref<16384xf32, #tpu.memory_space<vmem>>
    %dma_start3A_26 = arith.constant 16384 : i32
    %dma_start3A_27 = tpu.memref_slice %arg2[%add3A_18, %dma_start3A_26] : memref<128x32768xf32, #tpu.memory_space<hbm>> -> memref<1x16384xf32, #tpu.memory_space<hbm>>
    %dma_start3A_28 = tpu.memref_squeeze %dma_start3A_27 : memref<1x16384xf32, #tpu.memory_space<hbm>> -> memref<16384xf32, #tpu.memory_space<hbm>>
    tpu.enqueue_dma source(%dma_start3A_28 : memref<16384xf32, #tpu.memory_space<hbm>>) target(%dma_start3A_25 : memref<16384xf32, #tpu.memory_space<vmem>>) target_semaphore(%arg10 : memref<!tpu.dma_semaphore, #tpu.memory_space<semaphore_mem>>)
    %scan3A = arith.constant 0 : i32
    %mul3A_29 = arith.constant 2 : i32
    %mul3A_30 = arith.muli %scan3A, %mul3A_29 : i32
    %add3A_31 = arith.constant 0 : i32
    %add3A_32 = arith.addi %mul3A_30, %add3A_31 : i32
    %add3A_33 = arith.constant 0 : i32
    %add3A_34 = arith.addi %add3A_4, %add3A_33 : i32
    %mul3A_35 = arith.constant 16384 : i32
    %mul3A_36 = arith.muli %add3A_32, %mul3A_35 : i32
    %dma_wait3A = arith.constant 0 : i32
    %dma_wait3A_37 = tpu.memref_slice %arg4[%dma_wait3A] : memref<16384xf32, #tpu.memory_space<vmem>> -> memref<16384xf32, #tpu.memory_space<vmem>>
    %dma_wait3A_38 = tpu.memref_slice %arg2[%add3A_34, %mul3A_36] : memref<128x32768xf32, #tpu.memory_space<hbm>> -> memref<1x16384xf32, #tpu.memory_space<hbm>>
    %dma_wait3A_39 = tpu.memref_squeeze %dma_wait3A_38 : memref<1x16384xf32, #tpu.memory_space<hbm>> -> memref<16384xf32, #tpu.memory_space<hbm>>
    %dma_wait3A_40 = arith.constant 0 : i32
    %dma_wait3A_41 = tpu.memref_slice %arg4[%dma_wait3A_40] : memref<16384xf32, #tpu.memory_space<vmem>> -> memref<16384xf32, #tpu.memory_space<vmem>>
    %dma_wait3A_42 = tpu.memref_slice %arg2[%add3A_34, %mul3A_36] : memref<128x32768xf32, #tpu.memory_space<hbm>> -> memref<1x16384xf32, #tpu.memory_space<hbm>>
    %dma_wait3A_43 = tpu.memref_squeeze %dma_wait3A_42 : memref<1x16384xf32, #tpu.memory_space<hbm>> -> memref<16384xf32, #tpu.memory_space<hbm>>
    tpu.wait_dma2 semaphore(%arg9 : memref<!tpu.dma_semaphore, #tpu.memory_space<semaphore_mem>>) src(%dma_wait3A_43 : memref<16384xf32, #tpu.memory_space<hbm>>) dst(%dma_wait3A_41 : memref<16384xf32, #tpu.memory_space<vmem>>)
    %parallel_loop3A = arith.constant 0 : i32
    %parallel_loop3A_44 = arith.constant 32 : i32
    %parallel_loop3A_45 = arith.constant 1 : i32
    %parallel_loop3A_46 = scf.for %parallel_loop3A_316 = %parallel_loop3A to %parallel_loop3A_44 step %parallel_loop3A_45 iter_args(%parallel_loop3A_317 = %broadcast_in_dim3A_5) -> (vector<16xf32>)  : i32 {
      %parallel_loop3A_318 = arith.constant 32 : i32
      %parallel_loop3A_319 = arith.muli %parallel_loop3A_316, %parallel_loop3A_318 : i32
      %parallel_loop3A_320 = arith.constant 16 : i32
      %parallel_loop3A_321 = arith.muli %parallel_loop3A_319, %parallel_loop3A_320 : i32
      %parallel_loop3A_322 = arith.constant 0 : i32
      %parallel_loop3A_323 = arith.addi %parallel_loop3A_321, %parallel_loop3A_322 : i32
      %parallel_loop3A_324 = arith.index_cast %parallel_loop3A_323 : i32 to index
      %parallel_loop3A_325 = tpu.vector_load %arg4[%parallel_loop3A_324] {strides = array<i32>} : memref<16384xf32, #tpu.memory_space<vmem>>, vector<16xf32>,
      %parallel_loop3A_326 = arith.constant 16 : i32
      %parallel_loop3A_327 = arith.addi %parallel_loop3A_321, %parallel_loop3A_326 : i32
      %parallel_loop3A_328 = arith.index_cast %parallel_loop3A_327 : i32 to index
      %parallel_loop3A_329 = tpu.vector_load %arg4[%parallel_loop3A_328] {strides = array<i32>} : memref<16384xf32, #tpu.memory_space<vmem>>, vector<16xf32>,
      %parallel_loop3A_330 = arith.constant 32 : i32
      %parallel_loop3A_331 = arith.addi %parallel_loop3A_321, %parallel_loop3A_330 : i32
      %parallel_loop3A_332 = arith.index_cast %parallel_loop3A_331 : i32 to index
      %parallel_loop3A_333 = tpu.vector_load %arg4[%parallel_loop3A_332] {strides = array<i32>} : memref<16384xf32, #tpu.memory_space<vmem>>, vector<16xf32>,
      %parallel_loop3A_334 = arith.constant 48 : i32
      %parallel_loop3A_335 = arith.addi %parallel_loop3A_321, %parallel_loop3A_334 : i32
      %parallel_loop3A_336 = arith.index_cast %parallel_loop3A_335 : i32 to index
      %parallel_loop3A_337 = tpu.vector_load %arg4[%parallel_loop3A_336] {strides = array<i32>} : memref<16384xf32, #tpu.memory_space<vmem>>, vector<16xf32>,
      %parallel_loop3A_338 = arith.constant 64 : i32
      %parallel_loop3A_339 = arith.addi %parallel_loop3A_321, %parallel_loop3A_338 : i32
      %parallel_loop3A_340 = arith.index_cast %parallel_loop3A_339 : i32 to index
      %parallel_loop3A_341 = tpu.vector_load %arg4[%parallel_loop3A_340] {strides = array<i32>} : memref<16384xf32, #tpu.memory_space<vmem>>, vector<16xf32>,
      %parallel_loop3A_342 = arith.constant 80 : i32
      %parallel_loop3A_343 = arith.addi %parallel_loop3A_321, %parallel_loop3A_342 : i32
      %parallel_loop3A_344 = arith.index_cast %parallel_loop3A_343 : i32 to index
      %parallel_loop3A_345 = tpu.vector_load %arg4[%parallel_loop3A_344] {strides = array<i32>} : memref<16384xf32, #tpu.memory_space<vmem>>, vector<16xf32>,
      %parallel_loop3A_346 = arith.constant 96 : i32
      %parallel_loop3A_347 = arith.addi %parallel_loop3A_321, %parallel_loop3A_346 : i32
      %parallel_loop3A_348 = arith.index_cast %parallel_loop3A_347 : i32 to index
      %parallel_loop3A_349 = tpu.vector_load %arg4[%parallel_loop3A_348] {strides = array<i32>} : memref<16384xf32, #tpu.memory_space<vmem>>, vector<16xf32>,
      %parallel_loop3A_350 = arith.constant 112 : i32
      %parallel_loop3A_351 = arith.addi %parallel_loop3A_321, %parallel_loop3A_350 : i32
      %parallel_loop3A_352 = arith.index_cast %parallel_loop3A_351 : i32 to index
      %parallel_loop3A_353 = tpu.vector_load %arg4[%parallel_loop3A_352] {strides = array<i32>} : memref<16384xf32, #tpu.memory_space<vmem>>, vector<16xf32>,
      %parallel_loop3A_354 = arith.constant 128 : i32
      %parallel_loop3A_355 = arith.addi %parallel_loop3A_321, %parallel_loop3A_354 : i32
      %parallel_loop3A_356 = arith.index_cast %parallel_loop3A_355 : i32 to index
      %parallel_loop3A_357 = tpu.vector_load %arg4[%parallel_loop3A_356] {strides = array<i32>} : memref<16384xf32, #tpu.memory_space<vmem>>, vector<16xf32>,
      %parallel_loop3A_358 = arith.constant 144 : i32
      %parallel_loop3A_359 = arith.addi %parallel_loop3A_321, %parallel_loop3A_358 : i32
      %parallel_loop3A_360 = arith.index_cast %parallel_loop3A_359 : i32 to index
      %parallel_loop3A_361 = tpu.vector_load %arg4[%parallel_loop3A_360] {strides = array<i32>} : memref<16384xf32, #tpu.memory_space<vmem>>, vector<16xf32>,
      %parallel_loop3A_362 = arith.constant 160 : i32
      %parallel_loop3A_363 = arith.addi %parallel_loop3A_321, %parallel_loop3A_362 : i32
      %parallel_loop3A_364 = arith.index_cast %parallel_loop3A_363 : i32 to index
      %parallel_loop3A_365 = tpu.vector_load %arg4[%parallel_loop3A_364] {strides = array<i32>} : memref<16384xf32, #tpu.memory_space<vmem>>, vector<16xf32>,
      %parallel_loop3A_366 = arith.constant 176 : i32
      %parallel_loop3A_367 = arith.addi %parallel_loop3A_321, %parallel_loop3A_366 : i32
      %parallel_loop3A_368 = arith.index_cast %parallel_loop3A_367 : i32 to index
      %parallel_loop3A_369 = tpu.vector_load %arg4[%parallel_loop3A_368] {strides = array<i32>} : memref<16384xf32, #tpu.memory_space<vmem>>, vector<16xf32>,
      %parallel_loop3A_370 = arith.constant 192 : i32
      %parallel_loop3A_371 = arith.addi %parallel_loop3A_321, %parallel_loop3A_370 : i32
      %parallel_loop3A_372 = arith.index_cast %parallel_loop3A_371 : i32 to index
      %parallel_loop3A_373 = tpu.vector_load %arg4[%parallel_loop3A_372] {strides = array<i32>} : memref<16384xf32, #tpu.memory_space<vmem>>, vector<16xf32>,
      %parallel_loop3A_374 = arith.constant 208 : i32
      %parallel_loop3A_375 = arith.addi %parallel_loop3A_321, %parallel_loop3A_374 : i32
      %parallel_loop3A_376 = arith.index_cast %parallel_loop3A_375 : i32 to index
      %parallel_loop3A_377 = tpu.vector_load %arg4[%parallel_loop3A_376] {strides = array<i32>} : memref<16384xf32, #tpu.memory_space<vmem>>, vector<16xf32>,
      %parallel_loop3A_378 = arith.constant 224 : i32
      %parallel_loop3A_379 = arith.addi %parallel_loop3A_321, %parallel_loop3A_378 : i32
      %parallel_loop3A_380 = arith.index_cast %parallel_loop3A_379 : i32 to index
      %parallel_loop3A_381 = tpu.vector_load %arg4[%parallel_loop3A_380] {strides = array<i32>} : memref<16384xf32, #tpu.memory_space<vmem>>, vector<16xf32>,
      %parallel_loop3A_382 = arith.constant 240 : i32
      %parallel_loop3A_383 = arith.addi %parallel_loop3A_321, %parallel_loop3A_382 : i32
      %parallel_loop3A_384 = arith.index_cast %parallel_loop3A_383 : i32 to index
      %parallel_loop3A_385 = tpu.vector_load %arg4[%parallel_loop3A_384] {strides = array<i32>} : memref<16384xf32, #tpu.memory_space<vmem>>, vector<16xf32>,
      %parallel_loop3A_386 = arith.constant 256 : i32
      %parallel_loop3A_387 = arith.addi %parallel_loop3A_321, %parallel_loop3A_386 : i32
      %parallel_loop3A_388 = arith.index_cast %parallel_loop3A_387 : i32 to index
      %parallel_loop3A_389 = tpu.vector_load %arg4[%parallel_loop3A_388] {strides = array<i32>} : memref<16384xf32, #tpu.memory_space<vmem>>, vector<16xf32>,
      %parallel_loop3A_390 = arith.constant 272 : i32
      %parallel_loop3A_391 = arith.addi %parallel_loop3A_321, %parallel_loop3A_390 : i32
      %parallel_loop3A_392 = arith.index_cast %parallel_loop3A_391 : i32 to index
      %parallel_loop3A_393 = tpu.vector_load %arg4[%parallel_loop3A_392] {strides = array<i32>} : memref<16384xf32, #tpu.memory_space<vmem>>, vector<16xf32>,
      %parallel_loop3A_394 = arith.constant 288 : i32
      %parallel_loop3A_395 = arith.addi %parallel_loop3A_321, %parallel_loop3A_394 : i32
      %parallel_loop3A_396 = arith.index_cast %parallel_loop3A_395 : i32 to index
      %parallel_loop3A_397 = tpu.vector_load %arg4[%parallel_loop3A_396] {strides = array<i32>} : memref<16384xf32, #tpu.memory_space<vmem>>, vector<16xf32>,
      %parallel_loop3A_398 = arith.constant 304 : i32
      %parallel_loop3A_399 = arith.addi %parallel_loop3A_321, %parallel_loop3A_398 : i32
      %parallel_loop3A_400 = arith.index_cast %parallel_loop3A_399 : i32 to index
      %parallel_loop3A_401 = tpu.vector_load %arg4[%parallel_loop3A_400] {strides = array<i32>} : memref<16384xf32, #tpu.memory_space<vmem>>, vector<16xf32>,
      %parallel_loop3A_402 = arith.constant 320 : i32
      %parallel_loop3A_403 = arith.addi %parallel_loop3A_321, %parallel_loop3A_402 : i32
      %parallel_loop3A_404 = arith.index_cast %parallel_loop3A_403 : i32 to index
      %parallel_loop3A_405 = tpu.vector_load %arg4[%parallel_loop3A_404] {strides = array<i32>} : memref<16384xf32, #tpu.memory_space<vmem>>, vector<16xf32>,
      %parallel_loop3A_406 = arith.constant 336 : i32
      %parallel_loop3A_407 = arith.addi %parallel_loop3A_321, %parallel_loop3A_406 : i32
      %parallel_loop3A_408 = arith.index_cast %parallel_loop3A_407 : i32 to index
      %parallel_loop3A_409 = tpu.vector_load %arg4[%parallel_loop3A_408] {strides = array<i32>} : memref<16384xf32, #tpu.memory_space<vmem>>, vector<16xf32>,
      %parallel_loop3A_410 = arith.constant 352 : i32
      %parallel_loop3A_411 = arith.addi %parallel_loop3A_321, %parallel_loop3A_410 : i32
      %parallel_loop3A_412 = arith.index_cast %parallel_loop3A_411 : i32 to index
      %parallel_loop3A_413 = tpu.vector_load %arg4[%parallel_loop3A_412] {strides = array<i32>} : memref<16384xf32, #tpu.memory_space<vmem>>, vector<16xf32>,
      %parallel_loop3A_414 = arith.constant 368 : i32
      %parallel_loop3A_415 = arith.addi %parallel_loop3A_321, %parallel_loop3A_414 : i32
      %parallel_loop3A_416 = arith.index_cast %parallel_loop3A_415 : i32 to index
      %parallel_loop3A_417 = tpu.vector_load %arg4[%parallel_loop3A_416] {strides = array<i32>} : memref<16384xf32, #tpu.memory_space<vmem>>, vector<16xf32>,
      %parallel_loop3A_418 = arith.constant 384 : i32
      %parallel_loop3A_419 = arith.addi %parallel_loop3A_321, %parallel_loop3A_418 : i32
      %parallel_loop3A_420 = arith.index_cast %parallel_loop3A_419 : i32 to index
      %parallel_loop3A_421 = tpu.vector_load %arg4[%parallel_loop3A_420] {strides = array<i32>} : memref<16384xf32, #tpu.memory_space<vmem>>, vector<16xf32>,
      %parallel_loop3A_422 = arith.constant 400 : i32
      %parallel_loop3A_423 = arith.addi %parallel_loop3A_321, %parallel_loop3A_422 : i32
      %parallel_loop3A_424 = arith.index_cast %parallel_loop3A_423 : i32 to index
      %parallel_loop3A_425 = tpu.vector_load %arg4[%parallel_loop3A_424] {strides = array<i32>} : memref<16384xf32, #tpu.memory_space<vmem>>, vector<16xf32>,
      %parallel_loop3A_426 = arith.constant 416 : i32
      %parallel_loop3A_427 = arith.addi %parallel_loop3A_321, %parallel_loop3A_426 : i32
      %parallel_loop3A_428 = arith.index_cast %parallel_loop3A_427 : i32 to index
      %parallel_loop3A_429 = tpu.vector_load %arg4[%parallel_loop3A_428] {strides = array<i32>} : memref<16384xf32, #tpu.memory_space<vmem>>, vector<16xf32>,
      %parallel_loop3A_430 = arith.constant 432 : i32
      %parallel_loop3A_431 = arith.addi %parallel_loop3A_321, %parallel_loop3A_430 : i32
      %parallel_loop3A_432 = arith.index_cast %parallel_loop3A_431 : i32 to index
      %parallel_loop3A_433 = tpu.vector_load %arg4[%parallel_loop3A_432] {strides = array<i32>} : memref<16384xf32, #tpu.memory_space<vmem>>, vector<16xf32>,
      %parallel_loop3A_434 = arith.constant 448 : i32
      %parallel_loop3A_435 = arith.addi %parallel_loop3A_321, %parallel_loop3A_434 : i32
      %parallel_loop3A_436 = arith.index_cast %parallel_loop3A_435 : i32 to index
      %parallel_loop3A_437 = tpu.vector_load %arg4[%parallel_loop3A_436] {strides = array<i32>} : memref<16384xf32, #tpu.memory_space<vmem>>, vector<16xf32>,
      %parallel_loop3A_438 = arith.constant 464 : i32
      %parallel_loop3A_439 = arith.addi %parallel_loop3A_321, %parallel_loop3A_438 : i32
      %parallel_loop3A_440 = arith.index_cast %parallel_loop3A_439 : i32 to index
      %parallel_loop3A_441 = tpu.vector_load %arg4[%parallel_loop3A_440] {strides = array<i32>} : memref<16384xf32, #tpu.memory_space<vmem>>, vector<16xf32>,
      %parallel_loop3A_442 = arith.constant 480 : i32
      %parallel_loop3A_443 = arith.addi %parallel_loop3A_321, %parallel_loop3A_442 : i32
      %parallel_loop3A_444 = arith.index_cast %parallel_loop3A_443 : i32 to index
      %parallel_loop3A_445 = tpu.vector_load %arg4[%parallel_loop3A_444] {strides = array<i32>} : memref<16384xf32, #tpu.memory_space<vmem>>, vector<16xf32>,
      %parallel_loop3A_446 = arith.constant 496 : i32
      %parallel_loop3A_447 = arith.addi %parallel_loop3A_321, %parallel_loop3A_446 : i32
      %parallel_loop3A_448 = arith.index_cast %parallel_loop3A_447 : i32 to index
      %parallel_loop3A_449 = tpu.vector_load %arg4[%parallel_loop3A_448] {strides = array<i32>} : memref<16384xf32, #tpu.memory_space<vmem>>, vector<16xf32>,
      %parallel_loop3A_450 = arith.maximumf %parallel_loop3A_325, %parallel_loop3A_329 : vector<16xf32>
      %parallel_loop3A_451 = arith.maximumf %parallel_loop3A_333, %parallel_loop3A_337 : vector<16xf32>
      %parallel_loop3A_452 = arith.maximumf %parallel_loop3A_341, %parallel_loop3A_345 : vector<16xf32>
      %parallel_loop3A_453 = arith.maximumf %parallel_loop3A_349, %parallel_loop3A_353 : vector<16xf32>
      %parallel_loop3A_454 = arith.maximumf %parallel_loop3A_357, %parallel_loop3A_361 : vector<16xf32>
      %parallel_loop3A_455 = arith.maximumf %parallel_loop3A_365, %parallel_loop3A_369 : vector<16xf32>
      %parallel_loop3A_456 = arith.maximumf %parallel_loop3A_373, %parallel_loop3A_377 : vector<16xf32>
      %parallel_loop3A_457 = arith.maximumf %parallel_loop3A_381, %parallel_loop3A_385 : vector<16xf32>
      %parallel_loop3A_458 = arith.maximumf %parallel_loop3A_389, %parallel_loop3A_393 : vector<16xf32>
      %parallel_loop3A_459 = arith.maximumf %parallel_loop3A_397, %parallel_loop3A_401 : vector<16xf32>
      %parallel_loop3A_460 = arith.maximumf %parallel_loop3A_405, %parallel_loop3A_409 : vector<16xf32>
      %parallel_loop3A_461 = arith.maximumf %parallel_loop3A_413, %parallel_loop3A_417 : vector<16xf32>
      %parallel_loop3A_462 = arith.maximumf %parallel_loop3A_421, %parallel_loop3A_425 : vector<16xf32>
      %parallel_loop3A_463 = arith.maximumf %parallel_loop3A_429, %parallel_loop3A_433 : vector<16xf32>
      %parallel_loop3A_464 = arith.maximumf %parallel_loop3A_437, %parallel_loop3A_441 : vector<16xf32>
      %parallel_loop3A_465 = arith.maximumf %parallel_loop3A_445, %parallel_loop3A_449 : vector<16xf32>
      %parallel_loop3A_466 = arith.maximumf %parallel_loop3A_450, %parallel_loop3A_451 : vector<16xf32>
      %parallel_loop3A_467 = arith.maximumf %parallel_loop3A_452, %parallel_loop3A_453 : vector<16xf32>
      %parallel_loop3A_468 = arith.maximumf %parallel_loop3A_454, %parallel_loop3A_455 : vector<16xf32>
      %parallel_loop3A_469 = arith.maximumf %parallel_loop3A_456, %parallel_loop3A_457 : vector<16xf32>
      %parallel_loop3A_470 = arith.maximumf %parallel_loop3A_458, %parallel_loop3A_459 : vector<16xf32>
      %parallel_loop3A_471 = arith.maximumf %parallel_loop3A_460, %parallel_loop3A_461 : vector<16xf32>
      %parallel_loop3A_472 = arith.maximumf %parallel_loop3A_462, %parallel_loop3A_463 : vector<16xf32>
      %parallel_loop3A_473 = arith.maximumf %parallel_loop3A_464, %parallel_loop3A_465 : vector<16xf32>
      %parallel_loop3A_474 = arith.maximumf %parallel_loop3A_466, %parallel_loop3A_467 : vector<16xf32>
      %parallel_loop3A_475 = arith.maximumf %parallel_loop3A_468, %parallel_loop3A_469 : vector<16xf32>
      %parallel_loop3A_476 = arith.maximumf %parallel_loop3A_470, %parallel_loop3A_471 : vector<16xf32>
      %parallel_loop3A_477 = arith.maximumf %parallel_loop3A_472, %parallel_loop3A_473 : vector<16xf32>
      %parallel_loop3A_478 = arith.maximumf %parallel_loop3A_474, %parallel_loop3A_475 : vector<16xf32>
      %parallel_loop3A_479 = arith.maximumf %parallel_loop3A_476, %parallel_loop3A_477 : vector<16xf32>
      %parallel_loop3A_480 = arith.maximumf %parallel_loop3A_478, %parallel_loop3A_479 : vector<16xf32>
      %parallel_loop3A_481 = arith.constant 16 : i32
      %parallel_loop3A_482 = arith.muli %parallel_loop3A_316, %parallel_loop3A_481 : i32
      %parallel_loop3A_483 = arith.index_cast %parallel_loop3A_482 : i32 to index
      %parallel_loop3A_484 = tpu.vector_load %arg6[%parallel_loop3A_483] {strides = array<i32>} : memref<512xf32, #tpu.memory_space<vmem>>, vector<16xf32>,
      tpu.vector_store %arg6[%parallel_loop3A_483], %parallel_loop3A_480 {strides = array<i32>} : memref<512xf32, #tpu.memory_space<vmem>>, vector<16xf32>,
      %parallel_loop3A_485 = arith.maximumf %parallel_loop3A_317, %parallel_loop3A_480 : vector<16xf32>
      scf.yield %parallel_loop3A_485 : vector<16xf32>
    } {sc.loop_unroll_factor = 1 : i64, sc.parallel_access}
    %max3A = arith.maximumf %broadcast_in_dim3A_5, %parallel_loop3A_46 : vector<16xf32>
    %sort3A = arith.constant dense<true> : vector<16xi1>
    %sort3A_47, %sort3A_48, %sort3A_49 = tpu.sort %max3A, %max3A masked %sort3A : (vector<16xf32>, vector<16xf32>, vector<16xi1>) -> (vector<16xi1>, vector<16xf32>, vector<16xf32>)
    %eq3A = arith.constant 11 : i32
    %eq3A_50 = vector.broadcast %eq3A : i32 to vector<16xi32>
    %eq3A_51 = arith.cmpi eq, %iota3A, %eq3A_50 : vector<16xi32>
    %jit3A = arith.constant 0xFF800000 : f32
    %broadcast_in_dim3A_52 = vector.broadcast %jit3A : f32 to vector<16xf32>
    %select_n3A = arith.select %eq3A_51, %sort3A_48, %broadcast_in_dim3A_52 : vector<16xi1>, vector<16xf32>
    %reduce_max3A = arith.constant true
    %reduce_max3A_53 = vector.broadcast %reduce_max3A : i1 to vector<16xi1>
    %reduce_max3A_54 = tpu.scan <max>, %select_n3A masked %reduce_max3A_53 : vector<16xf32>, vector<16xi1> -> vector<16xf32>
    %reduce_max3A_55 = vector.extract %reduce_max3A_54[15] : f32 from vector<16xf32>
    %ge3A = vector.broadcast %reduce_max3A_55 : f32 to vector<16xf32>
    %ge3A_56 = arith.cmpf oge, %parallel_loop3A_46, %ge3A : vector<16xf32>
    %reduce_or3A = arith.constant 1.000000e+00 : f32
    %reduce_or3A_57 = arith.constant 0.000000e+00 : f32
    %reduce_or3A_58 = vector.broadcast %reduce_or3A : f32 to vector<16xf32>
    %reduce_or3A_59 = vector.broadcast %reduce_or3A_57 : f32 to vector<16xf32>
    %reduce_or3A_60 = arith.select %ge3A_56, %reduce_or3A_58, %reduce_or3A_59 : vector<16xi1>, vector<16xf32>
    %reduce_or3A_61 = arith.constant true
    %reduce_or3A_62 = vector.broadcast %reduce_or3A_61 : i1 to vector<16xi1>
    %reduce_or3A_63 = tpu.scan <max>, %reduce_or3A_60 masked %reduce_or3A_62 : vector<16xf32>, vector<16xi1> -> vector<16xf32>
    %reduce_or3A_64 = vector.extract %reduce_or3A_63[15] : f32 from vector<16xf32>
    %reduce_or3A_65 = arith.constant 0.000000e+00 : f32
    %reduce_or3A_66 = arith.cmpf ogt, %reduce_or3A_64, %reduce_or3A_65 : f32
    %convert_element_type3A = arith.extui %reduce_or3A_66 : i1 to i32
    %cond3A = arith.constant 0 : i32
    %cond3A_67 = arith.constant 0 : i32
    %cond3A_68 = arith.cmpi ne, %convert_element_type3A, %cond3A_67 : i32
    %cond3A_69 = scf.if %cond3A_68 -> (i32) {
      %scan3A_316 = arith.constant 0 : i32
      %scan3A_317 = arith.constant 0 : i32
      %scan3A_318 = arith.constant 32 : i32
      %scan3A_319 = arith.addi %scan3A_317, %scan3A_318 : i32
      %scan3A_320 = arith.constant 1 : i32
      %scan3A_321 = scf.for %scan3A_323 = %scan3A_317 to %scan3A_319 step %scan3A_320 iter_args(%scan3A_324 = %scan3A_316) -> (i32)  : i32 {
        %mul3A_325 = arith.constant 16 : i32
        %mul3A_326 = arith.muli %scan3A_323, %mul3A_325 : i32
        %get3A = arith.index_cast %mul3A_326 : i32 to index
        %get3A_327 = tpu.vector_load %arg6[%get3A] {strides = array<i32>} : memref<512xf32, #tpu.memory_space<vmem>>, vector<16xf32>,
        %ge3A_328 = vector.broadcast %reduce_max3A_55 : f32 to vector<16xf32>
        %ge3A_329 = arith.cmpf oge, %get3A_327, %ge3A_328 : vector<16xf32>
        %reduce_or3A_330 = arith.constant 1.000000e+00 : f32
        %reduce_or3A_331 = arith.constant 0.000000e+00 : f32
        %reduce_or3A_332 = vector.broadcast %reduce_or3A_330 : f32 to vector<16xf32>
        %reduce_or3A_333 = vector.broadcast %reduce_or3A_331 : f32 to vector<16xf32>
        %reduce_or3A_334 = arith.select %ge3A_329, %reduce_or3A_332, %reduce_or3A_333 : vector<16xi1>, vector<16xf32>
        %reduce_or3A_335 = arith.constant true
        %reduce_or3A_336 = vector.broadcast %reduce_or3A_335 : i1 to vector<16xi1>
        %reduce_or3A_337 = tpu.scan <max>, %reduce_or3A_334 masked %reduce_or3A_336 : vector<16xf32>, vector<16xi1> -> vector<16xf32>
        %reduce_or3A_338 = vector.extract %reduce_or3A_337[15] : f32 from vector<16xf32>
        %reduce_or3A_339 = arith.constant 0.000000e+00 : f32
        %reduce_or3A_340 = arith.cmpf ogt, %reduce_or3A_338, %reduce_or3A_339 : f32
        %swap3A_341 = arith.index_cast %scan3A_324 : i32 to index
        %swap3A_342 = memref.load %arg7[%swap3A_341] : memref<32xi32, #tpu.memory_space<smem>>
        memref.store %scan3A_323, %arg7[%swap3A_341] : memref<32xi32, #tpu.memory_space<smem>>
        %convert_element_type3A_343 = arith.extui %reduce_or3A_340 : i1 to i32
        %add3A_344 = arith.addi %scan3A_324, %convert_element_type3A_343 : i32
        scf.yield %add3A_344 : i32
      }
      %scan3A_322 = arith.constant 32 : i32
      scf.yield %scan3A_321 : i32
    } else {
      %cond3A_316 = arith.constant 0 : i32
      scf.yield %cond3A_316 : i32
    }
    %while3A = arith.constant 0 : i32
    %while3A_70 = arith.subi %cond3A_69, %while3A : i32
    %while3A_71 = arith.addi %while3A, %while3A_70 : i32
    %while3A_72 = arith.constant 1 : i32
    %while3A_73 = arith.divsi %while3A_70, %while3A_72 : i32
    %while3A_74 = arith.muli %while3A_73, %while3A_72 : i32
    %while3A_75 = arith.addi %while3A, %while3A_74 : i32
    %while3A_76 = arith.constant 1 : i32
    %while3A_77:20 = scf.for %while3A_316 = %while3A to %while3A_75 step %while3A_76 iter_args(%while3A_317 = %broadcast_in_dim3A_5, %while3A_318 = %broadcast_in_dim3A_5, %while3A_319 = %broadcast_in_dim3A_5, %while3A_320 = %broadcast_in_dim3A_5, %while3A_321 = %broadcast_in_dim3A_5, %while3A_322 = %broadcast_in_dim3A_5, %while3A_323 = %broadcast_in_dim3A_5, %while3A_324 = %broadcast_in_dim3A_5, %while3A_325 = %broadcast_in_dim3A_5, %while3A_326 = %broadcast_in_dim3A_5, %while3A_327 = %broadcast_in_dim3A_5, %while3A_328 = %broadcast_in_dim3A_5, %while3A_329 = %broadcast_in_dim3A_5, %while3A_330 = %broadcast_in_dim3A_5, %while3A_331 = %broadcast_in_dim3A_5, %while3A_332 = %broadcast_in_dim3A_5, %while3A_333 = %broadcast_in_dim3A_5, %while3A_334 = %broadcast_in_dim3A_5, %while3A_335 = %broadcast_in_dim3A_5, %while3A_336 = %broadcast_in_dim3A_5) -> (vector<16xf32>, vector<16xf32>, vector<16xf32>, vector<16xf32>, vector<16xf32>, vector<16xf32>, vector<16xf32>, vector<16xf32>, vector<16xf32>, vector<16xf32>, vector<16xf32>, vector<16xf32>, vector<16xf32>, vector<16xf32>, vector<16xf32>, vector<16xf32>, vector<16xf32>, vector<16xf32>, vector<16xf32>, vector<16xf32>)  : i32 {
      %get3A = arith.index_cast %while3A_316 : i32 to index
      %get3A_337 = memref.load %arg7[%get3A] : memref<32xi32, #tpu.memory_space<smem>>
      %mul3A_338 = arith.constant 512 : i32
      %mul3A_339 = arith.muli %get3A_337, %mul3A_338 : i32
      %scan3A_340 = arith.constant 0 : i32
      %scan3A_341 = arith.constant 8 : i32
      %scan3A_342 = arith.addi %scan3A_340, %scan3A_341 : i32
      %scan3A_343 = arith.constant 1 : i32
      %scan3A_344:20 = scf.for %scan3A_346 = %scan3A_340 to %scan3A_342 step %scan3A_343 iter_args(%scan3A_347 = %while3A_317, %scan3A_348 = %while3A_318, %scan3A_349 = %while3A_319, %scan3A_350 = %while3A_320, %scan3A_351 = %while3A_321, %scan3A_352 = %while3A_322, %scan3A_353 = %while3A_323, %scan3A_354 = %while3A_324, %scan3A_355 = %while3A_325, %scan3A_356 = %while3A_326, %scan3A_357 = %while3A_327, %scan3A_358 = %while3A_328, %scan3A_359 = %while3A_329, %scan3A_360 = %while3A_330, %scan3A_361 = %while3A_331, %scan3A_362 = %while3A_332, %scan3A_363 = %while3A_333, %scan3A_364 = %while3A_334, %scan3A_365 = %while3A_335, %scan3A_366 = %while3A_336) -> (vector<16xf32>, vector<16xf32>, vector<16xf32>, vector<16xf32>, vector<16xf32>, vector<16xf32>, vector<16xf32>, vector<16xf32>, vector<16xf32>, vector<16xf32>, vector<16xf32>, vector<16xf32>, vector<16xf32>, vector<16xf32>, vector<16xf32>, vector<16xf32>, vector<16xf32>, vector<16xf32>, vector<16xf32>, vector<16xf32>)  : i32 {
        %mul3A_367 = arith.constant 4 : i32
        %mul3A_368 = arith.muli %scan3A_346, %mul3A_367 : i32
        %add3A_369 = arith.constant 0 : i32
        %add3A_370 = arith.addi %mul3A_368, %add3A_369 : i32
        %mul3A_371 = arith.constant 16 : i32
        %mul3A_372 = arith.muli %add3A_370, %mul3A_371 : i32
        %add3A_373 = arith.addi %mul3A_339, %mul3A_372 : i32
        %get3A_374 = arith.index_cast %add3A_373 : i32 to index
        %get3A_375 = tpu.vector_load %arg4[%get3A_374] {strides = array<i32>} : memref<16384xf32, #tpu.memory_space<vmem>>, vector<16xf32>,
        %max3A_376 = arith.maximumf %scan3A_347, %get3A_375 : vector<16xf32>
        %min3A_377 = arith.minimumf %scan3A_347, %get3A_375 : vector<16xf32>
        %max3A_378 = arith.maximumf %scan3A_348, %min3A_377 : vector<16xf32>
        %min3A_379 = arith.minimumf %scan3A_348, %min3A_377 : vector<16xf32>
        %max3A_380 = arith.maximumf %scan3A_349, %min3A_379 : vector<16xf32>
        %min3A_381 = arith.minimumf %scan3A_349, %min3A_379 : vector<16xf32>
        %max3A_382 = arith.maximumf %scan3A_350, %min3A_381 : vector<16xf32>
        %min3A_383 = arith.minimumf %scan3A_350, %min3A_381 : vector<16xf32>
        %max3A_384 = arith.maximumf %scan3A_351, %min3A_383 : vector<16xf32>
        %min3A_385 = arith.minimumf %scan3A_351, %min3A_383 : vector<16xf32>
        %mul3A_386 = arith.constant 4 : i32
        %mul3A_387 = arith.muli %scan3A_346, %mul3A_386 : i32
        %add3A_388 = arith.constant 1 : i32
        %add3A_389 = arith.addi %mul3A_387, %add3A_388 : i32
        %mul3A_390 = arith.constant 16 : i32
        %mul3A_391 = arith.muli %add3A_389, %mul3A_390 : i32
        %add3A_392 = arith.addi %mul3A_339, %mul3A_391 : i32
        %get3A_393 = arith.index_cast %add3A_392 : i32 to index
        %get3A_394 = tpu.vector_load %arg4[%get3A_393] {strides = array<i32>} : memref<16384xf32, #tpu.memory_space<vmem>>, vector<16xf32>,
        %max3A_395 = arith.maximumf %scan3A_352, %get3A_394 : vector<16xf32>
        %min3A_396 = arith.minimumf %scan3A_352, %get3A_394 : vector<16xf32>
        %max3A_397 = arith.maximumf %scan3A_353, %min3A_396 : vector<16xf32>
        %min3A_398 = arith.minimumf %scan3A_353, %min3A_396 : vector<16xf32>
        %max3A_399 = arith.maximumf %scan3A_354, %min3A_398 : vector<16xf32>
        %min3A_400 = arith.minimumf %scan3A_354, %min3A_398 : vector<16xf32>
        %max3A_401 = arith.maximumf %scan3A_355, %min3A_400 : vector<16xf32>
        %min3A_402 = arith.minimumf %scan3A_355, %min3A_400 : vector<16xf32>
        %max3A_403 = arith.maximumf %scan3A_356, %min3A_402 : vector<16xf32>
        %min3A_404 = arith.minimumf %scan3A_356, %min3A_402 : vector<16xf32>
        %mul3A_405 = arith.constant 4 : i32
        %mul3A_406 = arith.muli %scan3A_346, %mul3A_405 : i32
        %add3A_407 = arith.constant 2 : i32
        %add3A_408 = arith.addi %mul3A_406, %add3A_407 : i32
        %mul3A_409 = arith.constant 16 : i32
        %mul3A_410 = arith.muli %add3A_408, %mul3A_409 : i32
        %add3A_411 = arith.addi %mul3A_339, %mul3A_410 : i32
        %get3A_412 = arith.index_cast %add3A_411 : i32 to index
        %get3A_413 = tpu.vector_load %arg4[%get3A_412] {strides = array<i32>} : memref<16384xf32, #tpu.memory_space<vmem>>, vector<16xf32>,
        %max3A_414 = arith.maximumf %scan3A_357, %get3A_413 : vector<16xf32>
        %min3A_415 = arith.minimumf %scan3A_357, %get3A_413 : vector<16xf32>
        %max3A_416 = arith.maximumf %scan3A_358, %min3A_415 : vector<16xf32>
        %min3A_417 = arith.minimumf %scan3A_358, %min3A_415 : vector<16xf32>
        %max3A_418 = arith.maximumf %scan3A_359, %min3A_417 : vector<16xf32>
        %min3A_419 = arith.minimumf %scan3A_359, %min3A_417 : vector<16xf32>
        %max3A_420 = arith.maximumf %scan3A_360, %min3A_419 : vector<16xf32>
        %min3A_421 = arith.minimumf %scan3A_360, %min3A_419 : vector<16xf32>
        %max3A_422 = arith.maximumf %scan3A_361, %min3A_421 : vector<16xf32>
        %min3A_423 = arith.minimumf %scan3A_361, %min3A_421 : vector<16xf32>
        %mul3A_424 = arith.constant 4 : i32
        %mul3A_425 = arith.muli %scan3A_346, %mul3A_424 : i32
        %add3A_426 = arith.constant 3 : i32
        %add3A_427 = arith.addi %mul3A_425, %add3A_426 : i32
        %mul3A_428 = arith.constant 16 : i32
        %mul3A_429 = arith.muli %add3A_427, %mul3A_428 : i32
        %add3A_430 = arith.addi %mul3A_339, %mul3A_429 : i32
        %get3A_431 = arith.index_cast %add3A_430 : i32 to index
        %get3A_432 = tpu.vector_load %arg4[%get3A_431] {strides = array<i32>} : memref<16384xf32, #tpu.memory_space<vmem>>, vector<16xf32>,
        %max3A_433 = arith.maximumf %scan3A_362, %get3A_432 : vector<16xf32>
        %min3A_434 = arith.minimumf %scan3A_362, %get3A_432 : vector<16xf32>
        %max3A_435 = arith.maximumf %scan3A_363, %min3A_434 : vector<16xf32>
        %min3A_436 = arith.minimumf %scan3A_363, %min3A_434 : vector<16xf32>
        %max3A_437 = arith.maximumf %scan3A_364, %min3A_436 : vector<16xf32>
        %min3A_438 = arith.minimumf %scan3A_364, %min3A_436 : vector<16xf32>
        %max3A_439 = arith.maximumf %scan3A_365, %min3A_438 : vector<16xf32>
        %min3A_440 = arith.minimumf %scan3A_365, %min3A_438 : vector<16xf32>
        %max3A_441 = arith.maximumf %scan3A_366, %min3A_440 : vector<16xf32>
        %min3A_442 = arith.minimumf %scan3A_366, %min3A_440 : vector<16xf32>
        scf.yield %max3A_376, %max3A_378, %max3A_380, %max3A_382, %max3A_384, %max3A_395, %max3A_397, %max3A_399, %max3A_401, %max3A_403, %max3A_414, %max3A_416, %max3A_418, %max3A_420, %max3A_422, %max3A_433, %max3A_435, %max3A_437, %max3A_439, %max3A_441 : vector<16xf32>, vector<16xf32>, vector<16xf32>, vector<16xf32>, vector<16xf32>, vector<16xf32>, vector<16xf32>, vector<16xf32>, vector<16xf32>, vector<16xf32>, vector<16xf32>, vector<16xf32>, vector<16xf32>, vector<16xf32>, vector<16xf32>, vector<16xf32>, vector<16xf32>, vector<16xf32>, vector<16xf32>, vector<16xf32>
      }
      %scan3A_345 = arith.constant 8 : i32
      scf.yield %scan3A_344#0, %scan3A_344#1, %scan3A_344#2, %scan3A_344#3, %scan3A_344#4, %scan3A_344#5, %scan3A_344#6, %scan3A_344#7, %scan3A_344#8, %scan3A_344#9, %scan3A_344#10, %scan3A_344#11, %scan3A_344#12, %scan3A_344#13, %scan3A_344#14, %scan3A_344#15, %scan3A_344#16, %scan3A_344#17, %scan3A_344#18, %scan3A_344#19 : vector<16xf32>, vector<16xf32>, vector<16xf32>, vector<16xf32>, vector<16xf32>, vector<16xf32>, vector<16xf32>, vector<16xf32>, vector<16xf32>, vector<16xf32>, vector<16xf32>, vector<16xf32>, vector<16xf32>, vector<16xf32>, vector<16xf32>, vector<16xf32>, vector<16xf32>, vector<16xf32>, vector<16xf32>, vector<16xf32>
    }
    %while3A_78 = arith.constant 1 : i32
    %while3A_79:20 = scf.for %while3A_316 = %while3A_75 to %while3A_71 step %while3A_78 iter_args(%while3A_317 = %while3A_77#0, %while3A_318 = %while3A_77#1, %while3A_319 = %while3A_77#2, %while3A_320 = %while3A_77#3, %while3A_321 = %while3A_77#4, %while3A_322 = %while3A_77#5, %while3A_323 = %while3A_77#6, %while3A_324 = %while3A_77#7, %while3A_325 = %while3A_77#8, %while3A_326 = %while3A_77#9, %while3A_327 = %while3A_77#10, %while3A_328 = %while3A_77#11, %while3A_329 = %while3A_77#12, %while3A_330 = %while3A_77#13, %while3A_331 = %while3A_77#14, %while3A_332 = %while3A_77#15, %while3A_333 = %while3A_77#16, %while3A_334 = %while3A_77#17, %while3A_335 = %while3A_77#18, %while3A_336 = %while3A_77#19) -> (vector<16xf32>, vector<16xf32>, vector<16xf32>, vector<16xf32>, vector<16xf32>, vector<16xf32>, vector<16xf32>, vector<16xf32>, vector<16xf32>, vector<16xf32>, vector<16xf32>, vector<16xf32>, vector<16xf32>, vector<16xf32>, vector<16xf32>, vector<16xf32>, vector<16xf32>, vector<16xf32>, vector<16xf32>, vector<16xf32>)  : i32 {
      %get3A = arith.index_cast %while3A_316 : i32 to index
      %get3A_337 = memref.load %arg7[%get3A] : memref<32xi32, #tpu.memory_space<smem>>
      %mul3A_338 = arith.constant 512 : i32
      %mul3A_339 = arith.muli %get3A_337, %mul3A_338 : i32
      %scan3A_340 = arith.constant 0 : i32
      %scan3A_341 = arith.constant 8 : i32
      %scan3A_342 = arith.addi %scan3A_340, %scan3A_341 : i32
      %scan3A_343 = arith.constant 1 : i32
      %scan3A_344:20 = scf.for %scan3A_346 = %scan3A_340 to %scan3A_342 step %scan3A_343 iter_args(%scan3A_347 = %while3A_317, %scan3A_348 = %while3A_318, %scan3A_349 = %while3A_319, %scan3A_350 = %while3A_320, %scan3A_351 = %while3A_321, %scan3A_352 = %while3A_322, %scan3A_353 = %while3A_323, %scan3A_354 = %while3A_324, %scan3A_355 = %while3A_325, %scan3A_356 = %while3A_326, %scan3A_357 = %while3A_327, %scan3A_358 = %while3A_328, %scan3A_359 = %while3A_329, %scan3A_360 = %while3A_330, %scan3A_361 = %while3A_331, %scan3A_362 = %while3A_332, %scan3A_363 = %while3A_333, %scan3A_364 = %while3A_334, %scan3A_365 = %while3A_335, %scan3A_366 = %while3A_336) -> (vector<16xf32>, vector<16xf32>, vector<16xf32>, vector<16xf32>, vector<16xf32>, vector<16xf32>, vector<16xf32>, vector<16xf32>, vector<16xf32>, vector<16xf32>, vector<16xf32>, vector<16xf32>, vector<16xf32>, vector<16xf32>, vector<16xf32>, vector<16xf32>, vector<16xf32>, vector<16xf32>, vector<16xf32>, vector<16xf32>)  : i32 {
        %mul3A_367 = arith.constant 4 : i32
        %mul3A_368 = arith.muli %scan3A_346, %mul3A_367 : i32
        %add3A_369 = arith.constant 0 : i32
        %add3A_370 = arith.addi %mul3A_368, %add3A_369 : i32
        %mul3A_371 = arith.constant 16 : i32
        %mul3A_372 = arith.muli %add3A_370, %mul3A_371 : i32
        %add3A_373 = arith.addi %mul3A_339, %mul3A_372 : i32
        %get3A_374 = arith.index_cast %add3A_373 : i32 to index
        %get3A_375 = tpu.vector_load %arg4[%get3A_374] {strides = array<i32>} : memref<16384xf32, #tpu.memory_space<vmem>>, vector<16xf32>,
        %max3A_376 = arith.maximumf %scan3A_347, %get3A_375 : vector<16xf32>
        %min3A_377 = arith.minimumf %scan3A_347, %get3A_375 : vector<16xf32>
        %max3A_378 = arith.maximumf %scan3A_348, %min3A_377 : vector<16xf32>
        %min3A_379 = arith.minimumf %scan3A_348, %min3A_377 : vector<16xf32>
        %max3A_380 = arith.maximumf %scan3A_349, %min3A_379 : vector<16xf32>
        %min3A_381 = arith.minimumf %scan3A_349, %min3A_379 : vector<16xf32>
        %max3A_382 = arith.maximumf %scan3A_350, %min3A_381 : vector<16xf32>
        %min3A_383 = arith.minimumf %scan3A_350, %min3A_381 : vector<16xf32>
        %max3A_384 = arith.maximumf %scan3A_351, %min3A_383 : vector<16xf32>
        %min3A_385 = arith.minimumf %scan3A_351, %min3A_383 : vector<16xf32>
        %mul3A_386 = arith.constant 4 : i32
        %mul3A_387 = arith.muli %scan3A_346, %mul3A_386 : i32
        %add3A_388 = arith.constant 1 : i32
        %add3A_389 = arith.addi %mul3A_387, %add3A_388 : i32
        %mul3A_390 = arith.constant 16 : i32
        %mul3A_391 = arith.muli %add3A_389, %mul3A_390 : i32
        %add3A_392 = arith.addi %mul3A_339, %mul3A_391 : i32
        %get3A_393 = arith.index_cast %add3A_392 : i32 to index
        %get3A_394 = tpu.vector_load %arg4[%get3A_393] {strides = array<i32>} : memref<16384xf32, #tpu.memory_space<vmem>>, vector<16xf32>,
        %max3A_395 = arith.maximumf %scan3A_352, %get3A_394 : vector<16xf32>
        %min3A_396 = arith.minimumf %scan3A_352, %get3A_394 : vector<16xf32>
        %max3A_397 = arith.maximumf %scan3A_353, %min3A_396 : vector<16xf32>
        %min3A_398 = arith.minimumf %scan3A_353, %min3A_396 : vector<16xf32>
        %max3A_399 = arith.maximumf %scan3A_354, %min3A_398 : vector<16xf32>
        %min3A_400 = arith.minimumf %scan3A_354, %min3A_398 : vector<16xf32>
        %max3A_401 = arith.maximumf %scan3A_355, %min3A_400 : vector<16xf32>
        %min3A_402 = arith.minimumf %scan3A_355, %min3A_400 : vector<16xf32>
        %max3A_403 = arith.maximumf %scan3A_356, %min3A_402 : vector<16xf32>
        %min3A_404 = arith.minimumf %scan3A_356, %min3A_402 : vector<16xf32>
        %mul3A_405 = arith.constant 4 : i32
        %mul3A_406 = arith.muli %scan3A_346, %mul3A_405 : i32
        %add3A_407 = arith.constant 2 : i32
        %add3A_408 = arith.addi %mul3A_406, %add3A_407 : i32
        %mul3A_409 = arith.constant 16 : i32
        %mul3A_410 = arith.muli %add3A_408, %mul3A_409 : i32
        %add3A_411 = arith.addi %mul3A_339, %mul3A_410 : i32
        %get3A_412 = arith.index_cast %add3A_411 : i32 to index
        %get3A_413 = tpu.vector_load %arg4[%get3A_412] {strides = array<i32>} : memref<16384xf32, #tpu.memory_space<vmem>>, vector<16xf32>,
        %max3A_414 = arith.maximumf %scan3A_357, %get3A_413 : vector<16xf32>
        %min3A_415 = arith.minimumf %scan3A_357, %get3A_413 : vector<16xf32>
        %max3A_416 = arith.maximumf %scan3A_358, %min3A_415 : vector<16xf32>
        %min3A_417 = arith.minimumf %scan3A_358, %min3A_415 : vector<16xf32>
        %max3A_418 = arith.maximumf %scan3A_359, %min3A_417 : vector<16xf32>
        %min3A_419 = arith.minimumf %scan3A_359, %min3A_417 : vector<16xf32>
        %max3A_420 = arith.maximumf %scan3A_360, %min3A_419 : vector<16xf32>
        %min3A_421 = arith.minimumf %scan3A_360, %min3A_419 : vector<16xf32>
        %max3A_422 = arith.maximumf %scan3A_361, %min3A_421 : vector<16xf32>
        %min3A_423 = arith.minimumf %scan3A_361, %min3A_421 : vector<16xf32>
        %mul3A_424 = arith.constant 4 : i32
        %mul3A_425 = arith.muli %scan3A_346, %mul3A_424 : i32
        %add3A_426 = arith.constant 3 : i32
        %add3A_427 = arith.addi %mul3A_425, %add3A_426 : i32
        %mul3A_428 = arith.constant 16 : i32
        %mul3A_429 = arith.muli %add3A_427, %mul3A_428 : i32
        %add3A_430 = arith.addi %mul3A_339, %mul3A_429 : i32
        %get3A_431 = arith.index_cast %add3A_430 : i32 to index
        %get3A_432 = tpu.vector_load %arg4[%get3A_431] {strides = array<i32>} : memref<16384xf32, #tpu.memory_space<vmem>>, vector<16xf32>,
        %max3A_433 = arith.maximumf %scan3A_362, %get3A_432 : vector<16xf32>
        %min3A_434 = arith.minimumf %scan3A_362, %get3A_432 : vector<16xf32>
        %max3A_435 = arith.maximumf %scan3A_363, %min3A_434 : vector<16xf32>
        %min3A_436 = arith.minimumf %scan3A_363, %min3A_434 : vector<16xf32>
        %max3A_437 = arith.maximumf %scan3A_364, %min3A_436 : vector<16xf32>
        %min3A_438 = arith.minimumf %scan3A_364, %min3A_436 : vector<16xf32>
        %max3A_439 = arith.maximumf %scan3A_365, %min3A_438 : vector<16xf32>
        %min3A_440 = arith.minimumf %scan3A_365, %min3A_438 : vector<16xf32>
        %max3A_441 = arith.maximumf %scan3A_366, %min3A_440 : vector<16xf32>
        %min3A_442 = arith.minimumf %scan3A_366, %min3A_440 : vector<16xf32>
        scf.yield %max3A_376, %max3A_378, %max3A_380, %max3A_382, %max3A_384, %max3A_395, %max3A_397, %max3A_399, %max3A_401, %max3A_403, %max3A_414, %max3A_416, %max3A_418, %max3A_420, %max3A_422, %max3A_433, %max3A_435, %max3A_437, %max3A_439, %max3A_441 : vector<16xf32>, vector<16xf32>, vector<16xf32>, vector<16xf32>, vector<16xf32>, vector<16xf32>, vector<16xf32>, vector<16xf32>, vector<16xf32>, vector<16xf32>, vector<16xf32>, vector<16xf32>, vector<16xf32>, vector<16xf32>, vector<16xf32>, vector<16xf32>, vector<16xf32>, vector<16xf32>, vector<16xf32>, vector<16xf32>
      }
      %scan3A_345 = arith.constant 8 : i32
      scf.yield %scan3A_344#0, %scan3A_344#1, %scan3A_344#2, %scan3A_344#3, %scan3A_344#4, %scan3A_344#5, %scan3A_344#6, %scan3A_344#7, %scan3A_344#8, %scan3A_344#9, %scan3A_344#10, %scan3A_344#11, %scan3A_344#12, %scan3A_344#13, %scan3A_344#14, %scan3A_344#15, %scan3A_344#16, %scan3A_344#17, %scan3A_344#18, %scan3A_344#19 : vector<16xf32>, vector<16xf32>, vector<16xf32>, vector<16xf32>, vector<16xf32>, vector<16xf32>, vector<16xf32>, vector<16xf32>, vector<16xf32>, vector<16xf32>, vector<16xf32>, vector<16xf32>, vector<16xf32>, vector<16xf32>, vector<16xf32>, vector<16xf32>, vector<16xf32>, vector<16xf32>, vector<16xf32>, vector<16xf32>
    }
    %add3A_80 = arith.constant 2 : i32
    %add3A_81 = arith.addi %add3A_32, %add3A_80 : i32
    %lt3A = arith.constant 2 : i32
    %lt3A_82 = arith.cmpi slt, %add3A_81, %lt3A : i32
    %convert_element_type3A_83 = arith.extui %lt3A_82 : i1 to i32
    %cond3A_84 = arith.constant 0 : i32
    %cond3A_85 = arith.cmpi ne, %convert_element_type3A_83, %cond3A_84 : i32
    scf.if %cond3A_85 {
      %add3A_316 = arith.constant 2 : i32
      %add3A_317 = arith.addi %add3A_32, %add3A_316 : i32
      %add3A_318 = arith.constant 0 : i32
      %add3A_319 = arith.addi %add3A_4, %add3A_318 : i32
      %mul3A_320 = arith.constant 16384 : i32
      %mul3A_321 = arith.muli %add3A_317, %mul3A_320 : i32
      %dma_start3A_322 = arith.constant 0 : i32
      %dma_start3A_323 = tpu.memref_slice %arg4[%dma_start3A_322] : memref<16384xf32, #tpu.memory_space<vmem>> -> memref<16384xf32, #tpu.memory_space<vmem>>
      %dma_start3A_324 = tpu.memref_slice %arg2[%add3A_319, %mul3A_321] : memref<128x32768xf32, #tpu.memory_space<hbm>> -> memref<1x16384xf32, #tpu.memory_space<hbm>>
      %dma_start3A_325 = tpu.memref_squeeze %dma_start3A_324 : memref<1x16384xf32, #tpu.memory_space<hbm>> -> memref<16384xf32, #tpu.memory_space<hbm>>
      %dma_start3A_326 = arith.constant 0 : i32
      %dma_start3A_327 = tpu.memref_slice %arg4[%dma_start3A_326] : memref<16384xf32, #tpu.memory_space<vmem>> -> memref<16384xf32, #tpu.memory_space<vmem>>
      %dma_start3A_328 = tpu.memref_slice %arg2[%add3A_319, %mul3A_321] : memref<128x32768xf32, #tpu.memory_space<hbm>> -> memref<1x16384xf32, #tpu.memory_space<hbm>>
      %dma_start3A_329 = tpu.memref_squeeze %dma_start3A_328 : memref<1x16384xf32, #tpu.memory_space<hbm>> -> memref<16384xf32, #tpu.memory_space<hbm>>
      tpu.enqueue_dma source(%dma_start3A_329 : memref<16384xf32, #tpu.memory_space<hbm>>) target(%dma_start3A_327 : memref<16384xf32, #tpu.memory_space<vmem>>) target_semaphore(%arg9 : memref<!tpu.dma_semaphore, #tpu.memory_space<semaphore_mem>>)
    } else {
    }
    %mul3A_86 = arith.constant 2 : i32
    %mul3A_87 = arith.muli %scan3A, %mul3A_86 : i32
    %add3A_88 = arith.constant 1 : i32
    %add3A_89 = arith.addi %mul3A_87, %add3A_88 : i32
    %add3A_90 = arith.constant 0 : i32
    %add3A_91 = arith.addi %add3A_4, %add3A_90 : i32
    %mul3A_92 = arith.constant 16384 : i32
    %mul3A_93 = arith.muli %add3A_89, %mul3A_92 : i32
    %dma_wait3A_94 = arith.constant 0 : i32
    %dma_wait3A_95 = tpu.memref_slice %arg5[%dma_wait3A_94] : memref<16384xf32, #tpu.memory_space<vmem>> -> memref<16384xf32, #tpu.memory_space<vmem>>
    %dma_wait3A_96 = tpu.memref_slice %arg2[%add3A_91, %mul3A_93] : memref<128x32768xf32, #tpu.memory_space<hbm>> -> memref<1x16384xf32, #tpu.memory_space<hbm>>
    %dma_wait3A_97 = tpu.memref_squeeze %dma_wait3A_96 : memref<1x16384xf32, #tpu.memory_space<hbm>> -> memref<16384xf32, #tpu.memory_space<hbm>>
    %dma_wait3A_98 = arith.constant 0 : i32
    %dma_wait3A_99 = tpu.memref_slice %arg5[%dma_wait3A_98] : memref<16384xf32, #tpu.memory_space<vmem>> -> memref<16384xf32, #tpu.memory_space<vmem>>
    %dma_wait3A_100 = tpu.memref_slice %arg2[%add3A_91, %mul3A_93] : memref<128x32768xf32, #tpu.memory_space<hbm>> -> memref<1x16384xf32, #tpu.memory_space<hbm>>
    %dma_wait3A_101 = tpu.memref_squeeze %dma_wait3A_100 : memref<1x16384xf32, #tpu.memory_space<hbm>> -> memref<16384xf32, #tpu.memory_space<hbm>>
    tpu.wait_dma2 semaphore(%arg10 : memref<!tpu.dma_semaphore, #tpu.memory_space<semaphore_mem>>) src(%dma_wait3A_101 : memref<16384xf32, #tpu.memory_space<hbm>>) dst(%dma_wait3A_99 : memref<16384xf32, #tpu.memory_space<vmem>>)
    %parallel_loop3A_102 = arith.constant 0 : i32
    %parallel_loop3A_103 = arith.constant 32 : i32
    %parallel_loop3A_104 = arith.constant 1 : i32
    %parallel_loop3A_105 = scf.for %parallel_loop3A_316 = %parallel_loop3A_102 to %parallel_loop3A_103 step %parallel_loop3A_104 iter_args(%parallel_loop3A_317 = %broadcast_in_dim3A_5) -> (vector<16xf32>)  : i32 {
      %parallel_loop3A_318 = arith.constant 32 : i32
      %parallel_loop3A_319 = arith.muli %parallel_loop3A_316, %parallel_loop3A_318 : i32
      %parallel_loop3A_320 = arith.constant 16 : i32
      %parallel_loop3A_321 = arith.muli %parallel_loop3A_319, %parallel_loop3A_320 : i32
      %parallel_loop3A_322 = arith.constant 0 : i32
      %parallel_loop3A_323 = arith.addi %parallel_loop3A_321, %parallel_loop3A_322 : i32
      %parallel_loop3A_324 = arith.index_cast %parallel_loop3A_323 : i32 to index
      %parallel_loop3A_325 = tpu.vector_load %arg5[%parallel_loop3A_324] {strides = array<i32>} : memref<16384xf32, #tpu.memory_space<vmem>>, vector<16xf32>,
      %parallel_loop3A_326 = arith.constant 16 : i32
      %parallel_loop3A_327 = arith.addi %parallel_loop3A_321, %parallel_loop3A_326 : i32
      %parallel_loop3A_328 = arith.index_cast %parallel_loop3A_327 : i32 to index
      %parallel_loop3A_329 = tpu.vector_load %arg5[%parallel_loop3A_328] {strides = array<i32>} : memref<16384xf32, #tpu.memory_space<vmem>>, vector<16xf32>,
      %parallel_loop3A_330 = arith.constant 32 : i32
      %parallel_loop3A_331 = arith.addi %parallel_loop3A_321, %parallel_loop3A_330 : i32
      %parallel_loop3A_332 = arith.index_cast %parallel_loop3A_331 : i32 to index
      %parallel_loop3A_333 = tpu.vector_load %arg5[%parallel_loop3A_332] {strides = array<i32>} : memref<16384xf32, #tpu.memory_space<vmem>>, vector<16xf32>,
      %parallel_loop3A_334 = arith.constant 48 : i32
      %parallel_loop3A_335 = arith.addi %parallel_loop3A_321, %parallel_loop3A_334 : i32
      %parallel_loop3A_336 = arith.index_cast %parallel_loop3A_335 : i32 to index
      %parallel_loop3A_337 = tpu.vector_load %arg5[%parallel_loop3A_336] {strides = array<i32>} : memref<16384xf32, #tpu.memory_space<vmem>>, vector<16xf32>,
      %parallel_loop3A_338 = arith.constant 64 : i32
      %parallel_loop3A_339 = arith.addi %parallel_loop3A_321, %parallel_loop3A_338 : i32
      %parallel_loop3A_340 = arith.index_cast %parallel_loop3A_339 : i32 to index
      %parallel_loop3A_341 = tpu.vector_load %arg5[%parallel_loop3A_340] {strides = array<i32>} : memref<16384xf32, #tpu.memory_space<vmem>>, vector<16xf32>,
      %parallel_loop3A_342 = arith.constant 80 : i32
      %parallel_loop3A_343 = arith.addi %parallel_loop3A_321, %parallel_loop3A_342 : i32
      %parallel_loop3A_344 = arith.index_cast %parallel_loop3A_343 : i32 to index
      %parallel_loop3A_345 = tpu.vector_load %arg5[%parallel_loop3A_344] {strides = array<i32>} : memref<16384xf32, #tpu.memory_space<vmem>>, vector<16xf32>,
      %parallel_loop3A_346 = arith.constant 96 : i32
      %parallel_loop3A_347 = arith.addi %parallel_loop3A_321, %parallel_loop3A_346 : i32
      %parallel_loop3A_348 = arith.index_cast %parallel_loop3A_347 : i32 to index
      %parallel_loop3A_349 = tpu.vector_load %arg5[%parallel_loop3A_348] {strides = array<i32>} : memref<16384xf32, #tpu.memory_space<vmem>>, vector<16xf32>,
      %parallel_loop3A_350 = arith.constant 112 : i32
      %parallel_loop3A_351 = arith.addi %parallel_loop3A_321, %parallel_loop3A_350 : i32
      %parallel_loop3A_352 = arith.index_cast %parallel_loop3A_351 : i32 to index
      %parallel_loop3A_353 = tpu.vector_load %arg5[%parallel_loop3A_352] {strides = array<i32>} : memref<16384xf32, #tpu.memory_space<vmem>>, vector<16xf32>,
      %parallel_loop3A_354 = arith.constant 128 : i32
      %parallel_loop3A_355 = arith.addi %parallel_loop3A_321, %parallel_loop3A_354 : i32
      %parallel_loop3A_356 = arith.index_cast %parallel_loop3A_355 : i32 to index
      %parallel_loop3A_357 = tpu.vector_load %arg5[%parallel_loop3A_356] {strides = array<i32>} : memref<16384xf32, #tpu.memory_space<vmem>>, vector<16xf32>,
      %parallel_loop3A_358 = arith.constant 144 : i32
      %parallel_loop3A_359 = arith.addi %parallel_loop3A_321, %parallel_loop3A_358 : i32
      %parallel_loop3A_360 = arith.index_cast %parallel_loop3A_359 : i32 to index
      %parallel_loop3A_361 = tpu.vector_load %arg5[%parallel_loop3A_360] {strides = array<i32>} : memref<16384xf32, #tpu.memory_space<vmem>>, vector<16xf32>,
      %parallel_loop3A_362 = arith.constant 160 : i32
      %parallel_loop3A_363 = arith.addi %parallel_loop3A_321, %parallel_loop3A_362 : i32
      %parallel_loop3A_364 = arith.index_cast %parallel_loop3A_363 : i32 to index
      %parallel_loop3A_365 = tpu.vector_load %arg5[%parallel_loop3A_364] {strides = array<i32>} : memref<16384xf32, #tpu.memory_space<vmem>>, vector<16xf32>,
      %parallel_loop3A_366 = arith.constant 176 : i32
      %parallel_loop3A_367 = arith.addi %parallel_loop3A_321, %parallel_loop3A_366 : i32
      %parallel_loop3A_368 = arith.index_cast %parallel_loop3A_367 : i32 to index
      %parallel_loop3A_369 = tpu.vector_load %arg5[%parallel_loop3A_368] {strides = array<i32>} : memref<16384xf32, #tpu.memory_space<vmem>>, vector<16xf32>,
      %parallel_loop3A_370 = arith.constant 192 : i32
      %parallel_loop3A_371 = arith.addi %parallel_loop3A_321, %parallel_loop3A_370 : i32
      %parallel_loop3A_372 = arith.index_cast %parallel_loop3A_371 : i32 to index
      %parallel_loop3A_373 = tpu.vector_load %arg5[%parallel_loop3A_372] {strides = array<i32>} : memref<16384xf32, #tpu.memory_space<vmem>>, vector<16xf32>,
      %parallel_loop3A_374 = arith.constant 208 : i32
      %parallel_loop3A_375 = arith.addi %parallel_loop3A_321, %parallel_loop3A_374 : i32
      %parallel_loop3A_376 = arith.index_cast %parallel_loop3A_375 : i32 to index
      %parallel_loop3A_377 = tpu.vector_load %arg5[%parallel_loop3A_376] {strides = array<i32>} : memref<16384xf32, #tpu.memory_space<vmem>>, vector<16xf32>,
      %parallel_loop3A_378 = arith.constant 224 : i32
      %parallel_loop3A_379 = arith.addi %parallel_loop3A_321, %parallel_loop3A_378 : i32
      %parallel_loop3A_380 = arith.index_cast %parallel_loop3A_379 : i32 to index
      %parallel_loop3A_381 = tpu.vector_load %arg5[%parallel_loop3A_380] {strides = array<i32>} : memref<16384xf32, #tpu.memory_space<vmem>>, vector<16xf32>,
      %parallel_loop3A_382 = arith.constant 240 : i32
      %parallel_loop3A_383 = arith.addi %parallel_loop3A_321, %parallel_loop3A_382 : i32
      %parallel_loop3A_384 = arith.index_cast %parallel_loop3A_383 : i32 to index
      %parallel_loop3A_385 = tpu.vector_load %arg5[%parallel_loop3A_384] {strides = array<i32>} : memref<16384xf32, #tpu.memory_space<vmem>>, vector<16xf32>,
      %parallel_loop3A_386 = arith.constant 256 : i32
      %parallel_loop3A_387 = arith.addi %parallel_loop3A_321, %parallel_loop3A_386 : i32
      %parallel_loop3A_388 = arith.index_cast %parallel_loop3A_387 : i32 to index
      %parallel_loop3A_389 = tpu.vector_load %arg5[%parallel_loop3A_388] {strides = array<i32>} : memref<16384xf32, #tpu.memory_space<vmem>>, vector<16xf32>,
      %parallel_loop3A_390 = arith.constant 272 : i32
      %parallel_loop3A_391 = arith.addi %parallel_loop3A_321, %parallel_loop3A_390 : i32
      %parallel_loop3A_392 = arith.index_cast %parallel_loop3A_391 : i32 to index
      %parallel_loop3A_393 = tpu.vector_load %arg5[%parallel_loop3A_392] {strides = array<i32>} : memref<16384xf32, #tpu.memory_space<vmem>>, vector<16xf32>,
      %parallel_loop3A_394 = arith.constant 288 : i32
      %parallel_loop3A_395 = arith.addi %parallel_loop3A_321, %parallel_loop3A_394 : i32
      %parallel_loop3A_396 = arith.index_cast %parallel_loop3A_395 : i32 to index
      %parallel_loop3A_397 = tpu.vector_load %arg5[%parallel_loop3A_396] {strides = array<i32>} : memref<16384xf32, #tpu.memory_space<vmem>>, vector<16xf32>,
      %parallel_loop3A_398 = arith.constant 304 : i32
      %parallel_loop3A_399 = arith.addi %parallel_loop3A_321, %parallel_loop3A_398 : i32
      %parallel_loop3A_400 = arith.index_cast %parallel_loop3A_399 : i32 to index
      %parallel_loop3A_401 = tpu.vector_load %arg5[%parallel_loop3A_400] {strides = array<i32>} : memref<16384xf32, #tpu.memory_space<vmem>>, vector<16xf32>,
      %parallel_loop3A_402 = arith.constant 320 : i32
      %parallel_loop3A_403 = arith.addi %parallel_loop3A_321, %parallel_loop3A_402 : i32
      %parallel_loop3A_404 = arith.index_cast %parallel_loop3A_403 : i32 to index
      %parallel_loop3A_405 = tpu.vector_load %arg5[%parallel_loop3A_404] {strides = array<i32>} : memref<16384xf32, #tpu.memory_space<vmem>>, vector<16xf32>,
      %parallel_loop3A_406 = arith.constant 336 : i32
      %parallel_loop3A_407 = arith.addi %parallel_loop3A_321, %parallel_loop3A_406 : i32
      %parallel_loop3A_408 = arith.index_cast %parallel_loop3A_407 : i32 to index
      %parallel_loop3A_409 = tpu.vector_load %arg5[%parallel_loop3A_408] {strides = array<i32>} : memref<16384xf32, #tpu.memory_space<vmem>>, vector<16xf32>,
      %parallel_loop3A_410 = arith.constant 352 : i32
      %parallel_loop3A_411 = arith.addi %parallel_loop3A_321, %parallel_loop3A_410 : i32
      %parallel_loop3A_412 = arith.index_cast %parallel_loop3A_411 : i32 to index
      %parallel_loop3A_413 = tpu.vector_load %arg5[%parallel_loop3A_412] {strides = array<i32>} : memref<16384xf32, #tpu.memory_space<vmem>>, vector<16xf32>,
      %parallel_loop3A_414 = arith.constant 368 : i32
      %parallel_loop3A_415 = arith.addi %parallel_loop3A_321, %parallel_loop3A_414 : i32
      %parallel_loop3A_416 = arith.index_cast %parallel_loop3A_415 : i32 to index
      %parallel_loop3A_417 = tpu.vector_load %arg5[%parallel_loop3A_416] {strides = array<i32>} : memref<16384xf32, #tpu.memory_space<vmem>>, vector<16xf32>,
      %parallel_loop3A_418 = arith.constant 384 : i32
      %parallel_loop3A_419 = arith.addi %parallel_loop3A_321, %parallel_loop3A_418 : i32
      %parallel_loop3A_420 = arith.index_cast %parallel_loop3A_419 : i32 to index
      %parallel_loop3A_421 = tpu.vector_load %arg5[%parallel_loop3A_420] {strides = array<i32>} : memref<16384xf32, #tpu.memory_space<vmem>>, vector<16xf32>,
      %parallel_loop3A_422 = arith.constant 400 : i32
      %parallel_loop3A_423 = arith.addi %parallel_loop3A_321, %parallel_loop3A_422 : i32
      %parallel_loop3A_424 = arith.index_cast %parallel_loop3A_423 : i32 to index
      %parallel_loop3A_425 = tpu.vector_load %arg5[%parallel_loop3A_424] {strides = array<i32>} : memref<16384xf32, #tpu.memory_space<vmem>>, vector<16xf32>,
      %parallel_loop3A_426 = arith.constant 416 : i32
      %parallel_loop3A_427 = arith.addi %parallel_loop3A_321, %parallel_loop3A_426 : i32
      %parallel_loop3A_428 = arith.index_cast %parallel_loop3A_427 : i32 to index
      %parallel_loop3A_429 = tpu.vector_load %arg5[%parallel_loop3A_428] {strides = array<i32>} : memref<16384xf32, #tpu.memory_space<vmem>>, vector<16xf32>,
      %parallel_loop3A_430 = arith.constant 432 : i32
      %parallel_loop3A_431 = arith.addi %parallel_loop3A_321, %parallel_loop3A_430 : i32
      %parallel_loop3A_432 = arith.index_cast %parallel_loop3A_431 : i32 to index
      %parallel_loop3A_433 = tpu.vector_load %arg5[%parallel_loop3A_432] {strides = array<i32>} : memref<16384xf32, #tpu.memory_space<vmem>>, vector<16xf32>,
      %parallel_loop3A_434 = arith.constant 448 : i32
      %parallel_loop3A_435 = arith.addi %parallel_loop3A_321, %parallel_loop3A_434 : i32
      %parallel_loop3A_436 = arith.index_cast %parallel_loop3A_435 : i32 to index
      %parallel_loop3A_437 = tpu.vector_load %arg5[%parallel_loop3A_436] {strides = array<i32>} : memref<16384xf32, #tpu.memory_space<vmem>>, vector<16xf32>,
      %parallel_loop3A_438 = arith.constant 464 : i32
      %parallel_loop3A_439 = arith.addi %parallel_loop3A_321, %parallel_loop3A_438 : i32
      %parallel_loop3A_440 = arith.index_cast %parallel_loop3A_439 : i32 to index
      %parallel_loop3A_441 = tpu.vector_load %arg5[%parallel_loop3A_440] {strides = array<i32>} : memref<16384xf32, #tpu.memory_space<vmem>>, vector<16xf32>,
      %parallel_loop3A_442 = arith.constant 480 : i32
      %parallel_loop3A_443 = arith.addi %parallel_loop3A_321, %parallel_loop3A_442 : i32
      %parallel_loop3A_444 = arith.index_cast %parallel_loop3A_443 : i32 to index
      %parallel_loop3A_445 = tpu.vector_load %arg5[%parallel_loop3A_444] {strides = array<i32>} : memref<16384xf32, #tpu.memory_space<vmem>>, vector<16xf32>,
      %parallel_loop3A_446 = arith.constant 496 : i32
      %parallel_loop3A_447 = arith.addi %parallel_loop3A_321, %parallel_loop3A_446 : i32
      %parallel_loop3A_448 = arith.index_cast %parallel_loop3A_447 : i32 to index
      %parallel_loop3A_449 = tpu.vector_load %arg5[%parallel_loop3A_448] {strides = array<i32>} : memref<16384xf32, #tpu.memory_space<vmem>>, vector<16xf32>,
      %parallel_loop3A_450 = arith.maximumf %parallel_loop3A_325, %parallel_loop3A_329 : vector<16xf32>
      %parallel_loop3A_451 = arith.maximumf %parallel_loop3A_333, %parallel_loop3A_337 : vector<16xf32>
      %parallel_loop3A_452 = arith.maximumf %parallel_loop3A_341, %parallel_loop3A_345 : vector<16xf32>
      %parallel_loop3A_453 = arith.maximumf %parallel_loop3A_349, %parallel_loop3A_353 : vector<16xf32>
      %parallel_loop3A_454 = arith.maximumf %parallel_loop3A_357, %parallel_loop3A_361 : vector<16xf32>
      %parallel_loop3A_455 = arith.maximumf %parallel_loop3A_365, %parallel_loop3A_369 : vector<16xf32>
      %parallel_loop3A_456 = arith.maximumf %parallel_loop3A_373, %parallel_loop3A_377 : vector<16xf32>
      %parallel_loop3A_457 = arith.maximumf %parallel_loop3A_381, %parallel_loop3A_385 : vector<16xf32>
      %parallel_loop3A_458 = arith.maximumf %parallel_loop3A_389, %parallel_loop3A_393 : vector<16xf32>
      %parallel_loop3A_459 = arith.maximumf %parallel_loop3A_397, %parallel_loop3A_401 : vector<16xf32>
      %parallel_loop3A_460 = arith.maximumf %parallel_loop3A_405, %parallel_loop3A_409 : vector<16xf32>
      %parallel_loop3A_461 = arith.maximumf %parallel_loop3A_413, %parallel_loop3A_417 : vector<16xf32>
      %parallel_loop3A_462 = arith.maximumf %parallel_loop3A_421, %parallel_loop3A_425 : vector<16xf32>
      %parallel_loop3A_463 = arith.maximumf %parallel_loop3A_429, %parallel_loop3A_433 : vector<16xf32>
      %parallel_loop3A_464 = arith.maximumf %parallel_loop3A_437, %parallel_loop3A_441 : vector<16xf32>
      %parallel_loop3A_465 = arith.maximumf %parallel_loop3A_445, %parallel_loop3A_449 : vector<16xf32>
      %parallel_loop3A_466 = arith.maximumf %parallel_loop3A_450, %parallel_loop3A_451 : vector<16xf32>
      %parallel_loop3A_467 = arith.maximumf %parallel_loop3A_452, %parallel_loop3A_453 : vector<16xf32>
      %parallel_loop3A_468 = arith.maximumf %parallel_loop3A_454, %parallel_loop3A_455 : vector<16xf32>
      %parallel_loop3A_469 = arith.maximumf %parallel_loop3A_456, %parallel_loop3A_457 : vector<16xf32>
      %parallel_loop3A_470 = arith.maximumf %parallel_loop3A_458, %parallel_loop3A_459 : vector<16xf32>
      %parallel_loop3A_471 = arith.maximumf %parallel_loop3A_460, %parallel_loop3A_461 : vector<16xf32>
      %parallel_loop3A_472 = arith.maximumf %parallel_loop3A_462, %parallel_loop3A_463 : vector<16xf32>
      %parallel_loop3A_473 = arith.maximumf %parallel_loop3A_464, %parallel_loop3A_465 : vector<16xf32>
      %parallel_loop3A_474 = arith.maximumf %parallel_loop3A_466, %parallel_loop3A_467 : vector<16xf32>
      %parallel_loop3A_475 = arith.maximumf %parallel_loop3A_468, %parallel_loop3A_469 : vector<16xf32>
      %parallel_loop3A_476 = arith.maximumf %parallel_loop3A_470, %parallel_loop3A_471 : vector<16xf32>
      %parallel_loop3A_477 = arith.maximumf %parallel_loop3A_472, %parallel_loop3A_473 : vector<16xf32>
      %parallel_loop3A_478 = arith.maximumf %parallel_loop3A_474, %parallel_loop3A_475 : vector<16xf32>
      %parallel_loop3A_479 = arith.maximumf %parallel_loop3A_476, %parallel_loop3A_477 : vector<16xf32>
      %parallel_loop3A_480 = arith.maximumf %parallel_loop3A_478, %parallel_loop3A_479 : vector<16xf32>
      %parallel_loop3A_481 = arith.constant 16 : i32
      %parallel_loop3A_482 = arith.muli %parallel_loop3A_316, %parallel_loop3A_481 : i32
      %parallel_loop3A_483 = arith.index_cast %parallel_loop3A_482 : i32 to index
      %parallel_loop3A_484 = tpu.vector_load %arg6[%parallel_loop3A_483] {strides = array<i32>} : memref<512xf32, #tpu.memory_space<vmem>>, vector<16xf32>,
      tpu.vector_store %arg6[%parallel_loop3A_483], %parallel_loop3A_480 {strides = array<i32>} : memref<512xf32, #tpu.memory_space<vmem>>, vector<16xf32>,
      %parallel_loop3A_485 = arith.maximumf %parallel_loop3A_317, %parallel_loop3A_480 : vector<16xf32>
      scf.yield %parallel_loop3A_485 : vector<16xf32>
    } {sc.loop_unroll_factor = 1 : i64, sc.parallel_access}
    %max3A_106 = arith.maximumf %max3A, %parallel_loop3A_105 : vector<16xf32>
    %sort3A_107 = arith.constant dense<true> : vector<16xi1>
    %sort3A_108, %sort3A_109, %sort3A_110 = tpu.sort %max3A_106, %max3A_106 masked %sort3A_107 : (vector<16xf32>, vector<16xf32>, vector<16xi1>) -> (vector<16xi1>, vector<16xf32>, vector<16xf32>)
    %eq3A_111 = arith.constant 11 : i32
    %eq3A_112 = vector.broadcast %eq3A_111 : i32 to vector<16xi32>
    %eq3A_113 = arith.cmpi eq, %iota3A, %eq3A_112 : vector<16xi32>
    %jit3A_114 = arith.constant 0xFF800000 : f32
    %broadcast_in_dim3A_115 = vector.broadcast %jit3A_114 : f32 to vector<16xf32>
    %select_n3A_116 = arith.select %eq3A_113, %sort3A_109, %broadcast_in_dim3A_115 : vector<16xi1>, vector<16xf32>
    %reduce_max3A_117 = arith.constant true
    %reduce_max3A_118 = vector.broadcast %reduce_max3A_117 : i1 to vector<16xi1>
    %reduce_max3A_119 = tpu.scan <max>, %select_n3A_116 masked %reduce_max3A_118 : vector<16xf32>, vector<16xi1> -> vector<16xf32>
    %reduce_max3A_120 = vector.extract %reduce_max3A_119[15] : f32 from vector<16xf32>
    %ge3A_121 = vector.broadcast %reduce_max3A_120 : f32 to vector<16xf32>
    %ge3A_122 = arith.cmpf oge, %parallel_loop3A_105, %ge3A_121 : vector<16xf32>
    %reduce_or3A_123 = arith.constant 1.000000e+00 : f32
    %reduce_or3A_124 = arith.constant 0.000000e+00 : f32
    %reduce_or3A_125 = vector.broadcast %reduce_or3A_123 : f32 to vector<16xf32>
    %reduce_or3A_126 = vector.broadcast %reduce_or3A_124 : f32 to vector<16xf32>
    %reduce_or3A_127 = arith.select %ge3A_122, %reduce_or3A_125, %reduce_or3A_126 : vector<16xi1>, vector<16xf32>
    %reduce_or3A_128 = arith.constant true
    %reduce_or3A_129 = vector.broadcast %reduce_or3A_128 : i1 to vector<16xi1>
    %reduce_or3A_130 = tpu.scan <max>, %reduce_or3A_127 masked %reduce_or3A_129 : vector<16xf32>, vector<16xi1> -> vector<16xf32>
    %reduce_or3A_131 = vector.extract %reduce_or3A_130[15] : f32 from vector<16xf32>
    %reduce_or3A_132 = arith.constant 0.000000e+00 : f32
    %reduce_or3A_133 = arith.cmpf ogt, %reduce_or3A_131, %reduce_or3A_132 : f32
    %convert_element_type3A_134 = arith.extui %reduce_or3A_133 : i1 to i32
    %cond3A_135 = arith.constant 0 : i32
    %cond3A_136 = arith.constant 0 : i32
    %cond3A_137 = arith.cmpi ne, %convert_element_type3A_134, %cond3A_136 : i32
    %cond3A_138 = scf.if %cond3A_137 -> (i32) {
      %scan3A_316 = arith.constant 0 : i32
      %scan3A_317 = arith.constant 0 : i32
      %scan3A_318 = arith.constant 32 : i32
      %scan3A_319 = arith.addi %scan3A_317, %scan3A_318 : i32
      %scan3A_320 = arith.constant 1 : i32
      %scan3A_321 = scf.for %scan3A_323 = %scan3A_317 to %scan3A_319 step %scan3A_320 iter_args(%scan3A_324 = %scan3A_316) -> (i32)  : i32 {
        %mul3A_325 = arith.constant 16 : i32
        %mul3A_326 = arith.muli %scan3A_323, %mul3A_325 : i32
        %get3A = arith.index_cast %mul3A_326 : i32 to index
        %get3A_327 = tpu.vector_load %arg6[%get3A] {strides = array<i32>} : memref<512xf32, #tpu.memory_space<vmem>>, vector<16xf32>,
        %ge3A_328 = vector.broadcast %reduce_max3A_120 : f32 to vector<16xf32>
        %ge3A_329 = arith.cmpf oge, %get3A_327, %ge3A_328 : vector<16xf32>
        %reduce_or3A_330 = arith.constant 1.000000e+00 : f32
        %reduce_or3A_331 = arith.constant 0.000000e+00 : f32
        %reduce_or3A_332 = vector.broadcast %reduce_or3A_330 : f32 to vector<16xf32>
        %reduce_or3A_333 = vector.broadcast %reduce_or3A_331 : f32 to vector<16xf32>
        %reduce_or3A_334 = arith.select %ge3A_329, %reduce_or3A_332, %reduce_or3A_333 : vector<16xi1>, vector<16xf32>
        %reduce_or3A_335 = arith.constant true
        %reduce_or3A_336 = vector.broadcast %reduce_or3A_335 : i1 to vector<16xi1>
        %reduce_or3A_337 = tpu.scan <max>, %reduce_or3A_334 masked %reduce_or3A_336 : vector<16xf32>, vector<16xi1> -> vector<16xf32>
        %reduce_or3A_338 = vector.extract %reduce_or3A_337[15] : f32 from vector<16xf32>
        %reduce_or3A_339 = arith.constant 0.000000e+00 : f32
        %reduce_or3A_340 = arith.cmpf ogt, %reduce_or3A_338, %reduce_or3A_339 : f32
        %swap3A_341 = arith.index_cast %scan3A_324 : i32 to index
        %swap3A_342 = memref.load %arg7[%swap3A_341] : memref<32xi32, #tpu.memory_space<smem>>
        memref.store %scan3A_323, %arg7[%swap3A_341] : memref<32xi32, #tpu.memory_space<smem>>
        %convert_element_type3A_343 = arith.extui %reduce_or3A_340 : i1 to i32
        %add3A_344 = arith.addi %scan3A_324, %convert_element_type3A_343 : i32
        scf.yield %add3A_344 : i32
      }
      %scan3A_322 = arith.constant 32 : i32
      scf.yield %scan3A_321 : i32
    } else {
      %cond3A_316 = arith.constant 0 : i32
      scf.yield %cond3A_316 : i32
    }
    %while3A_139 = arith.constant 0 : i32
    %while3A_140 = arith.subi %cond3A_138, %while3A_139 : i32
    %while3A_141 = arith.addi %while3A_139, %while3A_140 : i32
    %while3A_142 = arith.constant 1 : i32
    %while3A_143 = arith.divsi %while3A_140, %while3A_142 : i32
    %while3A_144 = arith.muli %while3A_143, %while3A_142 : i32
    %while3A_145 = arith.addi %while3A_139, %while3A_144 : i32
    %while3A_146 = arith.constant 1 : i32
    %while3A_147:20 = scf.for %while3A_316 = %while3A_139 to %while3A_145 step %while3A_146 iter_args(%while3A_317 = %while3A_79#0, %while3A_318 = %while3A_79#1, %while3A_319 = %while3A_79#2, %while3A_320 = %while3A_79#3, %while3A_321 = %while3A_79#4, %while3A_322 = %while3A_79#5, %while3A_323 = %while3A_79#6, %while3A_324 = %while3A_79#7, %while3A_325 = %while3A_79#8, %while3A_326 = %while3A_79#9, %while3A_327 = %while3A_79#10, %while3A_328 = %while3A_79#11, %while3A_329 = %while3A_79#12, %while3A_330 = %while3A_79#13, %while3A_331 = %while3A_79#14, %while3A_332 = %while3A_79#15, %while3A_333 = %while3A_79#16, %while3A_334 = %while3A_79#17, %while3A_335 = %while3A_79#18, %while3A_336 = %while3A_79#19) -> (vector<16xf32>, vector<16xf32>, vector<16xf32>, vector<16xf32>, vector<16xf32>, vector<16xf32>, vector<16xf32>, vector<16xf32>, vector<16xf32>, vector<16xf32>, vector<16xf32>, vector<16xf32>, vector<16xf32>, vector<16xf32>, vector<16xf32>, vector<16xf32>, vector<16xf32>, vector<16xf32>, vector<16xf32>, vector<16xf32>)  : i32 {
      %get3A = arith.index_cast %while3A_316 : i32 to index
      %get3A_337 = memref.load %arg7[%get3A] : memref<32xi32, #tpu.memory_space<smem>>
      %mul3A_338 = arith.constant 512 : i32
      %mul3A_339 = arith.muli %get3A_337, %mul3A_338 : i32
      %scan3A_340 = arith.constant 0 : i32
      %scan3A_341 = arith.constant 8 : i32
      %scan3A_342 = arith.addi %scan3A_340, %scan3A_341 : i32
      %scan3A_343 = arith.constant 1 : i32
      %scan3A_344:20 = scf.for %scan3A_346 = %scan3A_340 to %scan3A_342 step %scan3A_343 iter_args(%scan3A_347 = %while3A_317, %scan3A_348 = %while3A_318, %scan3A_349 = %while3A_319, %scan3A_350 = %while3A_320, %scan3A_351 = %while3A_321, %scan3A_352 = %while3A_322, %scan3A_353 = %while3A_323, %scan3A_354 = %while3A_324, %scan3A_355 = %while3A_325, %scan3A_356 = %while3A_326, %scan3A_357 = %while3A_327, %scan3A_358 = %while3A_328, %scan3A_359 = %while3A_329, %scan3A_360 = %while3A_330, %scan3A_361 = %while3A_331, %scan3A_362 = %while3A_332, %scan3A_363 = %while3A_333, %scan3A_364 = %while3A_334, %scan3A_365 = %while3A_335, %scan3A_366 = %while3A_336) -> (vector<16xf32>, vector<16xf32>, vector<16xf32>, vector<16xf32>, vector<16xf32>, vector<16xf32>, vector<16xf32>, vector<16xf32>, vector<16xf32>, vector<16xf32>, vector<16xf32>, vector<16xf32>, vector<16xf32>, vector<16xf32>, vector<16xf32>, vector<16xf32>, vector<16xf32>, vector<16xf32>, vector<16xf32>, vector<16xf32>)  : i32 {
        %mul3A_367 = arith.constant 4 : i32
        %mul3A_368 = arith.muli %scan3A_346, %mul3A_367 : i32
        %add3A_369 = arith.constant 0 : i32
        %add3A_370 = arith.addi %mul3A_368, %add3A_369 : i32
        %mul3A_371 = arith.constant 16 : i32
        %mul3A_372 = arith.muli %add3A_370, %mul3A_371 : i32
        %add3A_373 = arith.addi %mul3A_339, %mul3A_372 : i32
        %get3A_374 = arith.index_cast %add3A_373 : i32 to index
        %get3A_375 = tpu.vector_load %arg5[%get3A_374] {strides = array<i32>} : memref<16384xf32, #tpu.memory_space<vmem>>, vector<16xf32>,
        %max3A_376 = arith.maximumf %scan3A_347, %get3A_375 : vector<16xf32>
        %min3A_377 = arith.minimumf %scan3A_347, %get3A_375 : vector<16xf32>
        %max3A_378 = arith.maximumf %scan3A_348, %min3A_377 : vector<16xf32>
        %min3A_379 = arith.minimumf %scan3A_348, %min3A_377 : vector<16xf32>
        %max3A_380 = arith.maximumf %scan3A_349, %min3A_379 : vector<16xf32>
        %min3A_381 = arith.minimumf %scan3A_349, %min3A_379 : vector<16xf32>
        %max3A_382 = arith.maximumf %scan3A_350, %min3A_381 : vector<16xf32>
        %min3A_383 = arith.minimumf %scan3A_350, %min3A_381 : vector<16xf32>
        %max3A_384 = arith.maximumf %scan3A_351, %min3A_383 : vector<16xf32>
        %min3A_385 = arith.minimumf %scan3A_351, %min3A_383 : vector<16xf32>
        %mul3A_386 = arith.constant 4 : i32
        %mul3A_387 = arith.muli %scan3A_346, %mul3A_386 : i32
        %add3A_388 = arith.constant 1 : i32
        %add3A_389 = arith.addi %mul3A_387, %add3A_388 : i32
        %mul3A_390 = arith.constant 16 : i32
        %mul3A_391 = arith.muli %add3A_389, %mul3A_390 : i32
        %add3A_392 = arith.addi %mul3A_339, %mul3A_391 : i32
        %get3A_393 = arith.index_cast %add3A_392 : i32 to index
        %get3A_394 = tpu.vector_load %arg5[%get3A_393] {strides = array<i32>} : memref<16384xf32, #tpu.memory_space<vmem>>, vector<16xf32>,
        %max3A_395 = arith.maximumf %scan3A_352, %get3A_394 : vector<16xf32>
        %min3A_396 = arith.minimumf %scan3A_352, %get3A_394 : vector<16xf32>
        %max3A_397 = arith.maximumf %scan3A_353, %min3A_396 : vector<16xf32>
        %min3A_398 = arith.minimumf %scan3A_353, %min3A_396 : vector<16xf32>
        %max3A_399 = arith.maximumf %scan3A_354, %min3A_398 : vector<16xf32>
        %min3A_400 = arith.minimumf %scan3A_354, %min3A_398 : vector<16xf32>
        %max3A_401 = arith.maximumf %scan3A_355, %min3A_400 : vector<16xf32>
        %min3A_402 = arith.minimumf %scan3A_355, %min3A_400 : vector<16xf32>
        %max3A_403 = arith.maximumf %scan3A_356, %min3A_402 : vector<16xf32>
        %min3A_404 = arith.minimumf %scan3A_356, %min3A_402 : vector<16xf32>
        %mul3A_405 = arith.constant 4 : i32
        %mul3A_406 = arith.muli %scan3A_346, %mul3A_405 : i32
        %add3A_407 = arith.constant 2 : i32
        %add3A_408 = arith.addi %mul3A_406, %add3A_407 : i32
        %mul3A_409 = arith.constant 16 : i32
        %mul3A_410 = arith.muli %add3A_408, %mul3A_409 : i32
        %add3A_411 = arith.addi %mul3A_339, %mul3A_410 : i32
        %get3A_412 = arith.index_cast %add3A_411 : i32 to index
        %get3A_413 = tpu.vector_load %arg5[%get3A_412] {strides = array<i32>} : memref<16384xf32, #tpu.memory_space<vmem>>, vector<16xf32>,
        %max3A_414 = arith.maximumf %scan3A_357, %get3A_413 : vector<16xf32>
        %min3A_415 = arith.minimumf %scan3A_357, %get3A_413 : vector<16xf32>
        %max3A_416 = arith.maximumf %scan3A_358, %min3A_415 : vector<16xf32>
        %min3A_417 = arith.minimumf %scan3A_358, %min3A_415 : vector<16xf32>
        %max3A_418 = arith.maximumf %scan3A_359, %min3A_417 : vector<16xf32>
        %min3A_419 = arith.minimumf %scan3A_359, %min3A_417 : vector<16xf32>
        %max3A_420 = arith.maximumf %scan3A_360, %min3A_419 : vector<16xf32>
        %min3A_421 = arith.minimumf %scan3A_360, %min3A_419 : vector<16xf32>
        %max3A_422 = arith.maximumf %scan3A_361, %min3A_421 : vector<16xf32>
        %min3A_423 = arith.minimumf %scan3A_361, %min3A_421 : vector<16xf32>
        %mul3A_424 = arith.constant 4 : i32
        %mul3A_425 = arith.muli %scan3A_346, %mul3A_424 : i32
        %add3A_426 = arith.constant 3 : i32
        %add3A_427 = arith.addi %mul3A_425, %add3A_426 : i32
        %mul3A_428 = arith.constant 16 : i32
        %mul3A_429 = arith.muli %add3A_427, %mul3A_428 : i32
        %add3A_430 = arith.addi %mul3A_339, %mul3A_429 : i32
        %get3A_431 = arith.index_cast %add3A_430 : i32 to index
        %get3A_432 = tpu.vector_load %arg5[%get3A_431] {strides = array<i32>} : memref<16384xf32, #tpu.memory_space<vmem>>, vector<16xf32>,
        %max3A_433 = arith.maximumf %scan3A_362, %get3A_432 : vector<16xf32>
        %min3A_434 = arith.minimumf %scan3A_362, %get3A_432 : vector<16xf32>
        %max3A_435 = arith.maximumf %scan3A_363, %min3A_434 : vector<16xf32>
        %min3A_436 = arith.minimumf %scan3A_363, %min3A_434 : vector<16xf32>
        %max3A_437 = arith.maximumf %scan3A_364, %min3A_436 : vector<16xf32>
        %min3A_438 = arith.minimumf %scan3A_364, %min3A_436 : vector<16xf32>
        %max3A_439 = arith.maximumf %scan3A_365, %min3A_438 : vector<16xf32>
        %min3A_440 = arith.minimumf %scan3A_365, %min3A_438 : vector<16xf32>
        %max3A_441 = arith.maximumf %scan3A_366, %min3A_440 : vector<16xf32>
        %min3A_442 = arith.minimumf %scan3A_366, %min3A_440 : vector<16xf32>
        scf.yield %max3A_376, %max3A_378, %max3A_380, %max3A_382, %max3A_384, %max3A_395, %max3A_397, %max3A_399, %max3A_401, %max3A_403, %max3A_414, %max3A_416, %max3A_418, %max3A_420, %max3A_422, %max3A_433, %max3A_435, %max3A_437, %max3A_439, %max3A_441 : vector<16xf32>, vector<16xf32>, vector<16xf32>, vector<16xf32>, vector<16xf32>, vector<16xf32>, vector<16xf32>, vector<16xf32>, vector<16xf32>, vector<16xf32>, vector<16xf32>, vector<16xf32>, vector<16xf32>, vector<16xf32>, vector<16xf32>, vector<16xf32>, vector<16xf32>, vector<16xf32>, vector<16xf32>, vector<16xf32>
      }
      %scan3A_345 = arith.constant 8 : i32
      scf.yield %scan3A_344#0, %scan3A_344#1, %scan3A_344#2, %scan3A_344#3, %scan3A_344#4, %scan3A_344#5, %scan3A_344#6, %scan3A_344#7, %scan3A_344#8, %scan3A_344#9, %scan3A_344#10, %scan3A_344#11, %scan3A_344#12, %scan3A_344#13, %scan3A_344#14, %scan3A_344#15, %scan3A_344#16, %scan3A_344#17, %scan3A_344#18, %scan3A_344#19 : vector<16xf32>, vector<16xf32>, vector<16xf32>, vector<16xf32>, vector<16xf32>, vector<16xf32>, vector<16xf32>, vector<16xf32>, vector<16xf32>, vector<16xf32>, vector<16xf32>, vector<16xf32>, vector<16xf32>, vector<16xf32>, vector<16xf32>, vector<16xf32>, vector<16xf32>, vector<16xf32>, vector<16xf32>, vector<16xf32>
    }
    %while3A_148 = arith.constant 1 : i32
    %while3A_149:20 = scf.for %while3A_316 = %while3A_145 to %while3A_141 step %while3A_148 iter_args(%while3A_317 = %while3A_147#0, %while3A_318 = %while3A_147#1, %while3A_319 = %while3A_147#2, %while3A_320 = %while3A_147#3, %while3A_321 = %while3A_147#4, %while3A_322 = %while3A_147#5, %while3A_323 = %while3A_147#6, %while3A_324 = %while3A_147#7, %while3A_325 = %while3A_147#8, %while3A_326 = %while3A_147#9, %while3A_327 = %while3A_147#10, %while3A_328 = %while3A_147#11, %while3A_329 = %while3A_147#12, %while3A_330 = %while3A_147#13, %while3A_331 = %while3A_147#14, %while3A_332 = %while3A_147#15, %while3A_333 = %while3A_147#16, %while3A_334 = %while3A_147#17, %while3A_335 = %while3A_147#18, %while3A_336 = %while3A_147#19) -> (vector<16xf32>, vector<16xf32>, vector<16xf32>, vector<16xf32>, vector<16xf32>, vector<16xf32>, vector<16xf32>, vector<16xf32>, vector<16xf32>, vector<16xf32>, vector<16xf32>, vector<16xf32>, vector<16xf32>, vector<16xf32>, vector<16xf32>, vector<16xf32>, vector<16xf32>, vector<16xf32>, vector<16xf32>, vector<16xf32>)  : i32 {
      %get3A = arith.index_cast %while3A_316 : i32 to index
      %get3A_337 = memref.load %arg7[%get3A] : memref<32xi32, #tpu.memory_space<smem>>
      %mul3A_338 = arith.constant 512 : i32
      %mul3A_339 = arith.muli %get3A_337, %mul3A_338 : i32
      %scan3A_340 = arith.constant 0 : i32
      %scan3A_341 = arith.constant 8 : i32
      %scan3A_342 = arith.addi %scan3A_340, %scan3A_341 : i32
      %scan3A_343 = arith.constant 1 : i32
      %scan3A_344:20 = scf.for %scan3A_346 = %scan3A_340 to %scan3A_342 step %scan3A_343 iter_args(%scan3A_347 = %while3A_317, %scan3A_348 = %while3A_318, %scan3A_349 = %while3A_319, %scan3A_350 = %while3A_320, %scan3A_351 = %while3A_321, %scan3A_352 = %while3A_322, %scan3A_353 = %while3A_323, %scan3A_354 = %while3A_324, %scan3A_355 = %while3A_325, %scan3A_356 = %while3A_326, %scan3A_357 = %while3A_327, %scan3A_358 = %while3A_328, %scan3A_359 = %while3A_329, %scan3A_360 = %while3A_330, %scan3A_361 = %while3A_331, %scan3A_362 = %while3A_332, %scan3A_363 = %while3A_333, %scan3A_364 = %while3A_334, %scan3A_365 = %while3A_335, %scan3A_366 = %while3A_336) -> (vector<16xf32>, vector<16xf32>, vector<16xf32>, vector<16xf32>, vector<16xf32>, vector<16xf32>, vector<16xf32>, vector<16xf32>, vector<16xf32>, vector<16xf32>, vector<16xf32>, vector<16xf32>, vector<16xf32>, vector<16xf32>, vector<16xf32>, vector<16xf32>, vector<16xf32>, vector<16xf32>, vector<16xf32>, vector<16xf32>)  : i32 {
        %mul3A_367 = arith.constant 4 : i32
        %mul3A_368 = arith.muli %scan3A_346, %mul3A_367 : i32
        %add3A_369 = arith.constant 0 : i32
        %add3A_370 = arith.addi %mul3A_368, %add3A_369 : i32
        %mul3A_371 = arith.constant 16 : i32
        %mul3A_372 = arith.muli %add3A_370, %mul3A_371 : i32
        %add3A_373 = arith.addi %mul3A_339, %mul3A_372 : i32
        %get3A_374 = arith.index_cast %add3A_373 : i32 to index
        %get3A_375 = tpu.vector_load %arg5[%get3A_374] {strides = array<i32>} : memref<16384xf32, #tpu.memory_space<vmem>>, vector<16xf32>,
        %max3A_376 = arith.maximumf %scan3A_347, %get3A_375 : vector<16xf32>
        %min3A_377 = arith.minimumf %scan3A_347, %get3A_375 : vector<16xf32>
        %max3A_378 = arith.maximumf %scan3A_348, %min3A_377 : vector<16xf32>
        %min3A_379 = arith.minimumf %scan3A_348, %min3A_377 : vector<16xf32>
        %max3A_380 = arith.maximumf %scan3A_349, %min3A_379 : vector<16xf32>
        %min3A_381 = arith.minimumf %scan3A_349, %min3A_379 : vector<16xf32>
        %max3A_382 = arith.maximumf %scan3A_350, %min3A_381 : vector<16xf32>
        %min3A_383 = arith.minimumf %scan3A_350, %min3A_381 : vector<16xf32>
        %max3A_384 = arith.maximumf %scan3A_351, %min3A_383 : vector<16xf32>
        %min3A_385 = arith.minimumf %scan3A_351, %min3A_383 : vector<16xf32>
        %mul3A_386 = arith.constant 4 : i32
        %mul3A_387 = arith.muli %scan3A_346, %mul3A_386 : i32
        %add3A_388 = arith.constant 1 : i32
        %add3A_389 = arith.addi %mul3A_387, %add3A_388 : i32
        %mul3A_390 = arith.constant 16 : i32
        %mul3A_391 = arith.muli %add3A_389, %mul3A_390 : i32
        %add3A_392 = arith.addi %mul3A_339, %mul3A_391 : i32
        %get3A_393 = arith.index_cast %add3A_392 : i32 to index
        %get3A_394 = tpu.vector_load %arg5[%get3A_393] {strides = array<i32>} : memref<16384xf32, #tpu.memory_space<vmem>>, vector<16xf32>,
        %max3A_395 = arith.maximumf %scan3A_352, %get3A_394 : vector<16xf32>
        %min3A_396 = arith.minimumf %scan3A_352, %get3A_394 : vector<16xf32>
        %max3A_397 = arith.maximumf %scan3A_353, %min3A_396 : vector<16xf32>
        %min3A_398 = arith.minimumf %scan3A_353, %min3A_396 : vector<16xf32>
        %max3A_399 = arith.maximumf %scan3A_354, %min3A_398 : vector<16xf32>
        %min3A_400 = arith.minimumf %scan3A_354, %min3A_398 : vector<16xf32>
        %max3A_401 = arith.maximumf %scan3A_355, %min3A_400 : vector<16xf32>
        %min3A_402 = arith.minimumf %scan3A_355, %min3A_400 : vector<16xf32>
        %max3A_403 = arith.maximumf %scan3A_356, %min3A_402 : vector<16xf32>
        %min3A_404 = arith.minimumf %scan3A_356, %min3A_402 : vector<16xf32>
        %mul3A_405 = arith.constant 4 : i32
        %mul3A_406 = arith.muli %scan3A_346, %mul3A_405 : i32
        %add3A_407 = arith.constant 2 : i32
        %add3A_408 = arith.addi %mul3A_406, %add3A_407 : i32
        %mul3A_409 = arith.constant 16 : i32
        %mul3A_410 = arith.muli %add3A_408, %mul3A_409 : i32
        %add3A_411 = arith.addi %mul3A_339, %mul3A_410 : i32
        %get3A_412 = arith.index_cast %add3A_411 : i32 to index
        %get3A_413 = tpu.vector_load %arg5[%get3A_412] {strides = array<i32>} : memref<16384xf32, #tpu.memory_space<vmem>>, vector<16xf32>,
        %max3A_414 = arith.maximumf %scan3A_357, %get3A_413 : vector<16xf32>
        %min3A_415 = arith.minimumf %scan3A_357, %get3A_413 : vector<16xf32>
        %max3A_416 = arith.maximumf %scan3A_358, %min3A_415 : vector<16xf32>
        %min3A_417 = arith.minimumf %scan3A_358, %min3A_415 : vector<16xf32>
        %max3A_418 = arith.maximumf %scan3A_359, %min3A_417 : vector<16xf32>
        %min3A_419 = arith.minimumf %scan3A_359, %min3A_417 : vector<16xf32>
        %max3A_420 = arith.maximumf %scan3A_360, %min3A_419 : vector<16xf32>
        %min3A_421 = arith.minimumf %scan3A_360, %min3A_419 : vector<16xf32>
        %max3A_422 = arith.maximumf %scan3A_361, %min3A_421 : vector<16xf32>
        %min3A_423 = arith.minimumf %scan3A_361, %min3A_421 : vector<16xf32>
        %mul3A_424 = arith.constant 4 : i32
        %mul3A_425 = arith.muli %scan3A_346, %mul3A_424 : i32
        %add3A_426 = arith.constant 3 : i32
        %add3A_427 = arith.addi %mul3A_425, %add3A_426 : i32
        %mul3A_428 = arith.constant 16 : i32
        %mul3A_429 = arith.muli %add3A_427, %mul3A_428 : i32
        %add3A_430 = arith.addi %mul3A_339, %mul3A_429 : i32
        %get3A_431 = arith.index_cast %add3A_430 : i32 to index
        %get3A_432 = tpu.vector_load %arg5[%get3A_431] {strides = array<i32>} : memref<16384xf32, #tpu.memory_space<vmem>>, vector<16xf32>,
        %max3A_433 = arith.maximumf %scan3A_362, %get3A_432 : vector<16xf32>
        %min3A_434 = arith.minimumf %scan3A_362, %get3A_432 : vector<16xf32>
        %max3A_435 = arith.maximumf %scan3A_363, %min3A_434 : vector<16xf32>
        %min3A_436 = arith.minimumf %scan3A_363, %min3A_434 : vector<16xf32>
        %max3A_437 = arith.maximumf %scan3A_364, %min3A_436 : vector<16xf32>
        %min3A_438 = arith.minimumf %scan3A_364, %min3A_436 : vector<16xf32>
        %max3A_439 = arith.maximumf %scan3A_365, %min3A_438 : vector<16xf32>
        %min3A_440 = arith.minimumf %scan3A_365, %min3A_438 : vector<16xf32>
        %max3A_441 = arith.maximumf %scan3A_366, %min3A_440 : vector<16xf32>
        %min3A_442 = arith.minimumf %scan3A_366, %min3A_440 : vector<16xf32>
        scf.yield %max3A_376, %max3A_378, %max3A_380, %max3A_382, %max3A_384, %max3A_395, %max3A_397, %max3A_399, %max3A_401, %max3A_403, %max3A_414, %max3A_416, %max3A_418, %max3A_420, %max3A_422, %max3A_433, %max3A_435, %max3A_437, %max3A_439, %max3A_441 : vector<16xf32>, vector<16xf32>, vector<16xf32>, vector<16xf32>, vector<16xf32>, vector<16xf32>, vector<16xf32>, vector<16xf32>, vector<16xf32>, vector<16xf32>, vector<16xf32>, vector<16xf32>, vector<16xf32>, vector<16xf32>, vector<16xf32>, vector<16xf32>, vector<16xf32>, vector<16xf32>, vector<16xf32>, vector<16xf32>
      }
      %scan3A_345 = arith.constant 8 : i32
      scf.yield %scan3A_344#0, %scan3A_344#1, %scan3A_344#2, %scan3A_344#3, %scan3A_344#4, %scan3A_344#5, %scan3A_344#6, %scan3A_344#7, %scan3A_344#8, %scan3A_344#9, %scan3A_344#10, %scan3A_344#11, %scan3A_344#12, %scan3A_344#13, %scan3A_344#14, %scan3A_344#15, %scan3A_344#16, %scan3A_344#17, %scan3A_344#18, %scan3A_344#19 : vector<16xf32>, vector<16xf32>, vector<16xf32>, vector<16xf32>, vector<16xf32>, vector<16xf32>, vector<16xf32>, vector<16xf32>, vector<16xf32>, vector<16xf32>, vector<16xf32>, vector<16xf32>, vector<16xf32>, vector<16xf32>, vector<16xf32>, vector<16xf32>, vector<16xf32>, vector<16xf32>, vector<16xf32>, vector<16xf32>
    }
    %add3A_150 = arith.constant 2 : i32
    %add3A_151 = arith.addi %add3A_89, %add3A_150 : i32
    %lt3A_152 = arith.constant 2 : i32
    %lt3A_153 = arith.cmpi slt, %add3A_151, %lt3A_152 : i32
    %convert_element_type3A_154 = arith.extui %lt3A_153 : i1 to i32
    %cond3A_155 = arith.constant 0 : i32
    %cond3A_156 = arith.cmpi ne, %convert_element_type3A_154, %cond3A_155 : i32
    scf.if %cond3A_156 {
      %add3A_316 = arith.constant 2 : i32
      %add3A_317 = arith.addi %add3A_89, %add3A_316 : i32
      %add3A_318 = arith.constant 0 : i32
      %add3A_319 = arith.addi %add3A_4, %add3A_318 : i32
      %mul3A_320 = arith.constant 16384 : i32
      %mul3A_321 = arith.muli %add3A_317, %mul3A_320 : i32
      %dma_start3A_322 = arith.constant 0 : i32
      %dma_start3A_323 = tpu.memref_slice %arg5[%dma_start3A_322] : memref<16384xf32, #tpu.memory_space<vmem>> -> memref<16384xf32, #tpu.memory_space<vmem>>
      %dma_start3A_324 = tpu.memref_slice %arg2[%add3A_319, %mul3A_321] : memref<128x32768xf32, #tpu.memory_space<hbm>> -> memref<1x16384xf32, #tpu.memory_space<hbm>>
      %dma_start3A_325 = tpu.memref_squeeze %dma_start3A_324 : memref<1x16384xf32, #tpu.memory_space<hbm>> -> memref<16384xf32, #tpu.memory_space<hbm>>
      %dma_start3A_326 = arith.constant 0 : i32
      %dma_start3A_327 = tpu.memref_slice %arg5[%dma_start3A_326] : memref<16384xf32, #tpu.memory_space<vmem>> -> memref<16384xf32, #tpu.memory_space<vmem>>
      %dma_start3A_328 = tpu.memref_slice %arg2[%add3A_319, %mul3A_321] : memref<128x32768xf32, #tpu.memory_space<hbm>> -> memref<1x16384xf32, #tpu.memory_space<hbm>>
      %dma_start3A_329 = tpu.memref_squeeze %dma_start3A_328 : memref<1x16384xf32, #tpu.memory_space<hbm>> -> memref<16384xf32, #tpu.memory_space<hbm>>
      tpu.enqueue_dma source(%dma_start3A_329 : memref<16384xf32, #tpu.memory_space<hbm>>) target(%dma_start3A_327 : memref<16384xf32, #tpu.memory_space<vmem>>) target_semaphore(%arg10 : memref<!tpu.dma_semaphore, #tpu.memory_space<semaphore_mem>>)
    } else {
    }
    %scan3A_157 = arith.constant 1 : i32
    %max3A_158 = arith.maximumf %while3A_149#0, %while3A_149#5 : vector<16xf32>
    %min3A = arith.minimumf %while3A_149#0, %while3A_149#5 : vector<16xf32>
    %max3A_159 = arith.maximumf %while3A_149#1, %min3A : vector<16xf32>
    %min3A_160 = arith.minimumf %while3A_149#1, %min3A : vector<16xf32>
    %max3A_161 = arith.maximumf %while3A_149#2, %min3A_160 : vector<16xf32>
    %min3A_162 = arith.minimumf %while3A_149#2, %min3A_160 : vector<16xf32>
    %max3A_163 = arith.maximumf %while3A_149#3, %min3A_162 : vector<16xf32>
    %min3A_164 = arith.minimumf %while3A_149#3, %min3A_162 : vector<16xf32>
    %max3A_165 = arith.maximumf %while3A_149#4, %min3A_164 : vector<16xf32>
    %min3A_166 = arith.minimumf %while3A_149#4, %min3A_164 : vector<16xf32>
    %max3A_167 = arith.maximumf %max3A_158, %while3A_149#6 : vector<16xf32>
    %min3A_168 = arith.minimumf %max3A_158, %while3A_149#6 : vector<16xf32>
    %max3A_169 = arith.maximumf %max3A_159, %min3A_168 : vector<16xf32>
    %min3A_170 = arith.minimumf %max3A_159, %min3A_168 : vector<16xf32>
    %max3A_171 = arith.maximumf %max3A_161, %min3A_170 : vector<16xf32>
    %min3A_172 = arith.minimumf %max3A_161, %min3A_170 : vector<16xf32>
    %max3A_173 = arith.maximumf %max3A_163, %min3A_172 : vector<16xf32>
    %min3A_174 = arith.minimumf %max3A_163, %min3A_172 : vector<16xf32>
    %max3A_175 = arith.maximumf %max3A_165, %min3A_174 : vector<16xf32>
    %min3A_176 = arith.minimumf %max3A_165, %min3A_174 : vector<16xf32>
    %max3A_177 = arith.maximumf %max3A_167, %while3A_149#7 : vector<16xf32>
    %min3A_178 = arith.minimumf %max3A_167, %while3A_149#7 : vector<16xf32>
    %max3A_179 = arith.maximumf %max3A_169, %min3A_178 : vector<16xf32>
    %min3A_180 = arith.minimumf %max3A_169, %min3A_178 : vector<16xf32>
    %max3A_181 = arith.maximumf %max3A_171, %min3A_180 : vector<16xf32>
    %min3A_182 = arith.minimumf %max3A_171, %min3A_180 : vector<16xf32>
    %max3A_183 = arith.maximumf %max3A_173, %min3A_182 : vector<16xf32>
    %min3A_184 = arith.minimumf %max3A_173, %min3A_182 : vector<16xf32>
    %max3A_185 = arith.maximumf %max3A_175, %min3A_184 : vector<16xf32>
    %min3A_186 = arith.minimumf %max3A_175, %min3A_184 : vector<16xf32>
    %max3A_187 = arith.maximumf %max3A_177, %while3A_149#8 : vector<16xf32>
    %min3A_188 = arith.minimumf %max3A_177, %while3A_149#8 : vector<16xf32>
    %max3A_189 = arith.maximumf %max3A_179, %min3A_188 : vector<16xf32>
    %min3A_190 = arith.minimumf %max3A_179, %min3A_188 : vector<16xf32>
    %max3A_191 = arith.maximumf %max3A_181, %min3A_190 : vector<16xf32>
    %min3A_192 = arith.minimumf %max3A_181, %min3A_190 : vector<16xf32>
    %max3A_193 = arith.maximumf %max3A_183, %min3A_192 : vector<16xf32>
    %min3A_194 = arith.minimumf %max3A_183, %min3A_192 : vector<16xf32>
    %max3A_195 = arith.maximumf %max3A_185, %min3A_194 : vector<16xf32>
    %min3A_196 = arith.minimumf %max3A_185, %min3A_194 : vector<16xf32>
    %max3A_197 = arith.maximumf %max3A_187, %while3A_149#9 : vector<16xf32>
    %min3A_198 = arith.minimumf %max3A_187, %while3A_149#9 : vector<16xf32>
    %max3A_199 = arith.maximumf %max3A_189, %min3A_198 : vector<16xf32>
    %min3A_200 = arith.minimumf %max3A_189, %min3A_198 : vector<16xf32>
    %max3A_201 = arith.maximumf %max3A_191, %min3A_200 : vector<16xf32>
    %min3A_202 = arith.minimumf %max3A_191, %min3A_200 : vector<16xf32>
    %max3A_203 = arith.maximumf %max3A_193, %min3A_202 : vector<16xf32>
    %min3A_204 = arith.minimumf %max3A_193, %min3A_202 : vector<16xf32>
    %max3A_205 = arith.maximumf %max3A_195, %min3A_204 : vector<16xf32>
    %min3A_206 = arith.minimumf %max3A_195, %min3A_204 : vector<16xf32>
    %max3A_207 = arith.maximumf %max3A_197, %while3A_149#10 : vector<16xf32>
    %min3A_208 = arith.minimumf %max3A_197, %while3A_149#10 : vector<16xf32>
    %max3A_209 = arith.maximumf %max3A_199, %min3A_208 : vector<16xf32>
    %min3A_210 = arith.minimumf %max3A_199, %min3A_208 : vector<16xf32>
    %max3A_211 = arith.maximumf %max3A_201, %min3A_210 : vector<16xf32>
    %min3A_212 = arith.minimumf %max3A_201, %min3A_210 : vector<16xf32>
    %max3A_213 = arith.maximumf %max3A_203, %min3A_212 : vector<16xf32>
    %min3A_214 = arith.minimumf %max3A_203, %min3A_212 : vector<16xf32>
    %max3A_215 = arith.maximumf %max3A_205, %min3A_214 : vector<16xf32>
    %min3A_216 = arith.minimumf %max3A_205, %min3A_214 : vector<16xf32>
    %max3A_217 = arith.maximumf %max3A_207, %while3A_149#11 : vector<16xf32>
    %min3A_218 = arith.minimumf %max3A_207, %while3A_149#11 : vector<16xf32>
    %max3A_219 = arith.maximumf %max3A_209, %min3A_218 : vector<16xf32>
    %min3A_220 = arith.minimumf %max3A_209, %min3A_218 : vector<16xf32>
    %max3A_221 = arith.maximumf %max3A_211, %min3A_220 : vector<16xf32>
    %min3A_222 = arith.minimumf %max3A_211, %min3A_220 : vector<16xf32>
    %max3A_223 = arith.maximumf %max3A_213, %min3A_222 : vector<16xf32>
    %min3A_224 = arith.minimumf %max3A_213, %min3A_222 : vector<16xf32>
    %max3A_225 = arith.maximumf %max3A_215, %min3A_224 : vector<16xf32>
    %min3A_226 = arith.minimumf %max3A_215, %min3A_224 : vector<16xf32>
    %max3A_227 = arith.maximumf %max3A_217, %while3A_149#12 : vector<16xf32>
    %min3A_228 = arith.minimumf %max3A_217, %while3A_149#12 : vector<16xf32>
    %max3A_229 = arith.maximumf %max3A_219, %min3A_228 : vector<16xf32>
    %min3A_230 = arith.minimumf %max3A_219, %min3A_228 : vector<16xf32>
    %max3A_231 = arith.maximumf %max3A_221, %min3A_230 : vector<16xf32>
    %min3A_232 = arith.minimumf %max3A_221, %min3A_230 : vector<16xf32>
    %max3A_233 = arith.maximumf %max3A_223, %min3A_232 : vector<16xf32>
    %min3A_234 = arith.minimumf %max3A_223, %min3A_232 : vector<16xf32>
    %max3A_235 = arith.maximumf %max3A_225, %min3A_234 : vector<16xf32>
    %min3A_236 = arith.minimumf %max3A_225, %min3A_234 : vector<16xf32>
    %max3A_237 = arith.maximumf %max3A_227, %while3A_149#13 : vector<16xf32>
    %min3A_238 = arith.minimumf %max3A_227, %while3A_149#13 : vector<16xf32>
    %max3A_239 = arith.maximumf %max3A_229, %min3A_238 : vector<16xf32>
    %min3A_240 = arith.minimumf %max3A_229, %min3A_238 : vector<16xf32>
    %max3A_241 = arith.maximumf %max3A_231, %min3A_240 : vector<16xf32>
    %min3A_242 = arith.minimumf %max3A_231, %min3A_240 : vector<16xf32>
    %max3A_243 = arith.maximumf %max3A_233, %min3A_242 : vector<16xf32>
    %min3A_244 = arith.minimumf %max3A_233, %min3A_242 : vector<16xf32>
    %max3A_245 = arith.maximumf %max3A_235, %min3A_244 : vector<16xf32>
    %min3A_246 = arith.minimumf %max3A_235, %min3A_244 : vector<16xf32>
    %max3A_247 = arith.maximumf %max3A_237, %while3A_149#14 : vector<16xf32>
    %min3A_248 = arith.minimumf %max3A_237, %while3A_149#14 : vector<16xf32>
    %max3A_249 = arith.maximumf %max3A_239, %min3A_248 : vector<16xf32>
    %min3A_250 = arith.minimumf %max3A_239, %min3A_248 : vector<16xf32>
    %max3A_251 = arith.maximumf %max3A_241, %min3A_250 : vector<16xf32>
    %min3A_252 = arith.minimumf %max3A_241, %min3A_250 : vector<16xf32>
    %max3A_253 = arith.maximumf %max3A_243, %min3A_252 : vector<16xf32>
    %min3A_254 = arith.minimumf %max3A_243, %min3A_252 : vector<16xf32>
    %max3A_255 = arith.maximumf %max3A_245, %min3A_254 : vector<16xf32>
    %min3A_256 = arith.minimumf %max3A_245, %min3A_254 : vector<16xf32>
    %max3A_257 = arith.maximumf %max3A_247, %while3A_149#15 : vector<16xf32>
    %min3A_258 = arith.minimumf %max3A_247, %while3A_149#15 : vector<16xf32>
    %max3A_259 = arith.maximumf %max3A_249, %min3A_258 : vector<16xf32>
    %min3A_260 = arith.minimumf %max3A_249, %min3A_258 : vector<16xf32>
    %max3A_261 = arith.maximumf %max3A_251, %min3A_260 : vector<16xf32>
    %min3A_262 = arith.minimumf %max3A_251, %min3A_260 : vector<16xf32>
    %max3A_263 = arith.maximumf %max3A_253, %min3A_262 : vector<16xf32>
    %min3A_264 = arith.minimumf %max3A_253, %min3A_262 : vector<16xf32>
    %max3A_265 = arith.maximumf %max3A_255, %min3A_264 : vector<16xf32>
    %min3A_266 = arith.minimumf %max3A_255, %min3A_264 : vector<16xf32>
    %max3A_267 = arith.maximumf %max3A_257, %while3A_149#16 : vector<16xf32>
    %min3A_268 = arith.minimumf %max3A_257, %while3A_149#16 : vector<16xf32>
    %max3A_269 = arith.maximumf %max3A_259, %min3A_268 : vector<16xf32>
    %min3A_270 = arith.minimumf %max3A_259, %min3A_268 : vector<16xf32>
    %max3A_271 = arith.maximumf %max3A_261, %min3A_270 : vector<16xf32>
    %min3A_272 = arith.minimumf %max3A_261, %min3A_270 : vector<16xf32>
    %max3A_273 = arith.maximumf %max3A_263, %min3A_272 : vector<16xf32>
    %min3A_274 = arith.minimumf %max3A_263, %min3A_272 : vector<16xf32>
    %max3A_275 = arith.maximumf %max3A_265, %min3A_274 : vector<16xf32>
    %min3A_276 = arith.minimumf %max3A_265, %min3A_274 : vector<16xf32>
    %max3A_277 = arith.maximumf %max3A_267, %while3A_149#17 : vector<16xf32>
    %min3A_278 = arith.minimumf %max3A_267, %while3A_149#17 : vector<16xf32>
    %max3A_279 = arith.maximumf %max3A_269, %min3A_278 : vector<16xf32>
    %min3A_280 = arith.minimumf %max3A_269, %min3A_278 : vector<16xf32>
    %max3A_281 = arith.maximumf %max3A_271, %min3A_280 : vector<16xf32>
    %min3A_282 = arith.minimumf %max3A_271, %min3A_280 : vector<16xf32>
    %max3A_283 = arith.maximumf %max3A_273, %min3A_282 : vector<16xf32>
    %min3A_284 = arith.minimumf %max3A_273, %min3A_282 : vector<16xf32>
    %max3A_285 = arith.maximumf %max3A_275, %min3A_284 : vector<16xf32>
    %min3A_286 = arith.minimumf %max3A_275, %min3A_284 : vector<16xf32>
    %max3A_287 = arith.maximumf %max3A_277, %while3A_149#18 : vector<16xf32>
    %min3A_288 = arith.minimumf %max3A_277, %while3A_149#18 : vector<16xf32>
    %max3A_289 = arith.maximumf %max3A_279, %min3A_288 : vector<16xf32>
    %min3A_290 = arith.minimumf %max3A_279, %min3A_288 : vector<16xf32>
    %max3A_291 = arith.maximumf %max3A_281, %min3A_290 : vector<16xf32>
    %min3A_292 = arith.minimumf %max3A_281, %min3A_290 : vector<16xf32>
    %max3A_293 = arith.maximumf %max3A_283, %min3A_292 : vector<16xf32>
    %min3A_294 = arith.minimumf %max3A_283, %min3A_292 : vector<16xf32>
    %max3A_295 = arith.maximumf %max3A_285, %min3A_294 : vector<16xf32>
    %min3A_296 = arith.minimumf %max3A_285, %min3A_294 : vector<16xf32>
    %max3A_297 = arith.maximumf %max3A_287, %while3A_149#19 : vector<16xf32>
    %min3A_298 = arith.minimumf %max3A_287, %while3A_149#19 : vector<16xf32>
    %max3A_299 = arith.maximumf %max3A_289, %min3A_298 : vector<16xf32>
    %min3A_300 = arith.minimumf %max3A_289, %min3A_298 : vector<16xf32>
    %max3A_301 = arith.maximumf %max3A_291, %min3A_300 : vector<16xf32>
    %min3A_302 = arith.minimumf %max3A_291, %min3A_300 : vector<16xf32>
    %max3A_303 = arith.maximumf %max3A_293, %min3A_302 : vector<16xf32>
    %min3A_304 = arith.minimumf %max3A_293, %min3A_302 : vector<16xf32>
    %max3A_305 = arith.maximumf %max3A_295, %min3A_304 : vector<16xf32>
    %min3A_306 = arith.minimumf %max3A_295, %min3A_304 : vector<16xf32>
    %swap3A = arith.constant 0 : index
    %swap3A_307 = tpu.vector_load %arg8[%swap3A] {strides = array<i32>} : memref<80xf32, #tpu.memory_space<vmem>>, vector<16xf32>,
    tpu.vector_store %arg8[%swap3A], %max3A_297 {strides = array<i32>} : memref<80xf32, #tpu.memory_space<vmem>>, vector<16xf32>,
    %swap3A_308 = arith.constant 16 : index
    %swap3A_309 = tpu.vector_load %arg8[%swap3A_308] {strides = array<i32>} : memref<80xf32, #tpu.memory_space<vmem>>, vector<16xf32>,
    tpu.vector_store %arg8[%swap3A_308], %max3A_299 {strides = array<i32>} : memref<80xf32, #tpu.memory_space<vmem>>, vector<16xf32>,
    %swap3A_310 = arith.constant 32 : index
    %swap3A_311 = tpu.vector_load %arg8[%swap3A_310] {strides = array<i32>} : memref<80xf32, #tpu.memory_space<vmem>>, vector<16xf32>,
    tpu.vector_store %arg8[%swap3A_310], %max3A_301 {strides = array<i32>} : memref<80xf32, #tpu.memory_space<vmem>>, vector<16xf32>,
    %swap3A_312 = arith.constant 48 : index
    %swap3A_313 = tpu.vector_load %arg8[%swap3A_312] {strides = array<i32>} : memref<80xf32, #tpu.memory_space<vmem>>, vector<16xf32>,
    tpu.vector_store %arg8[%swap3A_312], %max3A_303 {strides = array<i32>} : memref<80xf32, #tpu.memory_space<vmem>>, vector<16xf32>,
    %swap3A_314 = arith.constant 64 : index
    %swap3A_315 = tpu.vector_load %arg8[%swap3A_314] {strides = array<i32>} : memref<80xf32, #tpu.memory_space<vmem>>, vector<16xf32>,
    tpu.vector_store %arg8[%swap3A_314], %max3A_305 {strides = array<i32>} : memref<80xf32, #tpu.memory_space<vmem>>, vector<16xf32>,
    "tpu.region"() ({
      %run_scoped3A = tpu.sem_alloc : memref<!tpu.dma_semaphore, #tpu.memory_space<semaphore_mem>>
      %dma_start3A_316 = arith.constant 0 : i32
      %dma_start3A_317 = tpu.memref_slice %arg3[%add3A, %dma_start3A_316] : memref<32x80xf32, #tpu.memory_space<hbm>> -> memref<1x80xf32, #tpu.memory_space<hbm>>
      %dma_start3A_318 = tpu.memref_squeeze %dma_start3A_317 : memref<1x80xf32, #tpu.memory_space<hbm>> -> memref<80xf32, #tpu.memory_space<hbm>>
      %dma_start3A_319 = arith.constant 0 : i32
      %dma_start3A_320 = tpu.memref_slice %arg3[%add3A, %dma_start3A_319] : memref<32x80xf32, #tpu.memory_space<hbm>> -> memref<1x80xf32, #tpu.memory_space<hbm>>
      %dma_start3A_321 = tpu.memref_squeeze %dma_start3A_320 : memref<1x80xf32, #tpu.memory_space<hbm>> -> memref<80xf32, #tpu.memory_space<hbm>>
      tpu.enqueue_dma source(%arg8 : memref<80xf32, #tpu.memory_space<vmem>>) target(%dma_start3A_321 : memref<80xf32, #tpu.memory_space<hbm>>) target_semaphore(%run_scoped3A : memref<!tpu.dma_semaphore, #tpu.memory_space<semaphore_mem>>)
      %dma_wait3A_322 = arith.constant 0 : i32
      %dma_wait3A_323 = tpu.memref_slice %arg3[%add3A, %dma_wait3A_322] : memref<32x80xf32, #tpu.memory_space<hbm>> -> memref<1x80xf32, #tpu.memory_space<hbm>>
      %dma_wait3A_324 = tpu.memref_squeeze %dma_wait3A_323 : memref<1x80xf32, #tpu.memory_space<hbm>> -> memref<80xf32, #tpu.memory_space<hbm>>
      %dma_wait3A_325 = arith.constant 0 : i32
      %dma_wait3A_326 = tpu.memref_slice %arg3[%add3A, %dma_wait3A_325] : memref<32x80xf32, #tpu.memory_space<hbm>> -> memref<1x80xf32, #tpu.memory_space<hbm>>
      %dma_wait3A_327 = tpu.memref_squeeze %dma_wait3A_326 : memref<1x80xf32, #tpu.memory_space<hbm>> -> memref<80xf32, #tpu.memory_space<hbm>>
      tpu.wait_dma2 semaphore(%run_scoped3A : memref<!tpu.dma_semaphore, #tpu.memory_space<semaphore_mem>>) src(%arg8 : memref<80xf32, #tpu.memory_space<vmem>>) dst(%dma_wait3A_327 : memref<80xf32, #tpu.memory_space<hbm>>)
      tpu.yield
    }) : () -> ()
    return
  }
}

module attributes {stable_mosaic.version = 14 : i64} {
  func.func @_tc_body(%arg0: i32, %arg1: memref<96x4096xf32, #tpu.memory_space<vmem>>, %arg2: memref<8x128xf32, #tpu.memory_space<vmem>>, %arg3: memref<5x8x128xf32, #tpu.memory_space<vmem>>) attributes {dimension_semantics = [#tpu.dimension_semantics<arbitrary>], iteration_bounds = array<i64: 8>, scalar_prefetch = 0 : i64, scratch_operands = 1 : i64, tpu.core_type = #tpu.core_type<tc>, window_params = [{transform_indices = @transform_0, window_bounds = array<i64: 96, 4096>}, {pipeline_mode = #tpu.pipeline_mode<synchronous>, transform_indices = @transform_1, window_bounds = array<i64: 8, 128>}]} {
    %eq3A = arith.constant 0 : i32
    %eq3A_0 = arith.cmpi eq, %arg0, %eq3A : i32
    %convert_element_type3A = arith.extui %eq3A_0 : i1 to i32
    %cond3A = arith.constant 0 : i32
    %cond3A_1 = arith.cmpi ne, %convert_element_type3A, %cond3A : i32
    scf.if %cond3A_1 {
      %broadcast_in_dim3A = arith.constant 0xFF800000 : f32
      %broadcast_in_dim3A_65 = vector.broadcast %broadcast_in_dim3A : f32 to vector<5x8x128xf32>
      %swap3A_66 = arith.constant 0 : index
      %swap3A_67 = arith.constant 0 : index
      %swap3A_68 = arith.constant 0 : index
      %swap3A_69 = vector.load %arg3[%swap3A_66, %swap3A_67, %swap3A_68] : memref<5x8x128xf32, #tpu.memory_space<vmem>>, vector<5x8x128xf32>
      tpu.vector_store %arg3[%swap3A_66, %swap3A_67, %swap3A_68], %broadcast_in_dim3A_65 {strides = array<i32>} : memref<5x8x128xf32, #tpu.memory_space<vmem>>, vector<5x8x128xf32>,
    } else {
    }
    %get3A = arith.constant 0 : index
    %get3A_2 = arith.constant 0 : index
    %get3A_3 = arith.constant 0 : index
    %get3A_4 = vector.load %arg3[%get3A, %get3A_2, %get3A_3] : memref<5x8x128xf32, #tpu.memory_space<vmem>>, vector<1x8x128xf32>
    %get3A_5 = vector.shape_cast %get3A_4 : vector<1x8x128xf32> to vector<8x128xf32>
    %get3A_6 = arith.constant 1 : index
    %get3A_7 = arith.constant 0 : index
    %get3A_8 = arith.constant 0 : index
    %get3A_9 = vector.load %arg3[%get3A_6, %get3A_7, %get3A_8] : memref<5x8x128xf32, #tpu.memory_space<vmem>>, vector<1x8x128xf32>
    %get3A_10 = vector.shape_cast %get3A_9 : vector<1x8x128xf32> to vector<8x128xf32>
    %get3A_11 = arith.constant 2 : index
    %get3A_12 = arith.constant 0 : index
    %get3A_13 = arith.constant 0 : index
    %get3A_14 = vector.load %arg3[%get3A_11, %get3A_12, %get3A_13] : memref<5x8x128xf32, #tpu.memory_space<vmem>>, vector<1x8x128xf32>
    %get3A_15 = vector.shape_cast %get3A_14 : vector<1x8x128xf32> to vector<8x128xf32>
    %get3A_16 = arith.constant 3 : index
    %get3A_17 = arith.constant 0 : index
    %get3A_18 = arith.constant 0 : index
    %get3A_19 = vector.load %arg3[%get3A_16, %get3A_17, %get3A_18] : memref<5x8x128xf32, #tpu.memory_space<vmem>>, vector<1x8x128xf32>
    %get3A_20 = vector.shape_cast %get3A_19 : vector<1x8x128xf32> to vector<8x128xf32>
    %get3A_21 = arith.constant 4 : index
    %get3A_22 = arith.constant 0 : index
    %get3A_23 = arith.constant 0 : index
    %get3A_24 = vector.load %arg3[%get3A_21, %get3A_22, %get3A_23] : memref<5x8x128xf32, #tpu.memory_space<vmem>>, vector<1x8x128xf32>
    %get3A_25 = vector.shape_cast %get3A_24 : vector<1x8x128xf32> to vector<8x128xf32>
    %scan3A = arith.constant 0 : i32
    %scan3A_26 = arith.constant 32 : i32
    %scan3A_27 = arith.addi %scan3A, %scan3A_26 : i32
    %scan3A_28 = arith.constant 1 : i32
    %scan3A_29:5 = scf.for %scan3A_65 = %scan3A to %scan3A_27 step %scan3A_28 iter_args(%scan3A_66 = %get3A_5, %scan3A_67 = %get3A_10, %scan3A_68 = %get3A_15, %scan3A_69 = %get3A_20, %scan3A_70 = %get3A_25) -> (vector<8x128xf32>, vector<8x128xf32>, vector<8x128xf32>, vector<8x128xf32>, vector<8x128xf32>)  : i32 {
      %mul3A = arith.constant 128 : i32
      %mul3A_71 = arith.muli %scan3A_65, %mul3A : i32
      %get3A_72 = arith.constant 0 : index
      %get3A_73 = arith.index_cast %mul3A_71 : i32 to index
      %get3A_74 = vector.load %arg1[%get3A_72, %get3A_73] : memref<96x4096xf32, #tpu.memory_space<vmem>>, vector<8x128xf32>
      %max3A = arith.maximumf %scan3A_66, %get3A_74 : vector<8x128xf32>
      %min3A = arith.minimumf %scan3A_66, %get3A_74 : vector<8x128xf32>
      %max3A_75 = arith.maximumf %scan3A_67, %min3A : vector<8x128xf32>
      %min3A_76 = arith.minimumf %scan3A_67, %min3A : vector<8x128xf32>
      %max3A_77 = arith.maximumf %scan3A_68, %min3A_76 : vector<8x128xf32>
      %min3A_78 = arith.minimumf %scan3A_68, %min3A_76 : vector<8x128xf32>
      %max3A_79 = arith.maximumf %scan3A_69, %min3A_78 : vector<8x128xf32>
      %min3A_80 = arith.minimumf %scan3A_69, %min3A_78 : vector<8x128xf32>
      %max3A_81 = arith.maximumf %scan3A_70, %min3A_80 : vector<8x128xf32>
      %mul3A_82 = arith.constant 128 : i32
      %mul3A_83 = arith.muli %scan3A_65, %mul3A_82 : i32
      %get3A_84 = arith.constant 8 : index
      %get3A_85 = arith.index_cast %mul3A_83 : i32 to index
      %get3A_86 = vector.load %arg1[%get3A_84, %get3A_85] : memref<96x4096xf32, #tpu.memory_space<vmem>>, vector<8x128xf32>
      %max3A_87 = arith.maximumf %max3A, %get3A_86 : vector<8x128xf32>
      %min3A_88 = arith.minimumf %max3A, %get3A_86 : vector<8x128xf32>
      %max3A_89 = arith.maximumf %max3A_75, %min3A_88 : vector<8x128xf32>
      %min3A_90 = arith.minimumf %max3A_75, %min3A_88 : vector<8x128xf32>
      %max3A_91 = arith.maximumf %max3A_77, %min3A_90 : vector<8x128xf32>
      %min3A_92 = arith.minimumf %max3A_77, %min3A_90 : vector<8x128xf32>
      %max3A_93 = arith.maximumf %max3A_79, %min3A_92 : vector<8x128xf32>
      %min3A_94 = arith.minimumf %max3A_79, %min3A_92 : vector<8x128xf32>
      %max3A_95 = arith.maximumf %max3A_81, %min3A_94 : vector<8x128xf32>
      %mul3A_96 = arith.constant 128 : i32
      %mul3A_97 = arith.muli %scan3A_65, %mul3A_96 : i32
      %get3A_98 = arith.constant 16 : index
      %get3A_99 = arith.index_cast %mul3A_97 : i32 to index
      %get3A_100 = vector.load %arg1[%get3A_98, %get3A_99] : memref<96x4096xf32, #tpu.memory_space<vmem>>, vector<8x128xf32>
      %max3A_101 = arith.maximumf %max3A_87, %get3A_100 : vector<8x128xf32>
      %min3A_102 = arith.minimumf %max3A_87, %get3A_100 : vector<8x128xf32>
      %max3A_103 = arith.maximumf %max3A_89, %min3A_102 : vector<8x128xf32>
      %min3A_104 = arith.minimumf %max3A_89, %min3A_102 : vector<8x128xf32>
      %max3A_105 = arith.maximumf %max3A_91, %min3A_104 : vector<8x128xf32>
      %min3A_106 = arith.minimumf %max3A_91, %min3A_104 : vector<8x128xf32>
      %max3A_107 = arith.maximumf %max3A_93, %min3A_106 : vector<8x128xf32>
      %min3A_108 = arith.minimumf %max3A_93, %min3A_106 : vector<8x128xf32>
      %max3A_109 = arith.maximumf %max3A_95, %min3A_108 : vector<8x128xf32>
      %mul3A_110 = arith.constant 128 : i32
      %mul3A_111 = arith.muli %scan3A_65, %mul3A_110 : i32
      %get3A_112 = arith.constant 24 : index
      %get3A_113 = arith.index_cast %mul3A_111 : i32 to index
      %get3A_114 = vector.load %arg1[%get3A_112, %get3A_113] : memref<96x4096xf32, #tpu.memory_space<vmem>>, vector<8x128xf32>
      %max3A_115 = arith.maximumf %max3A_101, %get3A_114 : vector<8x128xf32>
      %min3A_116 = arith.minimumf %max3A_101, %get3A_114 : vector<8x128xf32>
      %max3A_117 = arith.maximumf %max3A_103, %min3A_116 : vector<8x128xf32>
      %min3A_118 = arith.minimumf %max3A_103, %min3A_116 : vector<8x128xf32>
      %max3A_119 = arith.maximumf %max3A_105, %min3A_118 : vector<8x128xf32>
      %min3A_120 = arith.minimumf %max3A_105, %min3A_118 : vector<8x128xf32>
      %max3A_121 = arith.maximumf %max3A_107, %min3A_120 : vector<8x128xf32>
      %min3A_122 = arith.minimumf %max3A_107, %min3A_120 : vector<8x128xf32>
      %max3A_123 = arith.maximumf %max3A_109, %min3A_122 : vector<8x128xf32>
      %mul3A_124 = arith.constant 128 : i32
      %mul3A_125 = arith.muli %scan3A_65, %mul3A_124 : i32
      %get3A_126 = arith.constant 32 : index
      %get3A_127 = arith.index_cast %mul3A_125 : i32 to index
      %get3A_128 = vector.load %arg1[%get3A_126, %get3A_127] : memref<96x4096xf32, #tpu.memory_space<vmem>>, vector<8x128xf32>
      %max3A_129 = arith.maximumf %max3A_115, %get3A_128 : vector<8x128xf32>
      %min3A_130 = arith.minimumf %max3A_115, %get3A_128 : vector<8x128xf32>
      %max3A_131 = arith.maximumf %max3A_117, %min3A_130 : vector<8x128xf32>
      %min3A_132 = arith.minimumf %max3A_117, %min3A_130 : vector<8x128xf32>
      %max3A_133 = arith.maximumf %max3A_119, %min3A_132 : vector<8x128xf32>
      %min3A_134 = arith.minimumf %max3A_119, %min3A_132 : vector<8x128xf32>
      %max3A_135 = arith.maximumf %max3A_121, %min3A_134 : vector<8x128xf32>
      %min3A_136 = arith.minimumf %max3A_121, %min3A_134 : vector<8x128xf32>
      %max3A_137 = arith.maximumf %max3A_123, %min3A_136 : vector<8x128xf32>
      %mul3A_138 = arith.constant 128 : i32
      %mul3A_139 = arith.muli %scan3A_65, %mul3A_138 : i32
      %get3A_140 = arith.constant 40 : index
      %get3A_141 = arith.index_cast %mul3A_139 : i32 to index
      %get3A_142 = vector.load %arg1[%get3A_140, %get3A_141] : memref<96x4096xf32, #tpu.memory_space<vmem>>, vector<8x128xf32>
      %max3A_143 = arith.maximumf %max3A_129, %get3A_142 : vector<8x128xf32>
      %min3A_144 = arith.minimumf %max3A_129, %get3A_142 : vector<8x128xf32>
      %max3A_145 = arith.maximumf %max3A_131, %min3A_144 : vector<8x128xf32>
      %min3A_146 = arith.minimumf %max3A_131, %min3A_144 : vector<8x128xf32>
      %max3A_147 = arith.maximumf %max3A_133, %min3A_146 : vector<8x128xf32>
      %min3A_148 = arith.minimumf %max3A_133, %min3A_146 : vector<8x128xf32>
      %max3A_149 = arith.maximumf %max3A_135, %min3A_148 : vector<8x128xf32>
      %min3A_150 = arith.minimumf %max3A_135, %min3A_148 : vector<8x128xf32>
      %max3A_151 = arith.maximumf %max3A_137, %min3A_150 : vector<8x128xf32>
      %mul3A_152 = arith.constant 128 : i32
      %mul3A_153 = arith.muli %scan3A_65, %mul3A_152 : i32
      %get3A_154 = arith.constant 48 : index
      %get3A_155 = arith.index_cast %mul3A_153 : i32 to index
      %get3A_156 = vector.load %arg1[%get3A_154, %get3A_155] : memref<96x4096xf32, #tpu.memory_space<vmem>>, vector<8x128xf32>
      %max3A_157 = arith.maximumf %max3A_143, %get3A_156 : vector<8x128xf32>
      %min3A_158 = arith.minimumf %max3A_143, %get3A_156 : vector<8x128xf32>
      %max3A_159 = arith.maximumf %max3A_145, %min3A_158 : vector<8x128xf32>
      %min3A_160 = arith.minimumf %max3A_145, %min3A_158 : vector<8x128xf32>
      %max3A_161 = arith.maximumf %max3A_147, %min3A_160 : vector<8x128xf32>
      %min3A_162 = arith.minimumf %max3A_147, %min3A_160 : vector<8x128xf32>
      %max3A_163 = arith.maximumf %max3A_149, %min3A_162 : vector<8x128xf32>
      %min3A_164 = arith.minimumf %max3A_149, %min3A_162 : vector<8x128xf32>
      %max3A_165 = arith.maximumf %max3A_151, %min3A_164 : vector<8x128xf32>
      %mul3A_166 = arith.constant 128 : i32
      %mul3A_167 = arith.muli %scan3A_65, %mul3A_166 : i32
      %get3A_168 = arith.constant 56 : index
      %get3A_169 = arith.index_cast %mul3A_167 : i32 to index
      %get3A_170 = vector.load %arg1[%get3A_168, %get3A_169] : memref<96x4096xf32, #tpu.memory_space<vmem>>, vector<8x128xf32>
      %max3A_171 = arith.maximumf %max3A_157, %get3A_170 : vector<8x128xf32>
      %min3A_172 = arith.minimumf %max3A_157, %get3A_170 : vector<8x128xf32>
      %max3A_173 = arith.maximumf %max3A_159, %min3A_172 : vector<8x128xf32>
      %min3A_174 = arith.minimumf %max3A_159, %min3A_172 : vector<8x128xf32>
      %max3A_175 = arith.maximumf %max3A_161, %min3A_174 : vector<8x128xf32>
      %min3A_176 = arith.minimumf %max3A_161, %min3A_174 : vector<8x128xf32>
      %max3A_177 = arith.maximumf %max3A_163, %min3A_176 : vector<8x128xf32>
      %min3A_178 = arith.minimumf %max3A_163, %min3A_176 : vector<8x128xf32>
      %max3A_179 = arith.maximumf %max3A_165, %min3A_178 : vector<8x128xf32>
      %mul3A_180 = arith.constant 128 : i32
      %mul3A_181 = arith.muli %scan3A_65, %mul3A_180 : i32
      %get3A_182 = arith.constant 64 : index
      %get3A_183 = arith.index_cast %mul3A_181 : i32 to index
      %get3A_184 = vector.load %arg1[%get3A_182, %get3A_183] : memref<96x4096xf32, #tpu.memory_space<vmem>>, vector<8x128xf32>
      %max3A_185 = arith.maximumf %max3A_171, %get3A_184 : vector<8x128xf32>
      %min3A_186 = arith.minimumf %max3A_171, %get3A_184 : vector<8x128xf32>
      %max3A_187 = arith.maximumf %max3A_173, %min3A_186 : vector<8x128xf32>
      %min3A_188 = arith.minimumf %max3A_173, %min3A_186 : vector<8x128xf32>
      %max3A_189 = arith.maximumf %max3A_175, %min3A_188 : vector<8x128xf32>
      %min3A_190 = arith.minimumf %max3A_175, %min3A_188 : vector<8x128xf32>
      %max3A_191 = arith.maximumf %max3A_177, %min3A_190 : vector<8x128xf32>
      %min3A_192 = arith.minimumf %max3A_177, %min3A_190 : vector<8x128xf32>
      %max3A_193 = arith.maximumf %max3A_179, %min3A_192 : vector<8x128xf32>
      %mul3A_194 = arith.constant 128 : i32
      %mul3A_195 = arith.muli %scan3A_65, %mul3A_194 : i32
      %get3A_196 = arith.constant 72 : index
      %get3A_197 = arith.index_cast %mul3A_195 : i32 to index
      %get3A_198 = vector.load %arg1[%get3A_196, %get3A_197] : memref<96x4096xf32, #tpu.memory_space<vmem>>, vector<8x128xf32>
      %max3A_199 = arith.maximumf %max3A_185, %get3A_198 : vector<8x128xf32>
      %min3A_200 = arith.minimumf %max3A_185, %get3A_198 : vector<8x128xf32>
      %max3A_201 = arith.maximumf %max3A_187, %min3A_200 : vector<8x128xf32>
      %min3A_202 = arith.minimumf %max3A_187, %min3A_200 : vector<8x128xf32>
      %max3A_203 = arith.maximumf %max3A_189, %min3A_202 : vector<8x128xf32>
      %min3A_204 = arith.minimumf %max3A_189, %min3A_202 : vector<8x128xf32>
      %max3A_205 = arith.maximumf %max3A_191, %min3A_204 : vector<8x128xf32>
      %min3A_206 = arith.minimumf %max3A_191, %min3A_204 : vector<8x128xf32>
      %max3A_207 = arith.maximumf %max3A_193, %min3A_206 : vector<8x128xf32>
      %mul3A_208 = arith.constant 128 : i32
      %mul3A_209 = arith.muli %scan3A_65, %mul3A_208 : i32
      %get3A_210 = arith.constant 80 : index
      %get3A_211 = arith.index_cast %mul3A_209 : i32 to index
      %get3A_212 = vector.load %arg1[%get3A_210, %get3A_211] : memref<96x4096xf32, #tpu.memory_space<vmem>>, vector<8x128xf32>
      %max3A_213 = arith.maximumf %max3A_199, %get3A_212 : vector<8x128xf32>
      %min3A_214 = arith.minimumf %max3A_199, %get3A_212 : vector<8x128xf32>
      %max3A_215 = arith.maximumf %max3A_201, %min3A_214 : vector<8x128xf32>
      %min3A_216 = arith.minimumf %max3A_201, %min3A_214 : vector<8x128xf32>
      %max3A_217 = arith.maximumf %max3A_203, %min3A_216 : vector<8x128xf32>
      %min3A_218 = arith.minimumf %max3A_203, %min3A_216 : vector<8x128xf32>
      %max3A_219 = arith.maximumf %max3A_205, %min3A_218 : vector<8x128xf32>
      %min3A_220 = arith.minimumf %max3A_205, %min3A_218 : vector<8x128xf32>
      %max3A_221 = arith.maximumf %max3A_207, %min3A_220 : vector<8x128xf32>
      %mul3A_222 = arith.constant 128 : i32
      %mul3A_223 = arith.muli %scan3A_65, %mul3A_222 : i32
      %get3A_224 = arith.constant 88 : index
      %get3A_225 = arith.index_cast %mul3A_223 : i32 to index
      %get3A_226 = vector.load %arg1[%get3A_224, %get3A_225] : memref<96x4096xf32, #tpu.memory_space<vmem>>, vector<8x128xf32>
      %max3A_227 = arith.maximumf %max3A_213, %get3A_226 : vector<8x128xf32>
      %min3A_228 = arith.minimumf %max3A_213, %get3A_226 : vector<8x128xf32>
      %max3A_229 = arith.maximumf %max3A_215, %min3A_228 : vector<8x128xf32>
      %min3A_230 = arith.minimumf %max3A_215, %min3A_228 : vector<8x128xf32>
      %max3A_231 = arith.maximumf %max3A_217, %min3A_230 : vector<8x128xf32>
      %min3A_232 = arith.minimumf %max3A_217, %min3A_230 : vector<8x128xf32>
      %max3A_233 = arith.maximumf %max3A_219, %min3A_232 : vector<8x128xf32>
      %min3A_234 = arith.minimumf %max3A_219, %min3A_232 : vector<8x128xf32>
      %max3A_235 = arith.maximumf %max3A_221, %min3A_234 : vector<8x128xf32>
      scf.yield %max3A_227, %max3A_229, %max3A_231, %max3A_233, %max3A_235 : vector<8x128xf32>, vector<8x128xf32>, vector<8x128xf32>, vector<8x128xf32>, vector<8x128xf32>
    }
    %scan3A_30 = arith.constant 32 : i32
    %swap3A = arith.constant 0 : index
    %swap3A_31 = arith.constant 0 : index
    %swap3A_32 = arith.constant 0 : index
    %swap3A_33 = vector.load %arg3[%swap3A, %swap3A_31, %swap3A_32] : memref<5x8x128xf32, #tpu.memory_space<vmem>>, vector<1x8x128xf32>
    %swap3A_34 = vector.shape_cast %swap3A_33 : vector<1x8x128xf32> to vector<8x128xf32>
    %swap3A_35 = vector.shape_cast %scan3A_29#0 : vector<8x128xf32> to vector<1x8x128xf32>
    tpu.vector_store %arg3[%swap3A, %swap3A_31, %swap3A_32], %swap3A_35 {strides = array<i32>} : memref<5x8x128xf32, #tpu.memory_space<vmem>>, vector<1x8x128xf32>,
    %swap3A_36 = arith.constant 1 : index
    %swap3A_37 = arith.constant 0 : index
    %swap3A_38 = arith.constant 0 : index
    %swap3A_39 = vector.load %arg3[%swap3A_36, %swap3A_37, %swap3A_38] : memref<5x8x128xf32, #tpu.memory_space<vmem>>, vector<1x8x128xf32>
    %swap3A_40 = vector.shape_cast %swap3A_39 : vector<1x8x128xf32> to vector<8x128xf32>
    %swap3A_41 = vector.shape_cast %scan3A_29#1 : vector<8x128xf32> to vector<1x8x128xf32>
    tpu.vector_store %arg3[%swap3A_36, %swap3A_37, %swap3A_38], %swap3A_41 {strides = array<i32>} : memref<5x8x128xf32, #tpu.memory_space<vmem>>, vector<1x8x128xf32>,
    %swap3A_42 = arith.constant 2 : index
    %swap3A_43 = arith.constant 0 : index
    %swap3A_44 = arith.constant 0 : index
    %swap3A_45 = vector.load %arg3[%swap3A_42, %swap3A_43, %swap3A_44] : memref<5x8x128xf32, #tpu.memory_space<vmem>>, vector<1x8x128xf32>
    %swap3A_46 = vector.shape_cast %swap3A_45 : vector<1x8x128xf32> to vector<8x128xf32>
    %swap3A_47 = vector.shape_cast %scan3A_29#2 : vector<8x128xf32> to vector<1x8x128xf32>
    tpu.vector_store %arg3[%swap3A_42, %swap3A_43, %swap3A_44], %swap3A_47 {strides = array<i32>} : memref<5x8x128xf32, #tpu.memory_space<vmem>>, vector<1x8x128xf32>,
    %swap3A_48 = arith.constant 3 : index
    %swap3A_49 = arith.constant 0 : index
    %swap3A_50 = arith.constant 0 : index
    %swap3A_51 = vector.load %arg3[%swap3A_48, %swap3A_49, %swap3A_50] : memref<5x8x128xf32, #tpu.memory_space<vmem>>, vector<1x8x128xf32>
    %swap3A_52 = vector.shape_cast %swap3A_51 : vector<1x8x128xf32> to vector<8x128xf32>
    %swap3A_53 = vector.shape_cast %scan3A_29#3 : vector<8x128xf32> to vector<1x8x128xf32>
    tpu.vector_store %arg3[%swap3A_48, %swap3A_49, %swap3A_50], %swap3A_53 {strides = array<i32>} : memref<5x8x128xf32, #tpu.memory_space<vmem>>, vector<1x8x128xf32>,
    %swap3A_54 = arith.constant 4 : index
    %swap3A_55 = arith.constant 0 : index
    %swap3A_56 = arith.constant 0 : index
    %swap3A_57 = vector.load %arg3[%swap3A_54, %swap3A_55, %swap3A_56] : memref<5x8x128xf32, #tpu.memory_space<vmem>>, vector<1x8x128xf32>
    %swap3A_58 = vector.shape_cast %swap3A_57 : vector<1x8x128xf32> to vector<8x128xf32>
    %swap3A_59 = vector.shape_cast %scan3A_29#4 : vector<8x128xf32> to vector<1x8x128xf32>
    tpu.vector_store %arg3[%swap3A_54, %swap3A_55, %swap3A_56], %swap3A_59 {strides = array<i32>} : memref<5x8x128xf32, #tpu.memory_space<vmem>>, vector<1x8x128xf32>,
    %eq3A_60 = arith.constant 7 : i32
    %eq3A_61 = arith.cmpi eq, %arg0, %eq3A_60 : i32
    %convert_element_type3A_62 = arith.extui %eq3A_61 : i1 to i32
    %cond3A_63 = arith.constant 0 : i32
    %cond3A_64 = arith.cmpi ne, %convert_element_type3A_62, %cond3A_63 : i32
    scf.if %cond3A_64 {
      %get3A_65 = arith.constant 0 : index
      %get3A_66 = arith.constant 0 : index
      %get3A_67 = arith.constant 0 : index
      %get3A_68 = vector.load %arg3[%get3A_65, %get3A_66, %get3A_67] : memref<5x8x128xf32, #tpu.memory_space<vmem>>, vector<5x8x128xf32>
      %iota3A = tpu.iota {dimensions = array<i32: 0>} : vector<5x8x128xi32>
      %mul3A = arith.constant 1024 : i32
      %mul3A_69 = vector.broadcast %mul3A : i32 to vector<5x8x128xi32>
      %mul3A_70 = arith.muli %iota3A, %mul3A_69 : vector<5x8x128xi32>
      %iota3A_71 = tpu.iota {dimensions = array<i32: 1>} : vector<5x8x128xi32>
      %mul3A_72 = arith.constant 128 : i32
      %mul3A_73 = vector.broadcast %mul3A_72 : i32 to vector<5x8x128xi32>
      %mul3A_74 = arith.muli %iota3A_71, %mul3A_73 : vector<5x8x128xi32>
      %add3A = arith.addi %mul3A_70, %mul3A_74 : vector<5x8x128xi32>
      %iota3A_75 = tpu.iota {dimensions = array<i32: 2>} : vector<5x8x128xi32>
      %add3A_76 = arith.addi %add3A, %iota3A_75 : vector<5x8x128xi32>
      %iota3A_77 = tpu.iota {dimensions = array<i32: 0>} : vector<8x128xi32>
      %iota3A_78 = tpu.iota {dimensions = array<i32: 1>} : vector<8x128xi32>
      %broadcast_in_dim3A = arith.constant 0xFF800000 : f32
      %broadcast_in_dim3A_79 = vector.broadcast %broadcast_in_dim3A : f32 to vector<8x128xf32>
      %reduce_max3A = vector.shape_cast %get3A_68 : vector<5x8x128xf32> to vector<1x5x8x128xf32>
      %reduce_max3A_80 = arith.constant dense<0xFF800000> : vector<1xf32>
      %reduce_max3A_81 = vector.multi_reduction <maximumf>, %reduce_max3A, %reduce_max3A_80 [1, 2, 3] : vector<1x5x8x128xf32> to vector<1xf32>
      %reduce_max3A_82 = vector.shape_cast %reduce_max3A_81 : vector<1xf32> to vector<1x1x1x1xf32>
      %reduce_max3A_83 = vector.extract %reduce_max3A_82[0, 0, 0, 0] : f32 from vector<1x1x1x1xf32>
      %eq3A_84 = vector.broadcast %reduce_max3A_83 : f32 to vector<5x8x128xf32>
      %eq3A_85 = arith.cmpf oeq, %get3A_68, %eq3A_84 : vector<5x8x128xf32>
      %jit3A = arith.constant 1073741824 : i32
      %broadcast_in_dim3A_86 = vector.broadcast %jit3A : i32 to vector<5x8x128xi32>
      %select_n3A = arith.select %eq3A_85, %add3A_76, %broadcast_in_dim3A_86 : vector<5x8x128xi1>, vector<5x8x128xi32>
      %reduce_min3A = vector.shape_cast %select_n3A : vector<5x8x128xi32> to vector<1x5x8x128xi32>
      %reduce_min3A_87 = arith.constant dense<2147483647> : vector<1xi32>
      %reduce_min3A_88 = vector.multi_reduction <minsi>, %reduce_min3A, %reduce_min3A_87 [1, 2, 3] : vector<1x5x8x128xi32> to vector<1xi32>
      %reduce_min3A_89 = vector.shape_cast %reduce_min3A_88 : vector<1xi32> to vector<1x1x1x1xi32>
      %reduce_min3A_90 = vector.extract %reduce_min3A_89[0, 0, 0, 0] : i32 from vector<1x1x1x1xi32>
      %eq3A_91 = vector.broadcast %reduce_min3A_90 : i32 to vector<5x8x128xi32>
      %eq3A_92 = arith.cmpi eq, %add3A_76, %eq3A_91 : vector<5x8x128xi32>
      %jit3A_93 = arith.constant 0xFF800000 : f32
      %broadcast_in_dim3A_94 = vector.broadcast %jit3A_93 : f32 to vector<5x8x128xf32>
      %select_n3A_95 = arith.select %eq3A_92, %broadcast_in_dim3A_94, %get3A_68 : vector<5x8x128xi1>, vector<5x8x128xf32>
      %eq3A_96 = arith.constant 0 : i32
      %eq3A_97 = vector.broadcast %eq3A_96 : i32 to vector<8x128xi32>
      %eq3A_98 = arith.cmpi eq, %iota3A_77, %eq3A_97 : vector<8x128xi32>
      %eq3A_99 = arith.constant 0 : i32
      %eq3A_100 = vector.broadcast %eq3A_99 : i32 to vector<8x128xi32>
      %eq3A_101 = arith.cmpi eq, %iota3A_78, %eq3A_100 : vector<8x128xi32>
      %and3A = arith.andi %eq3A_98, %eq3A_101 : vector<8x128xi1>
      %broadcast_in_dim3A_102 = vector.broadcast %reduce_max3A_83 : f32 to vector<8x128xf32>
      %select_n3A_103 = arith.select %and3A, %broadcast_in_dim3A_102, %broadcast_in_dim3A_79 : vector<8x128xi1>, vector<8x128xf32>
      %reduce_max3A_104 = vector.shape_cast %select_n3A_95 : vector<5x8x128xf32> to vector<1x5x8x128xf32>
      %reduce_max3A_105 = arith.constant dense<0xFF800000> : vector<1xf32>
      %reduce_max3A_106 = vector.multi_reduction <maximumf>, %reduce_max3A_104, %reduce_max3A_105 [1, 2, 3] : vector<1x5x8x128xf32> to vector<1xf32>
      %reduce_max3A_107 = vector.shape_cast %reduce_max3A_106 : vector<1xf32> to vector<1x1x1x1xf32>
      %reduce_max3A_108 = vector.extract %reduce_max3A_107[0, 0, 0, 0] : f32 from vector<1x1x1x1xf32>
      %eq3A_109 = vector.broadcast %reduce_max3A_108 : f32 to vector<5x8x128xf32>
      %eq3A_110 = arith.cmpf oeq, %select_n3A_95, %eq3A_109 : vector<5x8x128xf32>
      %jit3A_111 = arith.constant 1073741824 : i32
      %broadcast_in_dim3A_112 = vector.broadcast %jit3A_111 : i32 to vector<5x8x128xi32>
      %select_n3A_113 = arith.select %eq3A_110, %add3A_76, %broadcast_in_dim3A_112 : vector<5x8x128xi1>, vector<5x8x128xi32>
      %reduce_min3A_114 = vector.shape_cast %select_n3A_113 : vector<5x8x128xi32> to vector<1x5x8x128xi32>
      %reduce_min3A_115 = arith.constant dense<2147483647> : vector<1xi32>
      %reduce_min3A_116 = vector.multi_reduction <minsi>, %reduce_min3A_114, %reduce_min3A_115 [1, 2, 3] : vector<1x5x8x128xi32> to vector<1xi32>
      %reduce_min3A_117 = vector.shape_cast %reduce_min3A_116 : vector<1xi32> to vector<1x1x1x1xi32>
      %reduce_min3A_118 = vector.extract %reduce_min3A_117[0, 0, 0, 0] : i32 from vector<1x1x1x1xi32>
      %eq3A_119 = vector.broadcast %reduce_min3A_118 : i32 to vector<5x8x128xi32>
      %eq3A_120 = arith.cmpi eq, %add3A_76, %eq3A_119 : vector<5x8x128xi32>
      %jit3A_121 = arith.constant 0xFF800000 : f32
      %broadcast_in_dim3A_122 = vector.broadcast %jit3A_121 : f32 to vector<5x8x128xf32>
      %select_n3A_123 = arith.select %eq3A_120, %broadcast_in_dim3A_122, %select_n3A_95 : vector<5x8x128xi1>, vector<5x8x128xf32>
      %eq3A_124 = arith.constant 0 : i32
      %eq3A_125 = vector.broadcast %eq3A_124 : i32 to vector<8x128xi32>
      %eq3A_126 = arith.cmpi eq, %iota3A_77, %eq3A_125 : vector<8x128xi32>
      %eq3A_127 = arith.constant 1 : i32
      %eq3A_128 = vector.broadcast %eq3A_127 : i32 to vector<8x128xi32>
      %eq3A_129 = arith.cmpi eq, %iota3A_78, %eq3A_128 : vector<8x128xi32>
      %and3A_130 = arith.andi %eq3A_126, %eq3A_129 : vector<8x128xi1>
      %broadcast_in_dim3A_131 = vector.broadcast %reduce_max3A_108 : f32 to vector<8x128xf32>
      %select_n3A_132 = arith.select %and3A_130, %broadcast_in_dim3A_131, %select_n3A_103 : vector<8x128xi1>, vector<8x128xf32>
      %reduce_max3A_133 = vector.shape_cast %select_n3A_123 : vector<5x8x128xf32> to vector<1x5x8x128xf32>
      %reduce_max3A_134 = arith.constant dense<0xFF800000> : vector<1xf32>
      %reduce_max3A_135 = vector.multi_reduction <maximumf>, %reduce_max3A_133, %reduce_max3A_134 [1, 2, 3] : vector<1x5x8x128xf32> to vector<1xf32>
      %reduce_max3A_136 = vector.shape_cast %reduce_max3A_135 : vector<1xf32> to vector<1x1x1x1xf32>
      %reduce_max3A_137 = vector.extract %reduce_max3A_136[0, 0, 0, 0] : f32 from vector<1x1x1x1xf32>
      %eq3A_138 = vector.broadcast %reduce_max3A_137 : f32 to vector<5x8x128xf32>
      %eq3A_139 = arith.cmpf oeq, %select_n3A_123, %eq3A_138 : vector<5x8x128xf32>
      %jit3A_140 = arith.constant 1073741824 : i32
      %broadcast_in_dim3A_141 = vector.broadcast %jit3A_140 : i32 to vector<5x8x128xi32>
      %select_n3A_142 = arith.select %eq3A_139, %add3A_76, %broadcast_in_dim3A_141 : vector<5x8x128xi1>, vector<5x8x128xi32>
      %reduce_min3A_143 = vector.shape_cast %select_n3A_142 : vector<5x8x128xi32> to vector<1x5x8x128xi32>
      %reduce_min3A_144 = arith.constant dense<2147483647> : vector<1xi32>
      %reduce_min3A_145 = vector.multi_reduction <minsi>, %reduce_min3A_143, %reduce_min3A_144 [1, 2, 3] : vector<1x5x8x128xi32> to vector<1xi32>
      %reduce_min3A_146 = vector.shape_cast %reduce_min3A_145 : vector<1xi32> to vector<1x1x1x1xi32>
      %reduce_min3A_147 = vector.extract %reduce_min3A_146[0, 0, 0, 0] : i32 from vector<1x1x1x1xi32>
      %eq3A_148 = vector.broadcast %reduce_min3A_147 : i32 to vector<5x8x128xi32>
      %eq3A_149 = arith.cmpi eq, %add3A_76, %eq3A_148 : vector<5x8x128xi32>
      %jit3A_150 = arith.constant 0xFF800000 : f32
      %broadcast_in_dim3A_151 = vector.broadcast %jit3A_150 : f32 to vector<5x8x128xf32>
      %select_n3A_152 = arith.select %eq3A_149, %broadcast_in_dim3A_151, %select_n3A_123 : vector<5x8x128xi1>, vector<5x8x128xf32>
      %eq3A_153 = arith.constant 0 : i32
      %eq3A_154 = vector.broadcast %eq3A_153 : i32 to vector<8x128xi32>
      %eq3A_155 = arith.cmpi eq, %iota3A_77, %eq3A_154 : vector<8x128xi32>
      %eq3A_156 = arith.constant 2 : i32
      %eq3A_157 = vector.broadcast %eq3A_156 : i32 to vector<8x128xi32>
      %eq3A_158 = arith.cmpi eq, %iota3A_78, %eq3A_157 : vector<8x128xi32>
      %and3A_159 = arith.andi %eq3A_155, %eq3A_158 : vector<8x128xi1>
      %broadcast_in_dim3A_160 = vector.broadcast %reduce_max3A_137 : f32 to vector<8x128xf32>
      %select_n3A_161 = arith.select %and3A_159, %broadcast_in_dim3A_160, %select_n3A_132 : vector<8x128xi1>, vector<8x128xf32>
      %reduce_max3A_162 = vector.shape_cast %select_n3A_152 : vector<5x8x128xf32> to vector<1x5x8x128xf32>
      %reduce_max3A_163 = arith.constant dense<0xFF800000> : vector<1xf32>
      %reduce_max3A_164 = vector.multi_reduction <maximumf>, %reduce_max3A_162, %reduce_max3A_163 [1, 2, 3] : vector<1x5x8x128xf32> to vector<1xf32>
      %reduce_max3A_165 = vector.shape_cast %reduce_max3A_164 : vector<1xf32> to vector<1x1x1x1xf32>
      %reduce_max3A_166 = vector.extract %reduce_max3A_165[0, 0, 0, 0] : f32 from vector<1x1x1x1xf32>
      %eq3A_167 = vector.broadcast %reduce_max3A_166 : f32 to vector<5x8x128xf32>
      %eq3A_168 = arith.cmpf oeq, %select_n3A_152, %eq3A_167 : vector<5x8x128xf32>
      %jit3A_169 = arith.constant 1073741824 : i32
      %broadcast_in_dim3A_170 = vector.broadcast %jit3A_169 : i32 to vector<5x8x128xi32>
      %select_n3A_171 = arith.select %eq3A_168, %add3A_76, %broadcast_in_dim3A_170 : vector<5x8x128xi1>, vector<5x8x128xi32>
      %reduce_min3A_172 = vector.shape_cast %select_n3A_171 : vector<5x8x128xi32> to vector<1x5x8x128xi32>
      %reduce_min3A_173 = arith.constant dense<2147483647> : vector<1xi32>
      %reduce_min3A_174 = vector.multi_reduction <minsi>, %reduce_min3A_172, %reduce_min3A_173 [1, 2, 3] : vector<1x5x8x128xi32> to vector<1xi32>
      %reduce_min3A_175 = vector.shape_cast %reduce_min3A_174 : vector<1xi32> to vector<1x1x1x1xi32>
      %reduce_min3A_176 = vector.extract %reduce_min3A_175[0, 0, 0, 0] : i32 from vector<1x1x1x1xi32>
      %eq3A_177 = vector.broadcast %reduce_min3A_176 : i32 to vector<5x8x128xi32>
      %eq3A_178 = arith.cmpi eq, %add3A_76, %eq3A_177 : vector<5x8x128xi32>
      %jit3A_179 = arith.constant 0xFF800000 : f32
      %broadcast_in_dim3A_180 = vector.broadcast %jit3A_179 : f32 to vector<5x8x128xf32>
      %select_n3A_181 = arith.select %eq3A_178, %broadcast_in_dim3A_180, %select_n3A_152 : vector<5x8x128xi1>, vector<5x8x128xf32>
      %eq3A_182 = arith.constant 0 : i32
      %eq3A_183 = vector.broadcast %eq3A_182 : i32 to vector<8x128xi32>
      %eq3A_184 = arith.cmpi eq, %iota3A_77, %eq3A_183 : vector<8x128xi32>
      %eq3A_185 = arith.constant 3 : i32
      %eq3A_186 = vector.broadcast %eq3A_185 : i32 to vector<8x128xi32>
      %eq3A_187 = arith.cmpi eq, %iota3A_78, %eq3A_186 : vector<8x128xi32>
      %and3A_188 = arith.andi %eq3A_184, %eq3A_187 : vector<8x128xi1>
      %broadcast_in_dim3A_189 = vector.broadcast %reduce_max3A_166 : f32 to vector<8x128xf32>
      %select_n3A_190 = arith.select %and3A_188, %broadcast_in_dim3A_189, %select_n3A_161 : vector<8x128xi1>, vector<8x128xf32>
      %reduce_max3A_191 = vector.shape_cast %select_n3A_181 : vector<5x8x128xf32> to vector<1x5x8x128xf32>
      %reduce_max3A_192 = arith.constant dense<0xFF800000> : vector<1xf32>
      %reduce_max3A_193 = vector.multi_reduction <maximumf>, %reduce_max3A_191, %reduce_max3A_192 [1, 2, 3] : vector<1x5x8x128xf32> to vector<1xf32>
      %reduce_max3A_194 = vector.shape_cast %reduce_max3A_193 : vector<1xf32> to vector<1x1x1x1xf32>
      %reduce_max3A_195 = vector.extract %reduce_max3A_194[0, 0, 0, 0] : f32 from vector<1x1x1x1xf32>
      %eq3A_196 = arith.constant 0 : i32
      %eq3A_197 = vector.broadcast %eq3A_196 : i32 to vector<8x128xi32>
      %eq3A_198 = arith.cmpi eq, %iota3A_77, %eq3A_197 : vector<8x128xi32>
      %eq3A_199 = arith.constant 4 : i32
      %eq3A_200 = vector.broadcast %eq3A_199 : i32 to vector<8x128xi32>
      %eq3A_201 = arith.cmpi eq, %iota3A_78, %eq3A_200 : vector<8x128xi32>
      %and3A_202 = arith.andi %eq3A_198, %eq3A_201 : vector<8x128xi1>
      %broadcast_in_dim3A_203 = vector.broadcast %reduce_max3A_195 : f32 to vector<8x128xf32>
      %select_n3A_204 = arith.select %and3A_202, %broadcast_in_dim3A_203, %select_n3A_190 : vector<8x128xi1>, vector<8x128xf32>
      %swap3A_205 = arith.constant 0 : index
      %swap3A_206 = arith.constant 0 : index
      %swap3A_207 = vector.load %arg2[%swap3A_205, %swap3A_206] : memref<8x128xf32, #tpu.memory_space<vmem>>, vector<8x128xf32>
      tpu.vector_store %arg2[%swap3A_205, %swap3A_206], %select_n3A_204 {strides = array<i32>} : memref<8x128xf32, #tpu.memory_space<vmem>>, vector<8x128xf32>,
    } else {
    }
    return
  }
  func.func @transform_0(%arg0: i32) -> (i32, i32) {
    %c0_i32 = arith.constant 0 : i32
    %c0_i32_0 = arith.constant 0 : i32
    return %c0_i32, %arg0 : i32, i32
  }
  func.func @transform_1(%arg0: i32) -> (i32, i32) {
    %c0_i32 = arith.constant 0 : i32
    %c0_i32_0 = arith.constant 0 : i32
    %c0_i32_1 = arith.constant 0 : i32
    return %c0_i32, %c0_i32_0 : i32, i32
  }
}

module attributes {stable_mosaic.version = 14 : i64} {
  func.func @_merge_body(%arg0: memref<32x80xf32, #tpu.memory_space<vmem>>, %arg1: memref<8x128xf32, #tpu.memory_space<vmem>>, %arg2: memref<1x1xf32, #tpu.memory_space<smem>>, %arg3: memref<1x1xf32, #tpu.memory_space<smem>>) attributes {dimension_semantics = [], scalar_prefetch = 0 : i64, scratch_operands = 0 : i64, tpu.core_type = #tpu.core_type<tc>} {
    %get3A = arith.constant 0 : index
    %get3A_0 = arith.constant 0 : index
    %get3A_1 = vector.load %arg0[%get3A, %get3A_0] : memref<32x80xf32, #tpu.memory_space<vmem>>, vector<32x80xf32>
    %get3A_2 = arith.constant 0 : index
    %get3A_3 = arith.constant 0 : index
    %get3A_4 = vector.load %arg1[%get3A_2, %get3A_3] : memref<8x128xf32, #tpu.memory_space<vmem>>, vector<8x128xf32>
    %iota3A = tpu.iota {dimensions = array<i32: 0>} : vector<32x80xi32>
    %mul3A = arith.constant 80 : i32
    %mul3A_5 = vector.broadcast %mul3A : i32 to vector<32x80xi32>
    %mul3A_6 = arith.muli %iota3A, %mul3A_5 : vector<32x80xi32>
    %iota3A_7 = tpu.iota {dimensions = array<i32: 1>} : vector<32x80xi32>
    %add3A = arith.addi %mul3A_6, %iota3A_7 : vector<32x80xi32>
    %iota3A_8 = tpu.iota {dimensions = array<i32: 0>} : vector<8x128xi32>
    %mul3A_9 = arith.constant 128 : i32
    %mul3A_10 = vector.broadcast %mul3A_9 : i32 to vector<8x128xi32>
    %mul3A_11 = arith.muli %iota3A_8, %mul3A_10 : vector<8x128xi32>
    %iota3A_12 = tpu.iota {dimensions = array<i32: 1>} : vector<8x128xi32>
    %add3A_13 = arith.addi %mul3A_11, %iota3A_12 : vector<8x128xi32>
    %add3A_14 = arith.constant 2560 : i32
    %add3A_15 = vector.broadcast %add3A_14 : i32 to vector<8x128xi32>
    %add3A_16 = arith.addi %add3A_13, %add3A_15 : vector<8x128xi32>
    %reduce_max3A = vector.shape_cast %get3A_1 : vector<32x80xf32> to vector<1x32x80xf32>
    %reduce_max3A_17 = arith.constant dense<0xFF800000> : vector<1xf32>
    %reduce_max3A_18 = vector.multi_reduction <maximumf>, %reduce_max3A, %reduce_max3A_17 [1, 2] : vector<1x32x80xf32> to vector<1xf32>
    %reduce_max3A_19 = vector.shape_cast %reduce_max3A_18 : vector<1xf32> to vector<1x1x1xf32>
    %reduce_max3A_20 = vector.extract %reduce_max3A_19[0, 0, 0] : f32 from vector<1x1x1xf32>
    %reduce_max3A_21 = vector.shape_cast %get3A_4 : vector<8x128xf32> to vector<1x8x128xf32>
    %reduce_max3A_22 = arith.constant dense<0xFF800000> : vector<1xf32>
    %reduce_max3A_23 = vector.multi_reduction <maximumf>, %reduce_max3A_21, %reduce_max3A_22 [1, 2] : vector<1x8x128xf32> to vector<1xf32>
    %reduce_max3A_24 = vector.shape_cast %reduce_max3A_23 : vector<1xf32> to vector<1x1x1xf32>
    %reduce_max3A_25 = vector.extract %reduce_max3A_24[0, 0, 0] : f32 from vector<1x1x1xf32>
    %max3A = arith.maximumf %reduce_max3A_20, %reduce_max3A_25 : f32
    %eq3A = vector.broadcast %max3A : f32 to vector<32x80xf32>
    %eq3A_26 = arith.cmpf oeq, %get3A_1, %eq3A : vector<32x80xf32>
    %jit3A = arith.constant 1073741824 : i32
    %broadcast_in_dim3A = vector.broadcast %jit3A : i32 to vector<32x80xi32>
    %select_n3A = arith.select %eq3A_26, %add3A, %broadcast_in_dim3A : vector<32x80xi1>, vector<32x80xi32>
    %reduce_min3A = vector.shape_cast %select_n3A : vector<32x80xi32> to vector<1x32x80xi32>
    %reduce_min3A_27 = arith.constant dense<2147483647> : vector<1xi32>
    %reduce_min3A_28 = vector.multi_reduction <minsi>, %reduce_min3A, %reduce_min3A_27 [1, 2] : vector<1x32x80xi32> to vector<1xi32>
    %reduce_min3A_29 = vector.shape_cast %reduce_min3A_28 : vector<1xi32> to vector<1x1x1xi32>
    %reduce_min3A_30 = vector.extract %reduce_min3A_29[0, 0, 0] : i32 from vector<1x1x1xi32>
    %eq3A_31 = vector.broadcast %max3A : f32 to vector<8x128xf32>
    %eq3A_32 = arith.cmpf oeq, %get3A_4, %eq3A_31 : vector<8x128xf32>
    %jit3A_33 = arith.constant 1073741824 : i32
    %broadcast_in_dim3A_34 = vector.broadcast %jit3A_33 : i32 to vector<8x128xi32>
    %select_n3A_35 = arith.select %eq3A_32, %add3A_16, %broadcast_in_dim3A_34 : vector<8x128xi1>, vector<8x128xi32>
    %reduce_min3A_36 = vector.shape_cast %select_n3A_35 : vector<8x128xi32> to vector<1x8x128xi32>
    %reduce_min3A_37 = arith.constant dense<2147483647> : vector<1xi32>
    %reduce_min3A_38 = vector.multi_reduction <minsi>, %reduce_min3A_36, %reduce_min3A_37 [1, 2] : vector<1x8x128xi32> to vector<1xi32>
    %reduce_min3A_39 = vector.shape_cast %reduce_min3A_38 : vector<1xi32> to vector<1x1x1xi32>
    %reduce_min3A_40 = vector.extract %reduce_min3A_39[0, 0, 0] : i32 from vector<1x1x1xi32>
    %min3A = arith.minsi %reduce_min3A_30, %reduce_min3A_40 : i32
    %eq3A_41 = vector.broadcast %min3A : i32 to vector<32x80xi32>
    %eq3A_42 = arith.cmpi eq, %add3A, %eq3A_41 : vector<32x80xi32>
    %jit3A_43 = arith.constant 0xFF800000 : f32
    %broadcast_in_dim3A_44 = vector.broadcast %jit3A_43 : f32 to vector<32x80xf32>
    %select_n3A_45 = arith.select %eq3A_42, %broadcast_in_dim3A_44, %get3A_1 : vector<32x80xi1>, vector<32x80xf32>
    %eq3A_46 = vector.broadcast %min3A : i32 to vector<8x128xi32>
    %eq3A_47 = arith.cmpi eq, %add3A_16, %eq3A_46 : vector<8x128xi32>
    %jit3A_48 = arith.constant 0xFF800000 : f32
    %broadcast_in_dim3A_49 = vector.broadcast %jit3A_48 : f32 to vector<8x128xf32>
    %select_n3A_50 = arith.select %eq3A_47, %broadcast_in_dim3A_49, %get3A_4 : vector<8x128xi1>, vector<8x128xf32>
    %sub3A = arith.constant 1.000000e+00 : f32
    %sub3A_51 = arith.subf %sub3A, %max3A : f32
    %mul3A_52 = arith.constant 1.000000e+00 : f32
    %mul3A_53 = arith.mulf %mul3A_52, %sub3A_51 : f32
    %reduce_max3A_54 = vector.shape_cast %select_n3A_45 : vector<32x80xf32> to vector<1x32x80xf32>
    %reduce_max3A_55 = arith.constant dense<0xFF800000> : vector<1xf32>
    %reduce_max3A_56 = vector.multi_reduction <maximumf>, %reduce_max3A_54, %reduce_max3A_55 [1, 2] : vector<1x32x80xf32> to vector<1xf32>
    %reduce_max3A_57 = vector.shape_cast %reduce_max3A_56 : vector<1xf32> to vector<1x1x1xf32>
    %reduce_max3A_58 = vector.extract %reduce_max3A_57[0, 0, 0] : f32 from vector<1x1x1xf32>
    %reduce_max3A_59 = vector.shape_cast %select_n3A_50 : vector<8x128xf32> to vector<1x8x128xf32>
    %reduce_max3A_60 = arith.constant dense<0xFF800000> : vector<1xf32>
    %reduce_max3A_61 = vector.multi_reduction <maximumf>, %reduce_max3A_59, %reduce_max3A_60 [1, 2] : vector<1x8x128xf32> to vector<1xf32>
    %reduce_max3A_62 = vector.shape_cast %reduce_max3A_61 : vector<1xf32> to vector<1x1x1xf32>
    %reduce_max3A_63 = vector.extract %reduce_max3A_62[0, 0, 0] : f32 from vector<1x1x1xf32>
    %max3A_64 = arith.maximumf %reduce_max3A_58, %reduce_max3A_63 : f32
    %eq3A_65 = vector.broadcast %max3A_64 : f32 to vector<32x80xf32>
    %eq3A_66 = arith.cmpf oeq, %select_n3A_45, %eq3A_65 : vector<32x80xf32>
    %jit3A_67 = arith.constant 1073741824 : i32
    %broadcast_in_dim3A_68 = vector.broadcast %jit3A_67 : i32 to vector<32x80xi32>
    %select_n3A_69 = arith.select %eq3A_66, %add3A, %broadcast_in_dim3A_68 : vector<32x80xi1>, vector<32x80xi32>
    %reduce_min3A_70 = vector.shape_cast %select_n3A_69 : vector<32x80xi32> to vector<1x32x80xi32>
    %reduce_min3A_71 = arith.constant dense<2147483647> : vector<1xi32>
    %reduce_min3A_72 = vector.multi_reduction <minsi>, %reduce_min3A_70, %reduce_min3A_71 [1, 2] : vector<1x32x80xi32> to vector<1xi32>
    %reduce_min3A_73 = vector.shape_cast %reduce_min3A_72 : vector<1xi32> to vector<1x1x1xi32>
    %reduce_min3A_74 = vector.extract %reduce_min3A_73[0, 0, 0] : i32 from vector<1x1x1xi32>
    %eq3A_75 = vector.broadcast %max3A_64 : f32 to vector<8x128xf32>
    %eq3A_76 = arith.cmpf oeq, %select_n3A_50, %eq3A_75 : vector<8x128xf32>
    %jit3A_77 = arith.constant 1073741824 : i32
    %broadcast_in_dim3A_78 = vector.broadcast %jit3A_77 : i32 to vector<8x128xi32>
    %select_n3A_79 = arith.select %eq3A_76, %add3A_16, %broadcast_in_dim3A_78 : vector<8x128xi1>, vector<8x128xi32>
    %reduce_min3A_80 = vector.shape_cast %select_n3A_79 : vector<8x128xi32> to vector<1x8x128xi32>
    %reduce_min3A_81 = arith.constant dense<2147483647> : vector<1xi32>
    %reduce_min3A_82 = vector.multi_reduction <minsi>, %reduce_min3A_80, %reduce_min3A_81 [1, 2] : vector<1x8x128xi32> to vector<1xi32>
    %reduce_min3A_83 = vector.shape_cast %reduce_min3A_82 : vector<1xi32> to vector<1x1x1xi32>
    %reduce_min3A_84 = vector.extract %reduce_min3A_83[0, 0, 0] : i32 from vector<1x1x1xi32>
    %min3A_85 = arith.minsi %reduce_min3A_74, %reduce_min3A_84 : i32
    %eq3A_86 = vector.broadcast %min3A_85 : i32 to vector<32x80xi32>
    %eq3A_87 = arith.cmpi eq, %add3A, %eq3A_86 : vector<32x80xi32>
    %jit3A_88 = arith.constant 0xFF800000 : f32
    %broadcast_in_dim3A_89 = vector.broadcast %jit3A_88 : f32 to vector<32x80xf32>
    %select_n3A_90 = arith.select %eq3A_87, %broadcast_in_dim3A_89, %select_n3A_45 : vector<32x80xi1>, vector<32x80xf32>
    %eq3A_91 = vector.broadcast %min3A_85 : i32 to vector<8x128xi32>
    %eq3A_92 = arith.cmpi eq, %add3A_16, %eq3A_91 : vector<8x128xi32>
    %jit3A_93 = arith.constant 0xFF800000 : f32
    %broadcast_in_dim3A_94 = vector.broadcast %jit3A_93 : f32 to vector<8x128xf32>
    %select_n3A_95 = arith.select %eq3A_92, %broadcast_in_dim3A_94, %select_n3A_50 : vector<8x128xi1>, vector<8x128xf32>
    %sub3A_96 = arith.constant 1.000000e+00 : f32
    %sub3A_97 = arith.subf %sub3A_96, %max3A_64 : f32
    %mul3A_98 = arith.mulf %mul3A_53, %sub3A_97 : f32
    %reduce_max3A_99 = vector.shape_cast %select_n3A_90 : vector<32x80xf32> to vector<1x32x80xf32>
    %reduce_max3A_100 = arith.constant dense<0xFF800000> : vector<1xf32>
    %reduce_max3A_101 = vector.multi_reduction <maximumf>, %reduce_max3A_99, %reduce_max3A_100 [1, 2] : vector<1x32x80xf32> to vector<1xf32>
    %reduce_max3A_102 = vector.shape_cast %reduce_max3A_101 : vector<1xf32> to vector<1x1x1xf32>
    %reduce_max3A_103 = vector.extract %reduce_max3A_102[0, 0, 0] : f32 from vector<1x1x1xf32>
    %reduce_max3A_104 = vector.shape_cast %select_n3A_95 : vector<8x128xf32> to vector<1x8x128xf32>
    %reduce_max3A_105 = arith.constant dense<0xFF800000> : vector<1xf32>
    %reduce_max3A_106 = vector.multi_reduction <maximumf>, %reduce_max3A_104, %reduce_max3A_105 [1, 2] : vector<1x8x128xf32> to vector<1xf32>
    %reduce_max3A_107 = vector.shape_cast %reduce_max3A_106 : vector<1xf32> to vector<1x1x1xf32>
    %reduce_max3A_108 = vector.extract %reduce_max3A_107[0, 0, 0] : f32 from vector<1x1x1xf32>
    %max3A_109 = arith.maximumf %reduce_max3A_103, %reduce_max3A_108 : f32
    %eq3A_110 = vector.broadcast %max3A_109 : f32 to vector<32x80xf32>
    %eq3A_111 = arith.cmpf oeq, %select_n3A_90, %eq3A_110 : vector<32x80xf32>
    %jit3A_112 = arith.constant 1073741824 : i32
    %broadcast_in_dim3A_113 = vector.broadcast %jit3A_112 : i32 to vector<32x80xi32>
    %select_n3A_114 = arith.select %eq3A_111, %add3A, %broadcast_in_dim3A_113 : vector<32x80xi1>, vector<32x80xi32>
    %reduce_min3A_115 = vector.shape_cast %select_n3A_114 : vector<32x80xi32> to vector<1x32x80xi32>
    %reduce_min3A_116 = arith.constant dense<2147483647> : vector<1xi32>
    %reduce_min3A_117 = vector.multi_reduction <minsi>, %reduce_min3A_115, %reduce_min3A_116 [1, 2] : vector<1x32x80xi32> to vector<1xi32>
    %reduce_min3A_118 = vector.shape_cast %reduce_min3A_117 : vector<1xi32> to vector<1x1x1xi32>
    %reduce_min3A_119 = vector.extract %reduce_min3A_118[0, 0, 0] : i32 from vector<1x1x1xi32>
    %eq3A_120 = vector.broadcast %max3A_109 : f32 to vector<8x128xf32>
    %eq3A_121 = arith.cmpf oeq, %select_n3A_95, %eq3A_120 : vector<8x128xf32>
    %jit3A_122 = arith.constant 1073741824 : i32
    %broadcast_in_dim3A_123 = vector.broadcast %jit3A_122 : i32 to vector<8x128xi32>
    %select_n3A_124 = arith.select %eq3A_121, %add3A_16, %broadcast_in_dim3A_123 : vector<8x128xi1>, vector<8x128xi32>
    %reduce_min3A_125 = vector.shape_cast %select_n3A_124 : vector<8x128xi32> to vector<1x8x128xi32>
    %reduce_min3A_126 = arith.constant dense<2147483647> : vector<1xi32>
    %reduce_min3A_127 = vector.multi_reduction <minsi>, %reduce_min3A_125, %reduce_min3A_126 [1, 2] : vector<1x8x128xi32> to vector<1xi32>
    %reduce_min3A_128 = vector.shape_cast %reduce_min3A_127 : vector<1xi32> to vector<1x1x1xi32>
    %reduce_min3A_129 = vector.extract %reduce_min3A_128[0, 0, 0] : i32 from vector<1x1x1xi32>
    %min3A_130 = arith.minsi %reduce_min3A_119, %reduce_min3A_129 : i32
    %eq3A_131 = vector.broadcast %min3A_130 : i32 to vector<32x80xi32>
    %eq3A_132 = arith.cmpi eq, %add3A, %eq3A_131 : vector<32x80xi32>
    %jit3A_133 = arith.constant 0xFF800000 : f32
    %broadcast_in_dim3A_134 = vector.broadcast %jit3A_133 : f32 to vector<32x80xf32>
    %select_n3A_135 = arith.select %eq3A_132, %broadcast_in_dim3A_134, %select_n3A_90 : vector<32x80xi1>, vector<32x80xf32>
    %eq3A_136 = vector.broadcast %min3A_130 : i32 to vector<8x128xi32>
    %eq3A_137 = arith.cmpi eq, %add3A_16, %eq3A_136 : vector<8x128xi32>
    %jit3A_138 = arith.constant 0xFF800000 : f32
    %broadcast_in_dim3A_139 = vector.broadcast %jit3A_138 : f32 to vector<8x128xf32>
    %select_n3A_140 = arith.select %eq3A_137, %broadcast_in_dim3A_139, %select_n3A_95 : vector<8x128xi1>, vector<8x128xf32>
    %sub3A_141 = arith.constant 1.000000e+00 : f32
    %sub3A_142 = arith.subf %sub3A_141, %max3A_109 : f32
    %mul3A_143 = arith.mulf %mul3A_98, %sub3A_142 : f32
    %reduce_max3A_144 = vector.shape_cast %select_n3A_135 : vector<32x80xf32> to vector<1x32x80xf32>
    %reduce_max3A_145 = arith.constant dense<0xFF800000> : vector<1xf32>
    %reduce_max3A_146 = vector.multi_reduction <maximumf>, %reduce_max3A_144, %reduce_max3A_145 [1, 2] : vector<1x32x80xf32> to vector<1xf32>
    %reduce_max3A_147 = vector.shape_cast %reduce_max3A_146 : vector<1xf32> to vector<1x1x1xf32>
    %reduce_max3A_148 = vector.extract %reduce_max3A_147[0, 0, 0] : f32 from vector<1x1x1xf32>
    %reduce_max3A_149 = vector.shape_cast %select_n3A_140 : vector<8x128xf32> to vector<1x8x128xf32>
    %reduce_max3A_150 = arith.constant dense<0xFF800000> : vector<1xf32>
    %reduce_max3A_151 = vector.multi_reduction <maximumf>, %reduce_max3A_149, %reduce_max3A_150 [1, 2] : vector<1x8x128xf32> to vector<1xf32>
    %reduce_max3A_152 = vector.shape_cast %reduce_max3A_151 : vector<1xf32> to vector<1x1x1xf32>
    %reduce_max3A_153 = vector.extract %reduce_max3A_152[0, 0, 0] : f32 from vector<1x1x1xf32>
    %max3A_154 = arith.maximumf %reduce_max3A_148, %reduce_max3A_153 : f32
    %eq3A_155 = vector.broadcast %max3A_154 : f32 to vector<32x80xf32>
    %eq3A_156 = arith.cmpf oeq, %select_n3A_135, %eq3A_155 : vector<32x80xf32>
    %jit3A_157 = arith.constant 1073741824 : i32
    %broadcast_in_dim3A_158 = vector.broadcast %jit3A_157 : i32 to vector<32x80xi32>
    %select_n3A_159 = arith.select %eq3A_156, %add3A, %broadcast_in_dim3A_158 : vector<32x80xi1>, vector<32x80xi32>
    %reduce_min3A_160 = vector.shape_cast %select_n3A_159 : vector<32x80xi32> to vector<1x32x80xi32>
    %reduce_min3A_161 = arith.constant dense<2147483647> : vector<1xi32>
    %reduce_min3A_162 = vector.multi_reduction <minsi>, %reduce_min3A_160, %reduce_min3A_161 [1, 2] : vector<1x32x80xi32> to vector<1xi32>
    %reduce_min3A_163 = vector.shape_cast %reduce_min3A_162 : vector<1xi32> to vector<1x1x1xi32>
    %reduce_min3A_164 = vector.extract %reduce_min3A_163[0, 0, 0] : i32 from vector<1x1x1xi32>
    %eq3A_165 = vector.broadcast %max3A_154 : f32 to vector<8x128xf32>
    %eq3A_166 = arith.cmpf oeq, %select_n3A_140, %eq3A_165 : vector<8x128xf32>
    %jit3A_167 = arith.constant 1073741824 : i32
    %broadcast_in_dim3A_168 = vector.broadcast %jit3A_167 : i32 to vector<8x128xi32>
    %select_n3A_169 = arith.select %eq3A_166, %add3A_16, %broadcast_in_dim3A_168 : vector<8x128xi1>, vector<8x128xi32>
    %reduce_min3A_170 = vector.shape_cast %select_n3A_169 : vector<8x128xi32> to vector<1x8x128xi32>
    %reduce_min3A_171 = arith.constant dense<2147483647> : vector<1xi32>
    %reduce_min3A_172 = vector.multi_reduction <minsi>, %reduce_min3A_170, %reduce_min3A_171 [1, 2] : vector<1x8x128xi32> to vector<1xi32>
    %reduce_min3A_173 = vector.shape_cast %reduce_min3A_172 : vector<1xi32> to vector<1x1x1xi32>
    %reduce_min3A_174 = vector.extract %reduce_min3A_173[0, 0, 0] : i32 from vector<1x1x1xi32>
    %min3A_175 = arith.minsi %reduce_min3A_164, %reduce_min3A_174 : i32
    %eq3A_176 = vector.broadcast %min3A_175 : i32 to vector<32x80xi32>
    %eq3A_177 = arith.cmpi eq, %add3A, %eq3A_176 : vector<32x80xi32>
    %jit3A_178 = arith.constant 0xFF800000 : f32
    %broadcast_in_dim3A_179 = vector.broadcast %jit3A_178 : f32 to vector<32x80xf32>
    %select_n3A_180 = arith.select %eq3A_177, %broadcast_in_dim3A_179, %select_n3A_135 : vector<32x80xi1>, vector<32x80xf32>
    %eq3A_181 = vector.broadcast %min3A_175 : i32 to vector<8x128xi32>
    %eq3A_182 = arith.cmpi eq, %add3A_16, %eq3A_181 : vector<8x128xi32>
    %jit3A_183 = arith.constant 0xFF800000 : f32
    %broadcast_in_dim3A_184 = vector.broadcast %jit3A_183 : f32 to vector<8x128xf32>
    %select_n3A_185 = arith.select %eq3A_182, %broadcast_in_dim3A_184, %select_n3A_140 : vector<8x128xi1>, vector<8x128xf32>
    %sub3A_186 = arith.constant 1.000000e+00 : f32
    %sub3A_187 = arith.subf %sub3A_186, %max3A_154 : f32
    %mul3A_188 = arith.mulf %mul3A_143, %sub3A_187 : f32
    %reduce_max3A_189 = vector.shape_cast %select_n3A_180 : vector<32x80xf32> to vector<1x32x80xf32>
    %reduce_max3A_190 = arith.constant dense<0xFF800000> : vector<1xf32>
    %reduce_max3A_191 = vector.multi_reduction <maximumf>, %reduce_max3A_189, %reduce_max3A_190 [1, 2] : vector<1x32x80xf32> to vector<1xf32>
    %reduce_max3A_192 = vector.shape_cast %reduce_max3A_191 : vector<1xf32> to vector<1x1x1xf32>
    %reduce_max3A_193 = vector.extract %reduce_max3A_192[0, 0, 0] : f32 from vector<1x1x1xf32>
    %reduce_max3A_194 = vector.shape_cast %select_n3A_185 : vector<8x128xf32> to vector<1x8x128xf32>
    %reduce_max3A_195 = arith.constant dense<0xFF800000> : vector<1xf32>
    %reduce_max3A_196 = vector.multi_reduction <maximumf>, %reduce_max3A_194, %reduce_max3A_195 [1, 2] : vector<1x8x128xf32> to vector<1xf32>
    %reduce_max3A_197 = vector.shape_cast %reduce_max3A_196 : vector<1xf32> to vector<1x1x1xf32>
    %reduce_max3A_198 = vector.extract %reduce_max3A_197[0, 0, 0] : f32 from vector<1x1x1xf32>
    %max3A_199 = arith.maximumf %reduce_max3A_193, %reduce_max3A_198 : f32
    %sub3A_200 = arith.constant 1.000000e+00 : f32
    %sub3A_201 = arith.subf %sub3A_200, %max3A_199 : f32
    %mul3A_202 = arith.mulf %mul3A_188, %sub3A_201 : f32
    %sub3A_203 = arith.constant 1.000000e+00 : f32
    %sub3A_204 = arith.subf %sub3A_203, %mul3A_202 : f32
    %get3A_205 = arith.constant 0 : index
    %get3A_206 = arith.constant 0 : index
    %get3A_207 = memref.load %arg2[%get3A_205, %get3A_206] : memref<1x1xf32, #tpu.memory_space<smem>>
    %sub3A_208 = arith.subf %sub3A_204, %get3A_207 : f32
    %mul3A_209 = arith.mulf %sub3A_208, %sub3A_208 : f32
    %swap3A = arith.constant 0 : index
    %swap3A_210 = arith.constant 0 : index
    %swap3A_211 = memref.load %arg3[%swap3A, %swap3A_210] : memref<1x1xf32, #tpu.memory_space<smem>>
    memref.store %mul3A_209, %arg3[%swap3A, %swap3A_210] : memref<1x1xf32, #tpu.memory_space<smem>>
    return
  }
}

</mosaic_0001>

<sc_bundles>
// kernel: kernel.5.cloned.1.call-start
scs
__scs_entry_jumppad:
0x0: {  	(pc) =	sbr.rel $0x88, $3  }
0x1: {  	(tag) =	ssettag $0x0;
	lr =	simm.s32 $0x1  }
0x2: {  	[smem:$0x3F9F] =	sst lr;
	_ =	strace $0xD0000000  }
0x3: {  	_ = 	snop  }
0x4: {  	_ = 	snop  }
0x5: {  	_ = 	snop  }
0x6: {  	_ = 	snop  }
0x7: {  	_ = 	snop  }
__scs_overlays_trampoline_lowered:
0x8: {  	[smem:$0x3FAE] =	sst s0  }
0x9: {  	[smem:$0x3FAF] =	sst s1  }
0xa: {  	[smem:$0x3FB0] =	sst s2  }
0xb: {  	[smem:$0x3FB1] =	sst s3  }
0xc: {  	[smem:$0x3FB2] =	sst s4  }
0xd: {  	[smem:$0x3FB3] =	sst s5  }
0xe: {  	[smem:$0x3FB4] =	sst s6  }
0xf: {  	[smem:$0x3FB5] =	sst s7  }
0x10: {  	[smem:$0x3FB6] =	sst s8  }
0x11: {  	[smem:$0x3FB7] =	sst s9;
	s0 =	simm.s32 @!p0 $0x0  }
0x12: {  	s1 =	sld [smem:$0x3F9D];
	s0 =	simm.s32 @p0 $0x1  }
0x13: {  	[smem:$0x3FB8] =	sst s0;
	s0 =	simm.s32 @!p1 $0x0  }
0x14: {  	s2 =	sld [smem:$0x3F9C];
	s0 =	simm.s32 @p1 $0x1  }
0x15: {  	[smem:$0x3FB9] =	sst s0;
	s0 =	simm.s32 @!p2 $0x0  }
0x16: {  	s3 =	sld [smem:$0x3FDB];
	s0 =	simm.s32 @p2 $0x1  }
0x17: {  	s4 =	simm.s32 $0x1BF5;
	[smem:$0x3FBB] =	sst s0  }
0x18: {  	s0 =	sld [smem:$0x3F9E];
	_ =	swait.ge [sflag:s4], $0x0  }
0x19: {  	s7 =	sld [smem:$0x3F9F]  }
0x1a: {  	s8 =	sadd.s32 $0xFFFFE003, lr  }
0x1b: {  	s9 =	sadd.s32 $0xFFFFFEF7, lr;
	s5 =	simm.s32 $0xFFFFFFFF;
	p2 =	slt.u32 s8, $0xFFFFF086  }
0x1c: {  	p1 =	slt.u32 s9, $0xF7A;
	s5 =	simm.s32 @!p2 $0x0  }
0x1d: {  	s5 =	simm.s32 @p1 $0x1;
	p0 =	seq.s32 s7, s2  }
0x1e: {  	s7 =	smul.u32 @!p0 $0xF7A, s2;
	p2 =	seq.s32 @!p0 s5, $0x0  }
0x1f: {  	s9 =	smul.u32 $0xF7A, s1;
	s8 =	simm.s32 @!p0 $0x1BF5;
	p2 =	por !p2, p0  }
0x20: {  	[sflag:s8] =	ssyncset.s32 @!p0 $0xFFFFF086;
	s6 =	sadd.s32 @!p0 s3, s7;
	s7 =	simm.s32 @!p0 $0x108  }
0x21: {  	s3 =	sadd.s32 s3, s9;
	s6 =	sadd.s32 @!p0 $0x88, s6;
	s7 =	simm.s32 @p2 $0x1082  }
0x22: {  	[simem:s7], [sflag:s8] =	dma.local @!p0 [hbm:s6], $0xF7A  }
0x23: {  	s9 =	sor.u32 $0xD0000000, s2;
	s6 =	simm.s32 $0x108;
	_ =	swait.ge @!p0 [sflag:s8], $0x0  }
0x24: {  	s3 =	sadd.s32 $0x88, s3;
	s6 =	simm.s32 @!p1 $0x1082;
	[sflag:s4] =	ssyncset.s32 $0xFFFFF086  }
0x25: {  	[simem:s6], [sflag:s4] =	dma.local [hbm:s3], $0xF7A  }
0x26: {  	[smem:$0x3F9F] =	sst s1;
	(tag) =	ssettag s2;
	_ =	strace s9  }
0x27: {  	s1 =	sld [smem:$0x3FAF]  }
0x28: {  	s2 =	sld [smem:$0x3FB0]  }
0x29: {  	s4 =	sld [smem:$0x3FB2]  }
0x2a: {  	p0 =	seq.s32 s5, $0x0;
	s5 =	sld [smem:$0x3FB3]  }
0x2b: {  	s6 =	sld [smem:$0x3FB4]  }
0x2c: {  	s7 =	sld [smem:$0x3FB5]  }
0x2d: {  	s3 =	simm.s32 $0x108;
	s8 =	sld [smem:$0x3FB6]  }
0x2e: {  	s3 =	simm.s32 @!p0 $0x1082;
	s9 =	sld [smem:$0x3FB7]  }
0x2f: {  	lr =	sadd.s32 s0, s3;
	s0 =	sld [smem:$0x3FAE]  }
0x30: {  	s3 =	sld [smem:$0x3FB1]  }
0x31: {  	[smem:$0x3FBA] =	sst s10  }
0x32: {  	s10 =	sld [smem:$0x3FB8];
	_ =	sdelay $0x3  }
0x33: {  	p0 =	seq.s32 s10, $0x1;
	s10 =	sld [smem:$0x3FBA];
	_ =	sdelay $0x3  }
0x34: {  	[smem:$0x3FBA] =	sst s10  }
0x35: {  	s10 =	sld [smem:$0x3FB9];
	_ =	sdelay $0x3  }
0x36: {  	p1 =	seq.s32 s10, $0x1;
	s10 =	sld [smem:$0x3FBA];
	_ =	sdelay $0x3  }
0x37: {  	[smem:$0x3FBA] =	sst s10  }
0x38: {  	s10 =	sld [smem:$0x3FBB]  }
0x39: {  	_ = 	snop;
	(pc) =	sbr.ind lr, $3  }
0x3a: {  	_ = 	snop  }
0x3b: {  	_ = 	snop  }
0x3c: {  	p2 =	seq.s32 s10, $0x1;
	s10 =	sld [smem:$0x3FBA]  }
0x3d: {  	_ =	shalt  }
0x3e: {  	_ =	shalt  }
0x3f: {  	_ =	shalt  }
0x40: {  	_ =	shalt  }
0x41: {  	_ =	shalt  }
0x42: {  	_ =	shalt  }
0x43: {  	_ =	shalt  }
0x44: {  	_ =	shalt  }
0x45: {  	_ =	shalt  }
0x46: {  	_ =	shalt  }
0x47: {  	_ =	shalt  }
0x48: {  	_ =	shalt  }
0x49: {  	_ =	shalt  }
0x4a: {  	_ =	shalt  }
0x4b: {  	_ =	shalt  }
0x4c: {  	_ =	shalt  }
0x4d: {  	_ =	shalt  }
0x4e: {  	_ =	shalt  }
0x4f: {  	_ =	shalt  }
0x50: {  	_ =	shalt  }
0x51: {  	_ =	shalt  }
0x52: {  	_ =	shalt  }
0x53: {  	_ =	shalt  }
0x54: {  	_ =	shalt  }
0x55: {  	_ =	shalt  }
0x56: {  	_ =	shalt  }
0x57: {  	_ =	shalt  }
0x58: {  	_ =	shalt  }
0x59: {  	_ =	shalt  }
0x5a: {  	_ =	shalt  }
0x5b: {  	_ =	shalt  }
0x5c: {  	_ =	shalt  }
0x5d: {  	_ =	shalt  }
0x5e: {  	_ =	shalt  }
0x5f: {  	_ =	shalt  }
0x60: {  	_ =	shalt  }
0x61: {  	_ =	shalt  }
0x62: {  	_ =	shalt  }
0x63: {  	_ =	shalt  }
0x64: {  	_ =	shalt  }
0x65: {  	_ =	shalt  }
0x66: {  	_ =	shalt  }
0x67: {  	_ =	shalt  }
0x68: {  	_ =	shalt  }
0x69: {  	_ =	shalt  }
0x6a: {  	_ =	shalt  }
0x6b: {  	_ =	shalt  }
0x6c: {  	_ =	shalt  }
0x6d: {  	_ =	shalt  }
0x6e: {  	_ =	shalt  }
0x6f: {  	_ =	shalt  }
0x70: {  	_ =	shalt  }
0x71: {  	_ =	shalt  }
0x72: {  	_ =	shalt  }
0x73: {  	_ =	shalt  }
0x74: {  	_ =	shalt  }
0x75: {  	_ =	shalt  }
0x76: {  	_ =	shalt  }
0x77: {  	_ =	shalt  }
0x78: {  	_ =	shalt  }
0x79: {  	_ =	shalt  }
0x7a: {  	_ =	shalt  }
0x7b: {  	_ =	shalt  }
0x7c: {  	_ =	shalt  }
0x7d: {  	_ =	shalt  }
0x7e: {  	_ =	shalt  }
0x7f: {  	_ =	shalt  }
0x80: {  	_ =	shalt  }
0x81: {  	_ =	shalt  }
0x82: {  	_ =	shalt  }
0x83: {  	_ =	shalt  }
0x84: {  	_ =	shalt  }
0x85: {  	_ =	shalt  }
0x86: {  	_ =	shalt  }
0x87: {  	_ =	shalt  }
.Lfunc_end0:
.L_simem_size_0:
called_computation_lowered:
.L_overlay_start_0:
0x88: {  	s2 =	sld [smem:$0x3FD9]  }
0x89: {  	s3 =	sld [smem:$0x3FFE];
	_ =	sdelay $0x1  }
0x8a: {  	s1 =	srdreg.scid  }
0x8b: {  	s0 =	sand.u32 $0x1, s1  }
0x8c: {  	s17 =	sshll.u32 s0, $0xA;
	s2 =	sadd.s32 s3, s2  }
0x8d: {  	s2 =	sadd.s32 s2, s17  }
0x8e: {  	[smem:$0x3FC6] =	sst s2  }
0x8f: {  	_ = 	snop  }
0x90: {  	s2 =	sld [smem:$0x3FC9];
	(tm) =	ssettm $0x1  }
0x91: {  	s18 =	sld [smem:$0x3FFB];
	_ =	sdelay $0x3  }
0x92: {  	_ =	strace s18  }
0x93: {  	s3 =	sld [smem:$0x3FFC];
	_ =	sdelay $0x3  }
0x94: {  	_ =	strace s3  }
0x95: {  	s3 =	sld [smem:$0x3FFD];
	_ =	sdelay $0x3  }
0x96: {  	_ =	strace s3  }
0x97: {  	_ =	strace $0x8FFFFFFF  }
0x98: {  	s19 =	sld [smem:$0x3FDB];
	_ =	sdelay $0x1  }
0x99: {  	s4 =	simm.s32 $_scs_section_size  }
0x9a: {  	s5 =	simm.s32 $_size__tile_overlayer_lowered;
	s6 =	simm.s32 $_tile_overlayer_lowered  }
0x9b: {  	s22 =	simm.s32 $0x1BFF;
	s21 =	sshll.u32 s6, $0x1;
	s3 =	sadd.s32 s4, s19  }
0x9c: {  	s7 =	simm.s32 $0x0;
	s20 =	sshll.u32 s5, $0x1;
	s5 =	sadd.s32 s21, s3  }
0x9d: {  	[timem:s7], [sflag:s22] =	dma.local [hbm:s5], s20  }
0x9e: {  	_ =	swait.ge [sflag:s22], s20  }
0x9f: {  	s4 =	ssub.s32 $0x0, s20;
	[sflag:s22] =	ssyncset.done $0x0  }
0xa0: {  	[sflag:s22] =	ssyncadd.s32 s4;
	_ =	sdelay $0x1  }
0xa1: {  	s23 =	simm.s32 $0x1B8B  }
0xa2: {  	_ =	swait.ge [sflag:s23], $0x1  }
0xa3: {  	[sflag:s23] =	ssyncset.done $0x0  }
0xa4: {  	s25 =	simm.s32 $0x1B8E;
	s24 =	sld [smem:$0x3FFE];
	[sflag:s23] =	ssyncadd.s32 $0xFFFFFFFF  }
0xa5: {  	s26 =	simm.s32 $execute0_lowered;
	[smem:$0x3FD2] =	sst s25  }
0xa6: {  	s5 =	sshll.u32 s26, $0x1;
	_ =	strace $0x80000046;
	[dreg:$0x1] =	wrdreg $0xFFFFFFFF  }
0xa7: {  	s28 =	simm.s32 $_size_execute0_lowered;
	s3 =	sadd.s32 s3, s5;
	[dreg:$0x0] =	wrdreg $0x0  }
0xa8: {  	s5 =	sshll.u32 s28, $0x1;
	[dreg:$0x2] =	wrdreg s3  }
0xa9: {  	[dreg:$0x3] =	wrdreg s5  }
0xaa: {  	[dreg:$0x4] =	wrdreg $0xC0  }
0xab: {  	_ =	task [dreg:s7], $0x5FFFF  }
0xac: {  	[dreg:$0x1] =	wrdreg $0xFFFFFFFF  }
0xad: {  	[dreg:$0x0] =	wrdreg $0x60  }
0xae: {  	[dreg:$0x2] =	wrdreg s2  }
0xaf: {  	[dreg:$0x3] =	wrdreg s24  }
0xb0: {  	[dreg:$0x4] =	wrdreg $0x9  }
0xb1: {  	_ =	task.clear_ibuf [dreg:s7], $0x5FFFF;
	_ =	strace $0x90000046  }
0xb2: {  	s29 =	simm.s32 $0x9;
	_ =	strace $0x80000048  }
0xb3: {  	_ =	swait.ge [sflag:s29], $0x1  }
0xb4: {  	[sflag:s29] =	ssyncadd.s32 $0xFFFFFFFF  }
0xb5: {  	_ =	strace $0x90000048  }
0xb6: {  	_ =	sfence  }
0xb7: {  	s30 =	sld [smem:$0x0];
	_ =	sdelay $0x2  }
0xb8: {  	s31 =	sshll.u32 s1, $0xD;
	s1 =	sshrl.u32 s1, $0x2  }
0xb9: {  	s3 =	sand.u32 $0x4000, s31;
	s1 =	sadd.s32 s1, s30  }
0xba: {  	s0 =	sor.u32 s3, s0;
	s1 =	sshll.u32 s1, $0x11  }
0xbb: {  	s0 =	sor.u32 s1, s0  }
0xbc: {  	s0 =	sadd.s32 $0x8F2B, s0  }
0xbd: {  	[sflag:s0] =	ssyncadd.remote.s32 $0x1  }
0xbe: {  	_ =	sfence.sel $0xFFFF  }
0xbf: {  	[dreg:$0x0] =	wrdreg $0xFFFFFFFF;
	(pc) =	sbr.abs _section_cstart, $3  }
0xc0: {  	[dreg:$0x1] =	wrdreg $0xFFFFFFFF  }
0xc1: {  	_ =	task.clear_ibuf [dreg:s7], $0x2FFFF;
	_ =	strace $0x9FFFFFFF  }
0xc2: {  	(tm) =	ssettm $0x7FFFFFFF  }
0xc3: {  	_ =	shalt  }
tec
execute0_lowered:
.L_overlay_start_1:
0x0: {  	(tag) =	ssettag $0x1  }
0x1: {  	s3 =	rddreg [dreg:$0x0]  }
0x2: {  	s4 =	rddreg [dreg:$0x1]  }
0x3: {  	s0 =	rddreg [dreg:$0x2];
	s2 =	simm.s32 $0x0;
	s5 =	srdreg.scid  }
0x4: {  	s1 =	stileid.u32;
	s10 =	simm.s32 $0x1;
	s11 =	simm.s32 $0x2  }
0x5: {  	s12 =	simm.s32 $0x8200;
	s13 =	simm.s32 $0x3;
	s14 =	simm.s32 $0x0  }
0x6: {  	[smem:$0x7FF] =	sst s2;
	s5 =	sand.u32 $0x1, s5;
	s6 =	sshll.u32 s1, $0x8  }
0x7: {  	s9 =	sshll.u32 s1, $0x10;
	_ =	strace $0x80000047;
	s7 =	sshll.u32 s5, $0x7  }
0x8: {  	s8 =	sand.u32 $0x300, s6;
	s6 =	sand.u32 $0xC00, s6;
	s29 =	sand.u32 $0xC0000, s9  }
0x9: {  	s5 =	ssub.s32 $0x2, s5;
	s9 =	simm.s32 $0x4000;
	s7 =	sor.u32 s7, s8  }
.Ltmp0:
0xa: {  	s6 =	sor.u32 s6, s7;
	s7 =	sor.u32 s29, s7;
	(pc) =	sbr.rel .LBB2_1-.Ltmp0, $4  }
0xb: {  	s30 =	sshrl.u32 s5, $0x1;
	s6 =	sshrl.u32 s6, $0x3;
	s7 =	sshrl.u32 s7, $0x3  }
0xc: {  	s8 =	ssub.s32 s5, s30;
	s6 =	sadd.s32 s6, s4;
	s31 =	sadd.s32 s7, s3  }
0xd: {  	s7 =	simm.s32 $0x80;
	s3 =	sadd.s32 $0x60000, s31;
	s4 =	sadd.s32 $0x64000, s31  }
0xe: {  	vm0 =	vcmask $0x2B30;
	v0 =	vimm.f32 $0.0e+00;
	s5 =	sadd.s32 $0x800, s6;
	s6 =	smax.u32 s8, $0x1;
	s8 =	simm.s32 $0x400  }
.LBB2_19:
0xf: {  	v18 =	vmin.f32 v22, v21;
	v28 =	vmax.f32 v22, v21  }
0x10: {  	v19 =	vmin.f32 v16, v18;
	v29 =	vmax.f32 v16, v18;
	v22 =	vmin.f32 v28, v14  }
0x11: {  	v35 =	vmax.f32 v28, v14;
	v30 =	vmin.f32 v15, v19;
	v31 =	vmax.f32 v15, v19  }
0x12: {  	v34 =	vmin.f32 v29, v22;
	v16 =	vmax.f32 v29, v22;
	v21 =	vmin.f32 v35, v11  }
0x13: {  	v39 =	vmax.f32 v35, v11;
	v32 =	vmin.f32 v13, v30;
	v33 =	vmax.f32 v13, v30  }
0x14: {  	v36 =	vmin.f32 v31, v34;
	v15 =	vmax.f32 v31, v34;
	v38 =	vmin.f32 v16, v21  }
0x15: {  	v40 =	vmax.f32 v16, v21;
	v43 =	vmin.f32 v39, v10;
	v45 =	vmax.f32 v39, v10  }
0x16: {  	v12 =	vmax.f32 v12, v32;
	v37 =	vmin.f32 v33, v36;
	v13 =	vmax.f32 v33, v36  }
0x17: {  	v41 =	vmin.f32 v15, v38;
	v15 =	vmax.f32 v15, v38;
	v44 =	vmin.f32 v40, v43  }
0x18: {  	v46 =	vmax.f32 v40, v43;
	v49 =	vmin.f32 v45, v9;
	v51 =	vmax.f32 v45, v9  }
0x19: {  	v12 =	vmax.f32 v12, v37;
	v42 =	vmin.f32 v13, v41;
	v13 =	vmax.f32 v13, v41  }
0x1a: {  	v47 =	vmin.f32 v15, v44;
	v15 =	vmax.f32 v15, v44;
	v50 =	vmin.f32 v46, v49  }
0x1b: {  	v52 =	vmax.f32 v46, v49;
	v55 =	vmin.f32 v51, v20;
	v9 =	vmax.f32 v51, v20  }
0x1c: {  	v12 =	vmax.f32 v12, v42;
	v48 =	vmin.f32 v13, v47;
	v13 =	vmax.f32 v13, v47  }
0x1d: {  	v53 =	vmin.f32 v15, v50;
	v14 =	vmax.f32 v15, v50;
	v56 =	vmin.f32 v52, v55  }
0x1e: {  	v10 =	vmax.f32 v52, v55;
	v59 =	vmin.f32 v9, v8;
	v61 =	vmax.f32 v9, v8  }
0x1f: {  	v12 =	vmax.f32 v12, v48;
	v54 =	vmin.f32 v13, v53;
	v11 =	vmax.f32 v13, v53  }
0x20: {  	v57 =	vmin.f32 v14, v56;
	v13 =	vmax.f32 v14, v56;
	v60 =	vmin.f32 v10, v59  }
0x21: {  	v62 =	vmax.f32 v10, v59;
	v19 =	vmin.f32 v61, v7;
	v22 =	vmax.f32 v61, v7  }
0x22: {  	v12 =	vmax.f32 v12, v54;
	v58 =	vmin.f32 v11, v57;
	v11 =	vmax.f32 v11, v57  }
0x23: {  	v63 =	vmin.f32 v13, v60;
	v13 =	vmax.f32 v13, v60;
	v21 =	vmin.f32 v62, v19  }
0x24: {  	v23 =	vmax.f32 v62, v19;
	v26 =	vmin.f32 v22, v6;
	v29 =	vmax.f32 v22, v6  }
0x25: {  	v12 =	vmax.f32 v12, v58;
	v18 =	vmin.f32 v11, v63;
	v10 =	vmax.f32 v11, v63  }
0x26: {  	v24 =	vmin.f32 v13, v21;
	v28 =	vmin.f32 v23, v26;
	v30 =	vmax.f32 v23, v26  }
0x27: {  	v33 =	vmin.f32 v29, v5;
	v36 =	vmax.f32 v29, v5;
	v20 =	vmax.f32 v12, v18  }
0x28: {  	v12 =	vmax.f32 v13, v21;
	v25 =	vmin.f32 v10, v24;
	v9 =	vmax.f32 v10, v24  }
0x29: {  	v35 =	vmin.f32 v30, v33;
	v37 =	vmax.f32 v30, v33;
	v40 =	vmin.f32 v36, v4  }
0x2a: {  	v43 =	vmax.f32 v36, v4;
	v27 =	vmax.f32 v20, v25;
	v31 =	vmin.f32 v12, v28  }
0x2b: {  	v11 =	vmax.f32 v12, v28;
	v42 =	vmin.f32 v37, v40;
	v44 =	vmax.f32 v37, v40  }
0x2c: {  	v47 =	vmin.f32 v43, v3;
	v3 =	vmax.f32 v43, v3;
	v32 =	vmin.f32 v9, v31  }
0x2d: {  	v8 =	vmax.f32 v9, v31;
	v38 =	vmin.f32 v11, v35;
	v10 =	vmax.f32 v11, v35  }
0x2e: {  	v49 =	vmin.f32 v44, v47;
	v50 =	vmax.f32 v44, v47;
	v53 =	vmin.f32 v3, v2  }
0x2f: {  	v2 =	vmax.f32 v3, v2;
	v34 =	vmax.f32 v27, v32;
	v39 =	vmin.f32 v8, v38  }
0x30: {  	v7 =	vmax.f32 v8, v38;
	v45 =	vmin.f32 v10, v42;
	v9 =	vmax.f32 v10, v42  }
0x31: {  	v55 =	vmin.f32 v50, v53;
	v3 =	vmax.f32 v50, v53;
	v58 =	vmin.f32 v2, v1  }
0x32: {  	v1 =	vmax.f32 v2, v1;
	v41 =	vmax.f32 v34, v39;
	v46 =	vmin.f32 v7, v45  }
0x33: {  	v6 =	vmax.f32 v7, v45;
	v51 =	vmin.f32 v9, v49;
	v8 =	vmax.f32 v9, v49  }
0x34: {  	v60 =	vmin.f32 v3, v58;
	v2 =	vmax.f32 v3, v58;
	v61 =	vmax.f32 v1, v17  }
0x35: {  	v1 =	vmin.f32 v1, v17;
	v48 =	vmax.f32 v41, v46;
	v52 =	vmin.f32 v6, v51  }
0x36: {  	v5 =	vmax.f32 v6, v51;
	v56 =	vmin.f32 v8, v55;
	v7 =	vmax.f32 v8, v55  }
0x37: {  	v9 =	vmax.f32 v2, v1;
	v1 =	vmin.f32 v2, v1;
	v54 =	vmax.f32 v48, v52  }
0x38: {  	v57 =	vmin.f32 v5, v56;
	v4 =	vmax.f32 v5, v56;
	v6 =	vmin.f32 v7, v60  }
0x39: {  	[tilespmem:$0x8200] =	vst v61;
	v3 =	vmax.f32 v7, v60;
	v59 =	vmax.f32 v54, v57;
	v62 =	vmax.f32 v4, v6  }
0x3a: {  	[tilespmem:$0x8210] =	vst v9;
	v2 =	vmin.f32 v4, v6;
	v63 =	vmax.f32 v3, v1;
	v1 =	vmin.f32 v3, v1  }
0x3b: {  	s14 =	sadd.s32 $0x1, s14;
	v2 =	vmax.f32 v59, v2;
	v3 =	vmax.f32 v62, v1;
	v1 =	vmin.f32 v62, v1;
	[tilespmem:$0x8220] =	vst v63  }
0x3c: {  	p0 =	sne.s32 s14, s6;
	v1 =	vmax.f32 v2, v1;
	[tilespmem:$0x8230] =	vst v3  }
.Ltmp1:
0x3d: {  	[tilespmem:$0x8240] =	vst v1;
	(pc) =	sbr.rel @!p0 .LBB2_20-.Ltmp1, $4  }
0x3e: {  	[hbm4b:s5+s2] =	stream.linear.scatter [tilespmem:s12], [sflag:$0x3], $0x80, $0x38;
	[tilespmem:$0x8280] =	vst v63  }
0x3f: {  	_ =	swait.ge [sflag:s13], $0x80  }
0x40: {  	[sflag:s13] =	ssyncset.done $0x0  }
0x41: {  	[sflag:s13] =	ssyncadd.s32 $0xFFFFFF80  }
.LBB2_1:
0x42: {  	[tilespmem:s2], [sflag:$0x1] =	stream.strided.gather [hbm4b:s3+s7], $0x4000, s8, s7, $0x38;
	[tilespmem:$0x8280] =	vst v63  }
0x43: {  	_ = 	snop  }
0x44: {  	[tilespmem:s9], [sflag:$0x2] =	stream.strided.gather [hbm4b:s4+s7], $0x4000, s8, s7, $0x38;
	[tilespmem:$0x8280] =	vst v63  }
0x45: {  	_ =	swait.ge [sflag:s10], $0x4000  }
0x46: {  	[sflag:s10] =	ssyncset.done $0x0  }
0x47: {  	s15 =	simm.s32 $0x100;
	[sflag:s10] =	ssyncadd.s32 $0xFFFFC000  }
0x48: {  	v1 =	vld [tilespmem:s15+$0x70]  }
0x49: {  	v10 =	vld [tilespmem:s15+$0xFFFFFF00]  }
0x4a: {  	v11 =	vld [tilespmem:s15+$0xFFFFFF10]  }
0x4b: {  	v12 =	vld [tilespmem:s15+$0xFFFFFF20]  }
0x4c: {  	v13 =	vld [tilespmem:s15+$0xFFFFFF30]  }
0x4d: {  	v15 =	vld [tilespmem:s15+$0xFFFFFF40]  }
0x4e: {  	v16 =	vld [tilespmem:s15+$0xFFFFFF50]  }
0x4f: {  	v8 =	vld [tilespmem:s15+$0xFFFFFF60]  }
0x50: {  	v2 =	vld [tilespmem:s15+$0x10]  }
0x51: {  	v6 =	vld [tilespmem:s15+$0x20]  }
0x52: {  	v7 =	vld [tilespmem:s15+$0x30]  }
0x53: {  	v9 =	vld [tilespmem:s15+$0x50]  }
0x54: {  	v14 =	vld [tilespmem:s15+$0x60]  }
0x55: {  	v17 =	vld [tilespmem:s15+$0x40]  }
0x56: {  	v18 =	vld [tilespmem:s15+$0x0]  }
0x57: {  	v19 =	vld [tilespmem:s15+$0xFFFFFF70]  }
0x58: {  	v20 =	vld [tilespmem:s15+$0xF0]  }
0x59: {  	v21 =	vld [tilespmem:s15+$0xFFFFFF80]  }
0x5a: {  	v22 =	vld [tilespmem:s15+$0xFFFFFF90]  }
0x5b: {  	v3 =	vld [tilespmem:s15+$0xFFFFFFA0]  }
0x5c: {  	v4 =	vld [tilespmem:s15+$0xFFFFFFD0]  }
0x5d: {  	v23 =	vld [tilespmem:s15+$0xFFFFFFE0]  }
0x5e: {  	v24 =	vld [tilespmem:s15+$0xFFFFFFF0]  }
0x5f: {  	v5 =	vld [tilespmem:s15+$0xB0]  }
0x60: {  	v25 =	vld [tilespmem:s15+$0xE0]  }
0x61: {  	v26 =	vmax.f32 v6, v7;
	v6 =	vld [tilespmem:s15+$0x90]  }
0x62: {  	v1 =	vmax.f32 v14, v1;
	v9 =	vmax.f32 v17, v9;
	v7 =	vld [tilespmem:s15+$0xD0]  }
0x63: {  	v2 =	vmax.f32 v18, v2;
	v14 =	vld [tilespmem:s15+$0xFFFFFFB0];
	v15 =	vmax.f32 v15, v16;
	v12 =	vmax.f32 v12, v13  }
0x64: {  	v10 =	vmax.f32 v10, v11;
	v2 =	vmax.f32 v2, v26;
	v1 =	vmax.f32 v9, v1;
	v9 =	vld [tilespmem:s15+$0xFFFFFFC0]  }
0x65: {  	v11 =	vld [tilespmem:s15+$0xC0];
	v13 =	vmax.f32 v23, v24;
	v2 =	vmax.f32 v2, v1;
	v1 =	vmax.f32 v8, v19  }
0x66: {  	v10 =	vmax.f32 v10, v12;
	v12 =	vmax.f32 v25, v20;
	v16 =	vmax.f32 v15, v1;
	v15 =	vld [tilespmem:s15+$0xA0]  }
0x67: {  	s16 =	simm.s32 $0x40;
	s17 =	simm.s32 $0x300;
	v8 =	vmax.f32 v21, v22;
	v1 =	vimm.f32 $-Inf;
	v10 =	vmax.f32 v10, v16;
	v16 =	vld [tilespmem:s15+$0x80];
	s15 =	simm.s32 $0x0  }
.LBB2_2:
0x68: {  	v17 =	vld [tilespmem:s17+$0x70];
	p0 =	sne.s32 s16, $0x7C0;
	s18 =	smov.u32 s16;
	s16 =	sadd.s32 $0x40, s16  }
0x69: {  	v4 =	vmax.f32 v9, v4;
	v18 =	vld [tilespmem:s17+$0xFFFFFF00];
	v3 =	vmax.f32 v3, v14  }
0x6a: {  	v4 =	vmax.f32 v4, v13;
	v14 =	vld [tilespmem:s17+$0xFFFFFF10];
	v3 =	vmax.f32 v8, v3  }
0x6b: {  	v7 =	vmax.f32 v11, v7;
	v9 =	vld [tilespmem:s17+$0xFFFFFF20];
	v5 =	vmax.f32 v15, v5;
	v3 =	vmax.f32 v3, v4  }
0x6c: {  	v11 =	vld [tilespmem:s17+$0xFFFFFF30];
	v4 =	vmax.f32 v16, v6;
	v6 =	vmax.f32 v7, v12;
	v3 =	vmax.f32 v10, v3  }
0x6d: {  	v7 =	vld [tilespmem:s17+$0xFFFFFF40];
	v4 =	vmax.f32 v4, v5  }
0x6e: {  	v10 =	vld [tilespmem:s17+$0xFFFFFF50];
	v4 =	vmax.f32 v4, v6  }
0x6f: {  	v5 =	vld [tilespmem:s17+$0xFFFFFF60];
	v2 =	vmax.f32 v2, v4  }
0x70: {  	s19 =	sshra.s32 s15, $0x2;
	s15 =	smov.u32 s18;
	v4 =	vld [tilespmem:s17+$0x10];
	v2 =	vmax.f32 v3, v2  }
0x71: {  	v3 =	vld [tilespmem:s17+$0x20];
	[tilespmem:s19+$0x8000] =	vst v2;
	v1 =	vmax.f32 v1, v2  }
0x72: {  	v2 =	vld [tilespmem:s17+$0x30]  }
0x73: {  	v6 =	vld [tilespmem:s17+$0x50]  }
0x74: {  	v8 =	vld [tilespmem:s17+$0x60]  }
0x75: {  	v12 =	vld [tilespmem:s17+$0x40]  }
0x76: {  	v13 =	vld [tilespmem:s17+$0x0]  }
0x77: {  	v15 =	vld [tilespmem:s17+$0xFFFFFF70];
	v2 =	vmax.f32 v3, v2  }
0x78: {  	v16 =	vld [tilespmem:s17+$0xF0]  }
0x79: {  	v19 =	vld [tilespmem:s17+$0xFFFFFF80];
	v8 =	vmax.f32 v8, v17  }
0x7a: {  	v17 =	vld [tilespmem:s17+$0xFFFFFF90];
	v6 =	vmax.f32 v12, v6  }
0x7b: {  	v3 =	vld [tilespmem:s17+$0xFFFFFFA0];
	v12 =	vmax.f32 v13, v4  }
0x7c: {  	v6 =	vmax.f32 v6, v8;
	v4 =	vld [tilespmem:s17+$0xFFFFFFD0];
	v2 =	vmax.f32 v12, v2  }
0x7d: {  	v12 =	vld [tilespmem:s17+$0xFFFFFFE0];
	v2 =	vmax.f32 v2, v6  }
0x7e: {  	v15 =	vmax.f32 v5, v15;
	v13 =	vld [tilespmem:s17+$0xFFFFFFF0]  }
0x7f: {  	v5 =	vld [tilespmem:s17+$0xB0];
	v8 =	vmax.f32 v19, v17  }
0x80: {  	v7 =	vmax.f32 v7, v10;
	v17 =	vld [tilespmem:s17+$0xE0]  }
0x81: {  	v10 =	vmax.f32 v7, v15;
	v6 =	vld [tilespmem:s17+$0x90]  }
0x82: {  	v11 =	vmax.f32 v9, v11;
	v7 =	vld [tilespmem:s17+$0xD0]  }
.Ltmp2:
0x83: {  	v15 =	vmax.f32 v18, v14;
	v9 =	vld [tilespmem:s17+$0xFFFFFFC0];
	v13 =	vmax.f32 v12, v13;
	(pc) =	sbr.rel @p0 .LBB2_2-.Ltmp2, $4  }
0x84: {  	v15 =	vmax.f32 v15, v11;
	v14 =	vld [tilespmem:s17+$0xFFFFFFB0]  }
0x85: {  	v10 =	vmax.f32 v15, v10;
	v11 =	vld [tilespmem:s17+$0xC0];
	v12 =	vmax.f32 v17, v16  }
0x86: {  	v15 =	vld [tilespmem:s17+$0xA0]  }
0x87: {  	v16 =	vld [tilespmem:s17+$0x80];
	s17 =	sadd.s32 $0x200, s17  }
0x88: {  	_ =	sdelay $0x1  }
0x89: {  	v4 =	vmax.f32 v9, v4  }
0x8a: {  	v3 =	vmax.f32 v3, v14;
	v4 =	vmax.f32 v4, v13  }
0x8b: {  	v7 =	vmax.f32 v11, v7;
	v5 =	vmax.f32 v15, v5;
	v6 =	vmax.f32 v16, v6  }
0x8c: {  	v3 =	vmax.f32 v8, v3;
	v7 =	vmax.f32 v7, v12;
	v5 =	vmax.f32 v6, v5  }
0x8d: {  	v3 =	vmax.f32 v3, v4;
	v4 =	vmax.f32 v5, v7  }
0x8e: {  	v3 =	vmax.f32 v10, v3;
	v2 =	vmax.f32 v2, v4  }
0x8f: {  	v2 =	vmax.f32 v3, v2  }
0x90: {  	v18 =	vmax.f32 v1, v2  }
0x91: {  	(xrf1) =	vsort.ascd.msk.f32 $0xffff, v18, v18;
	_ =	sdelay $0xd  }
0x92: {  	v1, _, _ =	vpop (xrf1)  }
0x93: {  	v1 =	vsel vm0, $0xFF800000, v1  }
0x94: {  	(xrf0) =	vmax.scan.msk.f32 $0xffff, v1;
	_ =	sdelay $0x5  }
0x95: {  	v1, _, _ =	vpop (xrf0)  }
0x96: {  	v23 =	vbroadcast v1, $0xF;
	_ =	sdelay $0x1  }
0x97: {  	vm1 =	vge.f32 v18, v23  }
0x98: {  	v1 =	vsel vm1, $0x3F800000, v0  }
0x99: {  	(xrf0) =	vmax.scan.msk.f32 $0xffff, v1;
	_ =	sdelay $0x5  }
0x9a: {  	v1, _, _ =	vpop (xrf0)  }
0x9b: {  	(v2sf) =	vpush v1, $0xF;
	_ =	sdelay $0xe  }
0x9c: {  	v19 =	vimm.f32 $-Inf;
	v22 =	vimm.f32 $-Inf;
	v21 =	vimm.f32 $-Inf;
	s16 =	spop (v2sf)  }
0x9d: {  	v9 =	vimm.f32 $-Inf;
	v20 =	vimm.f32 $-Inf;
	v17 =	vimm.f32 $-Inf;
	p0 =	sgt.f32 s16, $0.0e+00  }
.Ltmp3:
0x9e: {  	v13 =	vimm.f32 $-Inf;
	v14 =	vimm.f32 $-Inf;
	v11 =	vimm.f32 $-Inf;
	(pc) =	sbr.rel @!p0 .LBB2_10-.Ltmp3, $4  }
0x9f: {  	v8 =	vimm.f32 $-Inf;
	v15 =	vimm.f32 $-Inf;
	v12 =	vimm.f32 $-Inf  }
0xa0: {  	v16 =	vimm.f32 $-Inf;
	v10 =	vimm.f32 $-Inf;
	v6 =	vimm.f32 $-Inf  }
0xa1: {  	s15 =	sshra.s32 s15, $0x2;
	v7 =	vimm.f32 $-Inf;
	v5 =	vimm.f32 $-Inf;
	v4 =	vimm.f32 $-Inf  }
0xa2: {  	v3 =	vimm.f32 $-Inf;
	[tilespmem:s15+$0x8000] =	vst v2;
	v2 =	vimm.f32 $-Inf;
	v1 =	vimm.f32 $-Inf  }
0xa3: {  	s15 =	simm.s32 $0x8000  }
0xa4: {  	v1 =	vld [tilespmem:s15+$0x0];
	_ =	sdelay $0x4  }
0xa5: {  	vm1 =	vge.f32 v1, v23  }
0xa6: {  	v1 =	vsel vm1, $0x3F800000, v0  }
0xa7: {  	(xrf0) =	vmax.scan.msk.f32 $0xffff, v1;
	_ =	sdelay $0x4  }
0xa8: {  	s28 =	simm.s32 $0x8010  }
0xa9: {  	s29 =	simm.s32 $0x8020;
	v2 =	vld [tilespmem:s28+$0x0];
	v1, _, _ =	vpop (xrf0)  }
0xaa: {  	(v2sf) =	vpush v1, $0xF;
	v1 =	vld [tilespmem:s29+$0x0];
	_ =	sdelay $0x3  }
0xab: {  	vm1 =	vge.f32 v2, v23  }
0xac: {  	v2 =	vsel vm1, $0x3F800000, v0;
	vm1 =	vge.f32 v1, v23  }
0xad: {  	(xrf0) =	vmax.scan.msk.f32 $0xffff, v2;
	v1 =	vsel vm1, $0x3F800000, v0  }
0xae: {  	(xrf0) =	vmax.scan.msk.f32 $0xffff, v1;
	_ =	sdelay $0x2  }
0xaf: {  	s30 =	simm.s32 $0x8030  }
0xb0: {  	v2 =	vld [tilespmem:s30+$0x0]  }
0xb1: {  	v3, _, _ =	vpop (xrf0)  }
0xb2: {  	(v2sf) =	vpush v3, $0xF;
	v3, _, _ =	vpop (xrf0)  }
0xb3: {  	(v2sf) =	vpush v3, $0xF  }
0xb4: {  	s31 =	simm.s32 $0x8040  }
0xb5: {  	vm1 =	vge.f32 v2, v23;
	v1 =	vld [tilespmem:s31+$0x0]  }
0xb6: {  	v2 =	vsel vm1, $0x3F800000, v0  }
0xb7: {  	(xrf0) =	vmax.scan.msk.f32 $0xffff, v2  }
0xb8: {  	s19 =	simm.s32 $0x0;
	s18 =	simm.s32 $0x1;
	s17 =	simm.s32 $0x3  }
0xb9: {  	s16 =	simm.s32 $0x4;
	s20 =	simm.s32 $0x5;
	s21 =	simm.s32 $0x8050  }
0xba: {  	s15 =	simm.s32 $0x2;
	[smem:s19] =	sst s19;
	vm1 =	vge.f32 v1, v23;
	s22 =	spop (v2sf)  }
.LBB2_5:
0xbb: {  	p0 =	sne.s32 s20, $0x1F;
	p1 =	sgt.f32 s22, $0.0e+00  }
0xbc: {  	v1 =	vld [tilespmem:s21+$0x0];
	v3 =	vsel vm1, $0x3F800000, v0;
	s23 =	smov.u32 s16;
	s16 =	smov.u32 s20;
	s20 =	sadd.s32 $0x1, s20  }
.Ltmp4:
0xbd: {  	s22 =	simm.s32 $0x1;
	(xrf0) =	vmax.scan.msk.f32 $0xffff, v3;
	v2, _, _ =	vpop (xrf0);
	(pc) =	sbr.rel @p0 .LBB2_5-.Ltmp4, $4  }
0xbe: {  	(v2sf) =	vpush v2, $0xF;
	s22 =	simm.s32 @!p1 $0x0  }
0xbf: {  	s19 =	sadd.s32 s22, s19  }
0xc0: {  	[smem:s19] =	sst s18;
	s18 =	smov.u32 s15;
	s15 =	smov.u32 s17  }
0xc1: {  	s21 =	sadd.s32 $0x10, s21;
	s17 =	smov.u32 s23;
	vm1 =	vge.f32 v1, v23;
	s22 =	spop (v2sf)  }
0xc2: {  	_ = 	snop  }
0xc3: {  	v1 =	vsel vm1, $0x3F800000, v0  }
0xc4: {  	(xrf0) =	vmax.scan.msk.f32 $0xffff, v1;
	_ =	sdelay $0x4  }
0xc5: {  	v1, _, _ =	vpop (xrf0)  }
0xc6: {  	(v2sf) =	vpush v1, $0xF;
	v1, _, _ =	vpop (xrf0)  }
0xc7: {  	(v2sf) =	vpush v1, $0xF;
	_ =	sdelay $0xa  }
0xc8: {  	s20 =	spop (v2sf);
	p0 =	sgt.f32 s22, $0.0e+00;
	s21 =	simm.s32 $0x1  }
0xc9: {  	s22 =	simm.s32 $0x1;
	s23 =	simm.s32 $0x1;
	p1 =	sgt.f32 s20, $0.0e+00  }
0xca: {  	s20 =	simm.s32 $0x1;
	s21 =	simm.s32 @!p0 $0x0;
	s26 =	spop (v2sf)  }
0xcb: {  	s19 =	sadd.s32 s21, s19;
	p0 =	sgt.f32 s26, $0.0e+00;
	s28 =	spop (v2sf)  }
0xcc: {  	s20 =	simm.s32 @!p1 $0x0;
	p1 =	sgt.f32 s28, $0.0e+00;
	s29 =	spop (v2sf)  }
0xcd: {  	s20 =	sadd.s32 s20, s19;
	s22 =	simm.s32 @!p0 $0x0;
	p0 =	sgt.f32 s29, $0.0e+00  }
0xce: {  	s30 =	sadd.s32 s22, s20;
	s22 =	simm.s32 $0x1;
	s23 =	simm.s32 @!p1 $0x0  }
0xcf: {  	[smem:s19] =	sst s18;
	s31 =	sadd.s32 s23, s30;
	s22 =	simm.s32 @!p0 $0x0  }
0xd0: {  	v17 =	vimm.f32 $-Inf;
	v2 =	vimm.f32 $-Inf;
	[smem:s20] =	sst s15;
	s15 =	sadd.s32 s22, s31  }
0xd1: {  	v3 =	vimm.f32 $-Inf;
	v4 =	vimm.f32 $-Inf;
	v5 =	vimm.f32 $-Inf;
	p0 =	slt.s32 s15, $0x1  }
.Ltmp5:
0xd2: {  	v6 =	vimm.f32 $-Inf;
	v7 =	vimm.f32 $-Inf;
	v8 =	vimm.f32 $-Inf;
	(pc) =	sbr.rel @p0 .LBB2_10-.Ltmp5, $4  }
0xd3: {  	v20 =	vimm.f32 $-Inf;
	v9 =	vimm.f32 $-Inf;
	v10 =	vimm.f32 $-Inf  }
0xd4: {  	v11 =	vimm.f32 $-Inf;
	v14 =	vimm.f32 $-Inf;
	v21 =	vimm.f32 $-Inf  }
0xd5: {  	v12 =	vimm.f32 $-Inf;
	v13 =	vimm.f32 $-Inf;
	v15 =	vimm.f32 $-Inf;
	[smem:s30] =	sst s17  }
0xd6: {  	v16 =	vimm.f32 $-Inf;
	v22 =	vimm.f32 $-Inf;
	v1 =	vimm.f32 $-Inf;
	s17 =	simm.s32 $0x0;
	[smem:s31] =	sst s16;
	s16 =	simm.s32 $0x0  }
.LBB2_7:
0xd7: {  	s18 =	sld [smem:s17+$0x0];
	_ =	sdelay $0x2  }
0xd8: {  	s18 =	sshll.u32 s18, $0xB  }
0xd9: {  	s19 =	sand.u32 $0x180, s16;
	s18 =	sshra.s32 s18, $0x2  }
0xda: {  	s20 =	sand.u32 $0x40, s16;
	s19 =	sadd.s32 s19, s18  }
0xdb: {  	s19 =	sadd.s32 s20, s19  }
0xdc: {  	v29 =	vld [tilespmem:s19+$0x30];
	_ =	sdelay $0x2  }
0xdd: {  	v24 =	vld [tilespmem:s19+$0x0]  }
0xde: {  	v30 =	vld [tilespmem:s19+$0x10]  }
0xdf: {  	v31 =	vld [tilespmem:s19+$0x20];
	v27 =	vmin.f32 v4, v29  }
0xe0: {  	v25 =	vmin.f32 v3, v27  }
0xe1: {  	v26 =	vmin.f32 v2, v25  }
0xe2: {  	v34 =	vmovc v8;
	v28 =	vmax.f32 v22, v24;
	v37 =	vmin.f32 v22, v24;
	v22 =	vmin.f32 v1, v26  }
0xe3: {  	v35 =	vmovc v7;
	v32 =	vmovc v13;
	v33 =	vmov v10;
	v36 =	vmov v6;
	v23 =	vmax.f32 v21, v30  }
0xe4: {  	s20 =	simm.s32 $0x40;
	v24 =	vmax.f32 v20, v31;
	v38 =	vmin.f32 v21, v30;
	v39 =	vmin.f32 v20, v31;
	v21 =	vmovc v16  }
0xe5: {  	s21 =	sand.u32 $0x180, s20;
	s19 =	simm.s32 $0x80;
	v30 =	vmovc v14;
	v31 =	vmovc v11;
	v20 =	vmov v28;
	v17 =	vmax.f32 v17, v22;
	v22 =	vmov v15  }
.LBB2_8:
0xe6: {  	p0 =	sne.s32 s19, $0x1C0;
	v16 =	vmax.f32 v16, v37  }
0xe7: {  	s22 =	sand.u32 $0x40, s20;
	s21 =	sadd.s32 s21, s18;
	v14 =	vmax.f32 v14, v38;
	v8 =	vmax.f32 v8, v39;
	v40 =	vmovc v23;
	v41 =	vmov v24;
	s20 =	smov.u32 s19  }
0xe8: {  	v37 =	vmin.f32 v21, v37;
	v38 =	vmin.f32 v30, v38;
	v43 =	vmin.f32 v34, v39;
	s21 =	sadd.s32 s22, s21;
	v21 =	vmovc v16  }
0xe9: {  	v15 =	vmax.f32 v15, v37;
	v11 =	vmax.f32 v11, v38;
	v7 =	vmax.f32 v7, v43;
	v30 =	vmovc v14;
	v39 =	vld [tilespmem:s21+$0x30]  }
0xea: {  	v37 =	vmin.f32 v22, v37;
	v44 =	vmin.f32 v31, v38;
	v35 =	vmin.f32 v35, v43;
	v34 =	vmovc v8;
	v42 =	vld [tilespmem:s21+$0x0]  }
0xeb: {  	v13 =	vmax.f32 v13, v37;
	v10 =	vmax.f32 v10, v44;
	v6 =	vmax.f32 v6, v35;
	v22 =	vmovc v15;
	v38 =	vld [tilespmem:s21+$0x10]  }
0xec: {  	v32 =	vmin.f32 v32, v37;
	v33 =	vmin.f32 v33, v44;
	v36 =	vmin.f32 v36, v35;
	v31 =	vmovc v11;
	v43 =	vld [tilespmem:s21+$0x20]  }
0xed: {  	v4 =	vmax.f32 v4, v29;
	v12 =	vmax.f32 v12, v32;
	v9 =	vmax.f32 v9, v33;
	v35 =	vmovc v7  }
.Ltmp6:
0xee: {  	v3 =	vmax.f32 v3, v27;
	v5 =	vmax.f32 v5, v36;
	v27 =	vmin.f32 v4, v39;
	v29 =	vmovc v39;
	(pc) =	sbr.rel @p0 .LBB2_8-.Ltmp6, $4  }
0xef: {  	v2 =	vmax.f32 v2, v25;
	v32 =	vmovc v13;
	v28 =	vmax.f32 v28, v42;
	v25 =	vmin.f32 v3, v27  }
0xf0: {  	v1 =	vmax.f32 v1, v26;
	v33 =	vmovc v10;
	v23 =	vmax.f32 v23, v38;
	v26 =	vmin.f32 v2, v25  }
0xf1: {  	v36 =	vmovc v6;
	v37 =	vmin.f32 v20, v42;
	v24 =	vmax.f32 v24, v43;
	v42 =	vmin.f32 v1, v26  }
0xf2: {  	s19 =	sadd.s32 $0x40, s19;
	s21 =	sand.u32 $0x180, s20;
	v38 =	vmin.f32 v40, v38;
	v20 =	vmovc v28;
	v39 =	vmin.f32 v41, v43;
	v17 =	vmax.f32 v17, v42  }
0xf3: {  	s19 =	sand.u32 $0x40, s20;
	s18 =	sadd.s32 s21, s18;
	v40 =	vmax.f32 v16, v37  }
0xf4: {  	v41 =	vmax.f32 v14, v38;
	v42 =	vmax.f32 v8, v39;
	v8 =	vmin.f32 v21, v37;
	s18 =	sadd.s32 s19, s18  }
0xf5: {  	v14 =	vmin.f32 v30, v38;
	v16 =	vmin.f32 v34, v39;
	v4 =	vmax.f32 v4, v29;
	v55 =	vld [tilespmem:s18+$0x30]  }
0xf6: {  	v56 =	vmax.f32 v15, v8;
	v57 =	vmax.f32 v11, v14;
	v58 =	vmax.f32 v7, v16;
	v7 =	vld [tilespmem:s18+$0x0]  }
0xf7: {  	v8 =	vmin.f32 v22, v8;
	v11 =	vmin.f32 v31, v14;
	v14 =	vmin.f32 v35, v16;
	v15 =	vld [tilespmem:s18+$0x10]  }
0xf8: {  	v59 =	vmax.f32 v13, v8;
	v61 =	vmax.f32 v6, v14;
	v6 =	vmin.f32 v32, v8;
	v8 =	vld [tilespmem:s18+$0x20]  }
0xf9: {  	v3 =	vmax.f32 v3, v27;
	v2 =	vmax.f32 v2, v25;
	v1 =	vmax.f32 v1, v26  }
0xfa: {  	v60 =	vmax.f32 v10, v11;
	v10 =	vmin.f32 v33, v11;
	v11 =	vmin.f32 v36, v14  }
0xfb: {  	v12 =	vmax.f32 v12, v6;
	v9 =	vmax.f32 v9, v10;
	v5 =	vmax.f32 v5, v11  }
0xfc: {  	v29 =	vmin.f32 v4, v55;
	v22 =	vmax.f32 v28, v7;
	v21 =	vmax.f32 v23, v15  }
0xfd: {  	v6 =	vmin.f32 v20, v7;
	v20 =	vmax.f32 v24, v8;
	v10 =	vmin.f32 v23, v15  }
0xfe: {  	v11 =	vmin.f32 v24, v8;
	v4 =	vmax.f32 v4, v55;
	v27 =	vmin.f32 v3, v29  }
0xff: {  	v16 =	vmax.f32 v40, v6;
	v14 =	vmax.f32 v41, v10;
	v8 =	vmax.f32 v42, v11  }
0x100: {  	v6 =	vmin.f32 v40, v6;
	v10 =	vmin.f32 v41, v10;
	v13 =	vmin.f32 v42, v11  }
0x101: {  	s17 =	sadd.s32 $0x1, s17;
	v3 =	vmax.f32 v3, v29;
	v25 =	vmin.f32 v2, v27;
	v15 =	vmax.f32 v56, v6  }
0x102: {  	p0 =	sne.s32 s17, s15;
	v11 =	vmax.f32 v57, v10;
	v23 =	vmin.f32 v56, v6;
	v62 =	vmin.f32 v57, v10  }
.Ltmp7:
0x103: {  	v63 =	vmin.f32 v58, v13;
	v2 =	vmax.f32 v2, v27;
	v7 =	vmin.f32 v1, v25;
	(pc) =	sbr.rel @p0 .LBB2_7-.Ltmp7, $4  }
0x104: {  	v10 =	vmax.f32 v60, v62;
	v6 =	vmax.f32 v61, v63;
	v24 =	vmin.f32 v60, v62  }
0x105: {  	v26 =	vmin.f32 v61, v63;
	v1 =	vmax.f32 v1, v25;
	v17 =	vmax.f32 v17, v7  }
0x106: {  	v7 =	vmax.f32 v58, v13;
	v13 =	vmax.f32 v59, v23;
	v23 =	vmin.f32 v59, v23  }
0x107: {  	v9 =	vmax.f32 v9, v24;
	v5 =	vmax.f32 v5, v26;
	v12 =	vmax.f32 v12, v23  }
.LBB2_10:
0x108: {  	_ =	swait.ge [sflag:s11], $0x4000  }
0x109: {  	[sflag:s11] =	ssyncset.done $0x0  }
0x10a: {  	s17 =	simm.s32 $0x4100;
	[sflag:s11] =	ssyncadd.s32 $0xFFFFC000  }
0x10b: {  	v23 =	vld [tilespmem:s17+$0x70]  }
0x10c: {  	v29 =	vld [tilespmem:s17+$0xFFFFFF00]  }
0x10d: {  	v31 =	vld [tilespmem:s17+$0xFFFFFF10]  }
0x10e: {  	v32 =	vld [tilespmem:s17+$0xFFFFFF20]  }
0x10f: {  	v33 =	vld [tilespmem:s17+$0xFFFFFF30]  }
0x110: {  	v34 =	vld [tilespmem:s17+$0xFFFFFF40]  }
0x111: {  	v36 =	vld [tilespmem:s17+$0xFFFFFF50]  }
0x112: {  	v35 =	vld [tilespmem:s17+$0xFFFFFF60]  }
0x113: {  	v28 =	vld [tilespmem:s17+$0x10]  }
0x114: {  	v27 =	vld [tilespmem:s17+$0x20]  }
0x115: {  	v30 =	vld [tilespmem:s17+$0x30]  }
0x116: {  	v37 =	vld [tilespmem:s17+$0x50]  }
0x117: {  	v38 =	vld [tilespmem:s17+$0x60]  }
0x118: {  	v39 =	vld [tilespmem:s17+$0x40]  }
0x119: {  	v40 =	vld [tilespmem:s17+$0x0]  }
0x11a: {  	v41 =	vld [tilespmem:s17+$0xFFFFFF70]  }
0x11b: {  	v42 =	vld [tilespmem:s17+$0xF0]  }
0x11c: {  	v43 =	vld [tilespmem:s17+$0xFFFFFF80]  }
0x11d: {  	v44 =	vld [tilespmem:s17+$0xFFFFFF90]  }
0x11e: {  	v24 =	vld [tilespmem:s17+$0xFFFFFFA0]  }
0x11f: {  	v25 =	vld [tilespmem:s17+$0xFFFFFFD0]  }
0x120: {  	v45 =	vld [tilespmem:s17+$0xFFFFFFE0]  }
0x121: {  	v46 =	vld [tilespmem:s17+$0xFFFFFFF0]  }
0x122: {  	v26 =	vld [tilespmem:s17+$0xB0]  }
0x123: {  	v47 =	vld [tilespmem:s17+$0xE0]  }
0x124: {  	v30 =	vmax.f32 v27, v30;
	v27 =	vld [tilespmem:s17+$0x90]  }
0x125: {  	v62 =	vmax.f32 v40, v28;
	v28 =	vld [tilespmem:s17+$0xD0]  }
0x126: {  	v23 =	vmax.f32 v38, v23;
	v37 =	vmax.f32 v39, v37;
	v63 =	vmax.f32 v35, v41;
	v35 =	vld [tilespmem:s17+$0xFFFFFFB0]  }
0x127: {  	v34 =	vmax.f32 v34, v36;
	v33 =	vmax.f32 v32, v33;
	v38 =	vmax.f32 v62, v30;
	v30 =	vld [tilespmem:s17+$0xFFFFFFC0]  }
0x128: {  	v31 =	vmax.f32 v29, v31;
	v32 =	vld [tilespmem:s17+$0xC0];
	v29 =	vmax.f32 v43, v44;
	v23 =	vmax.f32 v37, v23  }
0x129: {  	v36 =	vld [tilespmem:s17+$0xA0];
	v37 =	vmax.f32 v34, v63;
	v31 =	vmax.f32 v31, v33;
	v34 =	vmax.f32 v45, v46  }
0x12a: {  	s15 =	simm.s32 $0x0;
	s16 =	simm.s32 $0x40;
	v33 =	vmax.f32 v47, v42;
	v23 =	vmax.f32 v38, v23;
	v31 =	vmax.f32 v31, v37;
	v37 =	vld [tilespmem:s17+$0x80];
	s17 =	simm.s32 $0x4300  }
.LBB2_11:
0x12b: {  	v38 =	vld [tilespmem:s17+$0x70];
	p0 =	sne.s32 s16, $0x7C0;
	s18 =	smov.u32 s16;
	s16 =	sadd.s32 $0x40, s16  }
0x12c: {  	v25 =	vmax.f32 v30, v25;
	v39 =	vld [tilespmem:s17+$0xFFFFFF00];
	v24 =	vmax.f32 v24, v35  }
0x12d: {  	v25 =	vmax.f32 v25, v34;
	v35 =	vld [tilespmem:s17+$0xFFFFFF10];
	v24 =	vmax.f32 v29, v24  }
0x12e: {  	v28 =	vmax.f32 v32, v28;
	v30 =	vld [tilespmem:s17+$0xFFFFFF20];
	v26 =	vmax.f32 v36, v26;
	v24 =	vmax.f32 v24, v25  }
0x12f: {  	v32 =	vld [tilespmem:s17+$0xFFFFFF30];
	v25 =	vmax.f32 v37, v27;
	v27 =	vmax.f32 v28, v33;
	v24 =	vmax.f32 v31, v24  }
0x130: {  	v28 =	vld [tilespmem:s17+$0xFFFFFF40];
	v25 =	vmax.f32 v25, v26  }
0x131: {  	v31 =	vld [tilespmem:s17+$0xFFFFFF50];
	v25 =	vmax.f32 v25, v27  }
0x132: {  	v26 =	vld [tilespmem:s17+$0xFFFFFF60];
	v23 =	vmax.f32 v23, v25  }
0x133: {  	s19 =	sshra.s32 s15, $0x2;
	s15 =	smov.u32 s18;
	v25 =	vld [tilespmem:s17+$0x10];
	v23 =	vmax.f32 v24, v23  }
0x134: {  	v24 =	vld [tilespmem:s17+$0x20];
	[tilespmem:s19+$0x8000] =	vst v23;
	v19 =	vmax.f32 v19, v23  }
0x135: {  	v23 =	vld [tilespmem:s17+$0x30]  }
0x136: {  	v27 =	vld [tilespmem:s17+$0x50]  }
0x137: {  	v29 =	vld [tilespmem:s17+$0x60]  }
0x138: {  	v33 =	vld [tilespmem:s17+$0x40]  }
0x139: {  	v34 =	vld [tilespmem:s17+$0x0]  }
0x13a: {  	v36 =	vld [tilespmem:s17+$0xFFFFFF70];
	v23 =	vmax.f32 v24, v23  }
0x13b: {  	v37 =	vld [tilespmem:s17+$0xF0]  }
0x13c: {  	v40 =	vld [tilespmem:s17+$0xFFFFFF80];
	v29 =	vmax.f32 v29, v38  }
0x13d: {  	v38 =	vld [tilespmem:s17+$0xFFFFFF90];
	v27 =	vmax.f32 v33, v27  }
0x13e: {  	v24 =	vld [tilespmem:s17+$0xFFFFFFA0];
	v33 =	vmax.f32 v34, v25  }
0x13f: {  	v27 =	vmax.f32 v27, v29;
	v25 =	vld [tilespmem:s17+$0xFFFFFFD0];
	v23 =	vmax.f32 v33, v23  }
0x140: {  	v33 =	vld [tilespmem:s17+$0xFFFFFFE0];
	v23 =	vmax.f32 v23, v27  }
0x141: {  	v36 =	vmax.f32 v26, v36;
	v34 =	vld [tilespmem:s17+$0xFFFFFFF0]  }
0x142: {  	v26 =	vld [tilespmem:s17+$0xB0];
	v29 =	vmax.f32 v40, v38  }
0x143: {  	v28 =	vmax.f32 v28, v31;
	v38 =	vld [tilespmem:s17+$0xE0]  }
0x144: {  	v31 =	vmax.f32 v28, v36;
	v27 =	vld [tilespmem:s17+$0x90]  }
0x145: {  	v32 =	vmax.f32 v30, v32;
	v28 =	vld [tilespmem:s17+$0xD0]  }
.Ltmp8:
0x146: {  	v36 =	vmax.f32 v39, v35;
	v30 =	vld [tilespmem:s17+$0xFFFFFFC0];
	v34 =	vmax.f32 v33, v34;
	(pc) =	sbr.rel @p0 .LBB2_11-.Ltmp8, $4  }
0x147: {  	v36 =	vmax.f32 v36, v32;
	v35 =	vld [tilespmem:s17+$0xFFFFFFB0]  }
0x148: {  	v31 =	vmax.f32 v36, v31;
	v32 =	vld [tilespmem:s17+$0xC0];
	v33 =	vmax.f32 v38, v37  }
0x149: {  	v36 =	vld [tilespmem:s17+$0xA0]  }
0x14a: {  	v37 =	vld [tilespmem:s17+$0x80];
	s17 =	sadd.s32 $0x200, s17  }
0x14b: {  	_ =	sdelay $0x1  }
0x14c: {  	v25 =	vmax.f32 v30, v25  }
0x14d: {  	v24 =	vmax.f32 v24, v35;
	v25 =	vmax.f32 v25, v34  }
0x14e: {  	v28 =	vmax.f32 v32, v28;
	v26 =	vmax.f32 v36, v26;
	v27 =	vmax.f32 v37, v27  }
0x14f: {  	v24 =	vmax.f32 v29, v24;
	v28 =	vmax.f32 v28, v33;
	v26 =	vmax.f32 v27, v26  }
0x150: {  	v24 =	vmax.f32 v24, v25;
	v63 =	vmax.f32 v26, v28  }
0x151: {  	v24 =	vmax.f32 v31, v24;
	v23 =	vmax.f32 v23, v63  }
0x152: {  	v23 =	vmax.f32 v24, v23  }
0x153: {  	v19 =	vmax.f32 v19, v23  }
0x154: {  	v18 =	vmax.f32 v18, v19  }
0x155: {  	(xrf1) =	vsort.ascd.msk.f32 $0xffff, v18, v18;
	_ =	sdelay $0xd  }
0x156: {  	v18, _, _ =	vpop (xrf1)  }
0x157: {  	v18 =	vsel vm0, $0xFF800000, v18  }
0x158: {  	(xrf0) =	vmax.scan.msk.f32 $0xffff, v18;
	_ =	sdelay $0x5  }
0x159: {  	v18, _, _ =	vpop (xrf0)  }
0x15a: {  	v18 =	vbroadcast v18, $0xF;
	_ =	sdelay $0x1  }
0x15b: {  	vm1 =	vge.f32 v19, v18  }
0x15c: {  	v19 =	vsel vm1, $0x3F800000, v0  }
0x15d: {  	(xrf0) =	vmax.scan.msk.f32 $0xffff, v19;
	_ =	sdelay $0x5  }
0x15e: {  	v19, _, _ =	vpop (xrf0)  }
0x15f: {  	(v2sf) =	vpush v19, $0xF;
	_ =	sdelay $0xe  }
0x160: {  	s16 =	spop (v2sf)  }
0x161: {  	p0 =	sgt.f32 s16, $0.0e+00  }
.Ltmp9:
0x162: {  	_ = 	snop;
	(pc) =	sbr.rel @!p0 .LBB2_19-.Ltmp9, $3  }
0x163: {  	_ =	sdelay $0x1  }
0x164: {  	s15 =	sshra.s32 s15, $0x2  }
0x165: {  	[tilespmem:s15+$0x8000] =	vst v23  }
0x166: {  	s15 =	simm.s32 $0x8000  }
0x167: {  	v19 =	vld [tilespmem:s15+$0x0];
	_ =	sdelay $0x4  }
0x168: {  	vm1 =	vge.f32 v19, v18  }
0x169: {  	v19 =	vsel vm1, $0x3F800000, v0  }
0x16a: {  	(xrf0) =	vmax.scan.msk.f32 $0xffff, v19;
	_ =	sdelay $0x4  }
0x16b: {  	s28 =	simm.s32 $0x8010  }
0x16c: {  	s29 =	simm.s32 $0x8020;
	v23 =	vld [tilespmem:s28+$0x0];
	v19, _, _ =	vpop (xrf0)  }
0x16d: {  	(v2sf) =	vpush v19, $0xF;
	v19 =	vld [tilespmem:s29+$0x0];
	_ =	sdelay $0x3  }
0x16e: {  	vm1 =	vge.f32 v23, v18  }
0x16f: {  	v23 =	vsel vm1, $0x3F800000, v0;
	vm1 =	vge.f32 v19, v18  }
0x170: {  	(xrf0) =	vmax.scan.msk.f32 $0xffff, v23;
	v19 =	vsel vm1, $0x3F800000, v0  }
0x171: {  	(xrf0) =	vmax.scan.msk.f32 $0xffff, v19;
	_ =	sdelay $0x2  }
0x172: {  	s30 =	simm.s32 $0x8030  }
0x173: {  	v23 =	vld [tilespmem:s30+$0x0]  }
0x174: {  	v24, _, _ =	vpop (xrf0)  }
0x175: {  	(v2sf) =	vpush v24, $0xF;
	v63, _, _ =	vpop (xrf0)  }
0x176: {  	(v2sf) =	vpush v63, $0xF  }
0x177: {  	s31 =	simm.s32 $0x8040  }
0x178: {  	vm1 =	vge.f32 v23, v18;
	v19 =	vld [tilespmem:s31+$0x0]  }
0x179: {  	v23 =	vsel vm1, $0x3F800000, v0  }
0x17a: {  	(xrf0) =	vmax.scan.msk.f32 $0xffff, v23  }
0x17b: {  	s19 =	simm.s32 $0x0;
	s17 =	simm.s32 $0x1;
	s18 =	simm.s32 $0x3  }
0x17c: {  	s16 =	simm.s32 $0x4;
	s20 =	simm.s32 $0x5;
	s21 =	simm.s32 $0x8050  }
0x17d: {  	s15 =	simm.s32 $0x2;
	[smem:s19] =	sst s19;
	vm1 =	vge.f32 v19, v18;
	s22 =	spop (v2sf)  }
.LBB2_14:
0x17e: {  	p0 =	sne.s32 s20, $0x1F;
	p1 =	sgt.f32 s22, $0.0e+00  }
0x17f: {  	v19 =	vld [tilespmem:s21+$0x0];
	v24 =	vsel vm1, $0x3F800000, v0;
	s23 =	smov.u32 s16;
	s16 =	smov.u32 s20;
	s20 =	sadd.s32 $0x1, s20  }
.Ltmp10:
0x180: {  	s22 =	simm.s32 $0x1;
	(xrf0) =	vmax.scan.msk.f32 $0xffff, v24;
	v23, _, _ =	vpop (xrf0);
	(pc) =	sbr.rel @p0 .LBB2_14-.Ltmp10, $4  }
0x181: {  	(v2sf) =	vpush v23, $0xF;
	s22 =	simm.s32 @!p1 $0x0  }
0x182: {  	s19 =	sadd.s32 s22, s19  }
0x183: {  	[smem:s19] =	sst s17;
	s17 =	smov.u32 s15;
	s15 =	smov.u32 s18  }
0x184: {  	s21 =	sadd.s32 $0x10, s21;
	s18 =	smov.u32 s23;
	vm1 =	vge.f32 v19, v18;
	s22 =	spop (v2sf)  }
0x185: {  	_ = 	snop  }
0x186: {  	v18 =	vsel vm1, $0x3F800000, v0  }
0x187: {  	(xrf0) =	vmax.scan.msk.f32 $0xffff, v18;
	_ =	sdelay $0x4  }
0x188: {  	v18, _, _ =	vpop (xrf0)  }
0x189: {  	(v2sf) =	vpush v18, $0xF;
	v18, _, _ =	vpop (xrf0)  }
0x18a: {  	(v2sf) =	vpush v18, $0xF;
	_ =	sdelay $0xa  }
0x18b: {  	s20 =	spop (v2sf);
	p0 =	sgt.f32 s22, $0.0e+00;
	s21 =	simm.s32 $0x1  }
0x18c: {  	s22 =	simm.s32 $0x1;
	s23 =	simm.s32 $0x1;
	p1 =	sgt.f32 s20, $0.0e+00  }
0x18d: {  	s20 =	simm.s32 $0x1;
	s21 =	simm.s32 @!p0 $0x0;
	s26 =	spop (v2sf)  }
0x18e: {  	s19 =	sadd.s32 s21, s19;
	p0 =	sgt.f32 s26, $0.0e+00;
	s28 =	spop (v2sf)  }
0x18f: {  	s20 =	simm.s32 @!p1 $0x0;
	p1 =	sgt.f32 s28, $0.0e+00;
	s29 =	spop (v2sf)  }
0x190: {  	s20 =	sadd.s32 s20, s19;
	s22 =	simm.s32 @!p0 $0x0;
	p0 =	sgt.f32 s29, $0.0e+00  }
0x191: {  	s30 =	sadd.s32 s22, s20;
	s22 =	simm.s32 $0x1;
	s23 =	simm.s32 @!p1 $0x0  }
0x192: {  	[smem:s19] =	sst s17;
	s31 =	sadd.s32 s23, s30;
	s22 =	simm.s32 @!p0 $0x0  }
0x193: {  	[smem:s20] =	sst s15;
	s15 =	sadd.s32 s22, s31  }
0x194: {  	p0 =	slt.s32 s15, $0x1  }
.Ltmp11:
0x195: {  	_ = 	snop;
	(pc) =	sbr.rel @p0 .LBB2_19-.Ltmp11, $3  }
0x196: {  	_ =	sdelay $0x1  }
0x197: {  	[smem:s30] =	sst s18  }
0x198: {  	s17 =	simm.s32 $0x0;
	[smem:s31] =	sst s16;
	s16 =	simm.s32 $0x0  }
.LBB2_16:
0x199: {  	s18 =	sld [smem:s17+$0x0];
	_ =	sdelay $0x2  }
0x19a: {  	s18 =	sshll.u32 s18, $0xB  }
0x19b: {  	s18 =	sshra.s32 s18, $0x2  }
0x19c: {  	s19 =	sand.u32 $0x180, s16;
	s18 =	sadd.s32 $0x4000, s18  }
0x19d: {  	s20 =	sand.u32 $0x40, s16;
	s19 =	sadd.s32 s19, s18  }
0x19e: {  	s19 =	sadd.s32 s20, s19  }
0x19f: {  	v27 =	vld [tilespmem:s19+$0x30];
	_ =	sdelay $0x2  }
0x1a0: {  	v19 =	vld [tilespmem:s19+$0x0]  }
0x1a1: {  	v28 =	vld [tilespmem:s19+$0x10]  }
0x1a2: {  	v29 =	vld [tilespmem:s19+$0x20];
	v25 =	vmin.f32 v4, v27  }
0x1a3: {  	v23 =	vmin.f32 v3, v25  }
0x1a4: {  	v24 =	vmin.f32 v2, v23  }
0x1a5: {  	v32 =	vmovc v8;
	v26 =	vmax.f32 v22, v19;
	v35 =	vmin.f32 v22, v19;
	v22 =	vmin.f32 v1, v24  }
0x1a6: {  	v33 =	vmovc v7;
	v30 =	vmovc v13;
	v31 =	vmov v10;
	v34 =	vmov v6;
	v18 =	vmax.f32 v21, v28  }
0x1a7: {  	s20 =	simm.s32 $0x40;
	v19 =	vmax.f32 v20, v29;
	v36 =	vmin.f32 v21, v28;
	v37 =	vmin.f32 v20, v29;
	v21 =	vmovc v16  }
0x1a8: {  	s21 =	sand.u32 $0x180, s20;
	s19 =	simm.s32 $0x80;
	v28 =	vmovc v14;
	v29 =	vmovc v11;
	v20 =	vmov v26;
	v17 =	vmax.f32 v17, v22;
	v22 =	vmov v15  }
.LBB2_17:
0x1a9: {  	p0 =	sne.s32 s19, $0x1C0;
	v16 =	vmax.f32 v16, v35  }
0x1aa: {  	s22 =	sand.u32 $0x40, s20;
	s21 =	sadd.s32 s21, s18;
	v14 =	vmax.f32 v14, v36;
	v8 =	vmax.f32 v8, v37;
	v38 =	vmovc v18;
	v39 =	vmov v19;
	s20 =	smov.u32 s19  }
0x1ab: {  	v35 =	vmin.f32 v21, v35;
	v36 =	vmin.f32 v28, v36;
	v41 =	vmin.f32 v32, v37;
	s21 =	sadd.s32 s22, s21;
	v21 =	vmovc v16  }
0x1ac: {  	v15 =	vmax.f32 v15, v35;
	v11 =	vmax.f32 v11, v36;
	v7 =	vmax.f32 v7, v41;
	v28 =	vmovc v14;
	v37 =	vld [tilespmem:s21+$0x30]  }
0x1ad: {  	v35 =	vmin.f32 v22, v35;
	v42 =	vmin.f32 v29, v36;
	v33 =	vmin.f32 v33, v41;
	v32 =	vmovc v8;
	v40 =	vld [tilespmem:s21+$0x0]  }
0x1ae: {  	v13 =	vmax.f32 v13, v35;
	v10 =	vmax.f32 v10, v42;
	v6 =	vmax.f32 v6, v33;
	v22 =	vmovc v15;
	v36 =	vld [tilespmem:s21+$0x10]  }
0x1af: {  	v30 =	vmin.f32 v30, v35;
	v31 =	vmin.f32 v31, v42;
	v34 =	vmin.f32 v34, v33;
	v29 =	vmovc v11;
	v41 =	vld [tilespmem:s21+$0x20]  }
0x1b0: {  	v4 =	vmax.f32 v4, v27;
	v12 =	vmax.f32 v12, v30;
	v9 =	vmax.f32 v9, v31;
	v33 =	vmovc v7  }
.Ltmp12:
0x1b1: {  	v3 =	vmax.f32 v3, v25;
	v5 =	vmax.f32 v5, v34;
	v25 =	vmin.f32 v4, v37;
	v27 =	vmovc v37;
	(pc) =	sbr.rel @p0 .LBB2_17-.Ltmp12, $4  }
0x1b2: {  	v2 =	vmax.f32 v2, v23;
	v30 =	vmovc v13;
	v26 =	vmax.f32 v26, v40;
	v23 =	vmin.f32 v3, v25  }
0x1b3: {  	v1 =	vmax.f32 v1, v24;
	v31 =	vmovc v10;
	v18 =	vmax.f32 v18, v36;
	v24 =	vmin.f32 v2, v23  }
0x1b4: {  	v34 =	vmovc v6;
	v35 =	vmin.f32 v20, v40;
	v19 =	vmax.f32 v19, v41;
	v40 =	vmin.f32 v1, v24  }
0x1b5: {  	s19 =	sadd.s32 $0x40, s19;
	s21 =	sand.u32 $0x180, s20;
	v36 =	vmin.f32 v38, v36;
	v20 =	vmovc v26;
	v37 =	vmin.f32 v39, v41;
	v17 =	vmax.f32 v17, v40  }
0x1b6: {  	s19 =	sand.u32 $0x40, s20;
	s18 =	sadd.s32 s21, s18;
	v38 =	vmax.f32 v16, v35  }
0x1b7: {  	v39 =	vmax.f32 v14, v36;
	v40 =	vmax.f32 v8, v37;
	v8 =	vmin.f32 v21, v35;
	s18 =	sadd.s32 s19, s18  }
0x1b8: {  	v14 =	vmin.f32 v28, v36;
	v16 =	vmin.f32 v32, v37;
	v4 =	vmax.f32 v4, v27;
	v56 =	vld [tilespmem:s18+$0x30]  }
0x1b9: {  	v57 =	vmax.f32 v15, v8;
	v58 =	vmax.f32 v11, v14;
	v59 =	vmax.f32 v7, v16;
	v7 =	vld [tilespmem:s18+$0x0]  }
0x1ba: {  	v8 =	vmin.f32 v22, v8;
	v11 =	vmin.f32 v29, v14;
	v14 =	vmin.f32 v33, v16;
	v15 =	vld [tilespmem:s18+$0x10]  }
0x1bb: {  	v60 =	vmax.f32 v13, v8;
	v62 =	vmax.f32 v6, v14;
	v6 =	vmin.f32 v30, v8;
	v8 =	vld [tilespmem:s18+$0x20]  }
0x1bc: {  	v3 =	vmax.f32 v3, v25;
	v2 =	vmax.f32 v2, v23;
	v1 =	vmax.f32 v1, v24  }
0x1bd: {  	v61 =	vmax.f32 v10, v11;
	v10 =	vmin.f32 v31, v11;
	v11 =	vmin.f32 v34, v14  }
0x1be: {  	v12 =	vmax.f32 v12, v6;
	v9 =	vmax.f32 v9, v10;
	v5 =	vmax.f32 v5, v11  }
0x1bf: {  	v27 =	vmin.f32 v4, v56;
	v22 =	vmax.f32 v26, v7;
	v21 =	vmax.f32 v18, v15  }
0x1c0: {  	v6 =	vmin.f32 v20, v7;
	v20 =	vmax.f32 v19, v8;
	v10 =	vmin.f32 v18, v15  }
0x1c1: {  	v11 =	vmin.f32 v19, v8;
	v4 =	vmax.f32 v4, v56;
	v25 =	vmin.f32 v3, v27  }
0x1c2: {  	v16 =	vmax.f32 v38, v6;
	v14 =	vmax.f32 v39, v10;
	v8 =	vmax.f32 v40, v11  }
0x1c3: {  	v6 =	vmin.f32 v38, v6;
	v10 =	vmin.f32 v39, v10;
	v13 =	vmin.f32 v40, v11  }
0x1c4: {  	s17 =	sadd.s32 $0x1, s17;
	v3 =	vmax.f32 v3, v27;
	v23 =	vmin.f32 v2, v25;
	v15 =	vmax.f32 v57, v6  }
0x1c5: {  	p0 =	sne.s32 s17, s15;
	v11 =	vmax.f32 v58, v10;
	v18 =	vmin.f32 v57, v6;
	v19 =	vmin.f32 v58, v10  }
.Ltmp13:
0x1c6: {  	v63 =	vmin.f32 v59, v13;
	v2 =	vmax.f32 v2, v25;
	v7 =	vmin.f32 v1, v23;
	(pc) =	sbr.rel @p0 .LBB2_16-.Ltmp13, $4  }
.Ltmp14:
0x1c7: {  	v10 =	vmax.f32 v61, v19;
	v6 =	vmax.f32 v62, v63;
	v19 =	vmin.f32 v61, v19;
	(pc) =	sbr.rel @!p0 .LBB2_19-.Ltmp14, $4  }
0x1c8: {  	v24 =	vmin.f32 v62, v63;
	v1 =	vmax.f32 v1, v23;
	v17 =	vmax.f32 v17, v7  }
0x1c9: {  	v7 =	vmax.f32 v59, v13;
	v13 =	vmax.f32 v60, v18;
	v18 =	vmin.f32 v60, v18  }
0x1ca: {  	v9 =	vmax.f32 v9, v19;
	v5 =	vmax.f32 v5, v24;
	v12 =	vmax.f32 v12, v18  }
0x1cb: {  	_ = 	snop  }
.LBB2_20:
0x1cc: {  	_ =	sfence.sel $0x180000  }
0x1cd: {  	[bflag:$0x0] =	sbarrier.arrive $0xFFFF  }
0x1ce: {  	p0 =	sne.s32 s1, $0x0;
	_ =	strace $0x90000047  }
0x1cf: {  	s0 =	sadd.s32 @!p0 $0x100000, s0;
	[bflag:$0x2] =	sbarrier.arrive $0xFFFF  }
0x1d0: {  	[sflag:s0] =	ssyncadd.tile.s32 @!p0 $0x1;
	_ =	shalt  }
.Lfunc_end2:
_tile_overlayer_lowered:
.L_overlay_start_2:
0x1d1: {  	(tag) =	ssettag $0x2  }
0x1d2: {  	s0 =	rddreg [dreg:$0x0];
	s2 =	stileid.u32  }
0x1d3: {  	s1 =	rddreg [dreg:$0x1];
	p0 =	sne.s32 s2, $0x0  }
0x1d4: {  	s3 =	rddreg [dreg:$0x2];
	[bflag:$0x3] =	sbarrier.arrive $0xFFFF;
	s2 =	simm.s32 @!p0 $0x1C03  }
0x1d5: {  	[timem:s3], [sflag:s2] =	dma.local @!p0 [hbm:s0], s1  }
0x1d6: {  	s0 =	simm.s32 @!p0 $0x3  }
0x1d7: {  	_ =	swait.ge @!p0 [sflag:s0], s1  }
0x1d8: {  	s1 =	ssub.s32 @!p0 $0x0, s1;
	[sflag:s0] =	ssyncset.done @!p0 $0x0  }
0x1d9: {  	[sflag:s0] =	ssyncadd.s32 @!p0 s1  }
0x1da: {  	[bflag:$0x3] =	sbarrier.arrive $0xFFFF  }
0x1db: {  	_ =	shalt  }

</sc_bundles>
